<compile_context>
chip_gen: v7x
topology: tpu7x:2x2x1
jax: 0.10.2.dev20260603
libtpu: 0.0.44.dev20260713+nightly
codegen_flags: <defaults>
</compile_context>

<pallas_src>
import jax
import jax.numpy as jnp
from jax import lax
from jax.experimental import pallas as pl
from jax.experimental.pallas import tpu as pltpu
from jax.experimental.pallas import tpu_sc as plsc

VOCAB = 100000
EMBED_DIM = 64
MAX_SEQ_LEN = 512
BATCH = 1024
SEQ_LEN = 200
LN_EPS = 1e-5

NUM_CORES = 2
NUM_SUBCORES = 16
LANES = 16
NUM_WORKERS = NUM_CORES * NUM_SUBCORES
ROWS_PER_WORKER = BATCH // NUM_WORKERS
VPR = EMBED_DIM // LANES
SPLIT = 104

_GATHER_DNUMS = lax.GatherDimensionNumbers(
    offset_dims=(), collapsed_slice_dims=(0,), start_index_map=(0,))


def _lane_permute(v, p):
    return lax.gather(v, p[:, None], _GATHER_DNUMS, slice_sizes=(1,),
                      mode=lax.GatherScatterMode.PROMISE_IN_BOUNDS)


def _splat_sum(v, perms):
    for p in perms:
        v = v + _lane_permute(v, p)
    return v


def _ln_body(ids_hbm, token_table, pos_hbm, gamma_hbm, beta_hbm, out_hbm,
             idx_bufs, rows_bufs, out_bufs, pos_slab, gamma_v, beta_v,
             gsems, osems, isems):
    wid = lax.axis_index("s") * NUM_CORES + lax.axis_index("c")
    base = wid * ROWS_PER_WORKER

    pltpu.sync_copy(pos_hbm.at[pl.ds(0, SEQ_LEN)], pos_slab)
    pltpu.sync_copy(gamma_hbm, gamma_v)
    pltpu.sync_copy(beta_hbm, beta_v)

    iota = lax.iota(jnp.int32, LANES)
    perms = [iota ^ (1 << k) for k in range(4)]

    gammas = [gamma_v[pl.ds(k * LANES, LANES)] for k in range(VPR)]
    betas = [beta_v[pl.ds(k * LANES, LANES)] for k in range(VPR)]
    inv_d = jnp.float32(1.0 / EMBED_DIM)

    GRP = 4

    def normalize_row(rows_buf, out_buf):
        def grp_body(g, carry):
            r0 = g * GRP
            es = [[rows_buf[r0 + j, pl.ds(k * LANES, LANES)] +
                   pos_slab[r0 + j, pl.ds(k * LANES, LANES)]
                   for k in range(VPR)] for j in range(GRP)]
            ts = [(e[0] + e[1]) + (e[2] + e[3]) for e in es]
            us = [(e[0] * e[0] + e[1] * e[1]) + (e[2] * e[2] + e[3] * e[3])
                  for e in es]
            for p in perms:
                ts = [t + _lane_permute(t, p) for t in ts]
                us = [u + _lane_permute(u, p) for u in us]
            means = [t * inv_d for t in ts]
            vrs = [u * inv_d - m * m + jnp.float32(LN_EPS)
                   for u, m in zip(us, means)]
            ys = [lax.bitcast_convert_type(
                      jnp.int32(0x5F3759DF)
                      - (lax.bitcast_convert_type(v, jnp.int32) >> 1),
                      jnp.float32) for v in vrs]
            hs = [v * jnp.float32(0.5) for v in vrs]
            yys = [y * y for y in ys]
            ys = [y * (jnp.float32(1.5) - h * yy)
                  for y, h, yy in zip(ys, hs, yys)]
            sms = [m * y for m, y in zip(means, ys)]
            for k in range(VPR):
                for j in range(GRP):
                    out_buf[r0 + j, pl.ds(k * LANES, LANES)] = (
                        (es[j][k] * ys[j] - sms[j]) * gammas[k] + betas[k])
            return carry

        lax.fori_loop(0, SEQ_LEN // GRP, grp_body, 0)

    def start_gather(slot):
        pltpu.async_copy(token_table.at[idx_bufs[slot].at[pl.ds(0, SPLIT)]],
                         rows_bufs[slot].at[pl.ds(0, SPLIT)], gsems[slot])
        pltpu.async_copy(
            token_table.at[idx_bufs[slot].at[pl.ds(SPLIT, SEQ_LEN - SPLIT)]],
            rows_bufs[slot].at[pl.ds(SPLIT, SEQ_LEN - SPLIT)], gsems[slot])

    def wait_gather(slot):
        pltpu.make_async_copy(
            token_table.at[idx_bufs[slot].at[pl.ds(0, SPLIT)]],
            rows_bufs[slot].at[pl.ds(0, SPLIT)], gsems[slot]).wait()
        pltpu.make_async_copy(
            token_table.at[idx_bufs[slot].at[pl.ds(SPLIT, SEQ_LEN - SPLIT)]],
            rows_bufs[slot].at[pl.ds(SPLIT, SEQ_LEN - SPLIT)],
            gsems[slot]).wait()


    for slot in range(2):
        pltpu.sync_copy(ids_hbm.at[base + slot], idx_bufs[slot])
        start_gather(slot)

    def row_step(cc, carry):
        for k in range(2):
            b = base + cc * 2 + k
            prefetch = cc < (ROWS_PER_WORKER // 2) - 1

            wait_gather(k)

            @pl.when(prefetch)
            def _():
                pltpu.async_copy(ids_hbm.at[b + 2], idx_bufs[k], isems[k])

            @pl.when(cc > 0)
            def _():
                pltpu.make_async_copy(
                    out_bufs[k],
                    out_hbm.at[b - 2, :, pl.ds(0, EMBED_DIM)],
                    osems[k]).wait()

            normalize_row(rows_bufs[k], out_bufs[k])

            pltpu.async_copy(out_bufs[k],
                             out_hbm.at[b, :, pl.ds(0, EMBED_DIM)], osems[k])

            @pl.when(prefetch)
            def _():
                pltpu.make_async_copy(ids_hbm.at[b + 2], idx_bufs[k],
                                      isems[k]).wait()
                start_gather(k)
        return carry

    lax.fori_loop(0, ROWS_PER_WORKER // 2, row_step, 0)

    for k in range(2):
        b = base + ROWS_PER_WORKER - 2 + k
        pltpu.make_async_copy(out_bufs[k],
                              out_hbm.at[b, :, pl.ds(0, EMBED_DIM)],
                              osems[k]).wait()


@jax.jit
def _hybrid_embed(token_ids, token_table, pos_table, ln_gamma, ln_beta):
    mesh = plsc.VectorSubcoreMesh(core_axis_name="c", subcore_axis_name="s",
                                  num_cores=NUM_CORES,
                                  num_subcores=NUM_SUBCORES)
    return pl.kernel(
        _ln_body,
        out_type=jax.ShapeDtypeStruct((BATCH, SEQ_LEN, 2 * EMBED_DIM),
                                      jnp.float32),
        mesh=mesh,
        scratch_types=[
            [pltpu.VMEM((SEQ_LEN,), jnp.int32) for _ in range(2)],
            [pltpu.VMEM((SEQ_LEN, EMBED_DIM), jnp.float32) for _ in range(2)],
            [pltpu.VMEM((SEQ_LEN, EMBED_DIM), jnp.float32) for _ in range(2)],
            pltpu.VMEM((SEQ_LEN, EMBED_DIM), jnp.float32),
            pltpu.VMEM((EMBED_DIM,), jnp.float32),
            pltpu.VMEM((EMBED_DIM,), jnp.float32),
            [pltpu.SemaphoreType.DMA for _ in range(2)],
            [pltpu.SemaphoreType.DMA for _ in range(2)],
            [pltpu.SemaphoreType.DMA for _ in range(2)],
        ],
        compiler_params=pltpu.CompilerParams(use_tc_tiling_on_sc=False),
    )(token_ids, token_table, pos_table, ln_gamma, ln_beta)


def kernel(token_ids, token_table, pos_table, ln_gamma, ln_beta):
    out = _hybrid_embed(token_ids.astype(jnp.int32), token_table, pos_table,
                        ln_gamma, ln_beta)
    return out[..., :EMBED_DIM]

# --- scband reference (transcript-rebuilt; emitter-appended) ---
"""Pipeline reference for scband-hybrid-embedding-5265629905256 (READ-ONLY COPY).

The authoritative reference and input builder live on the scoring server;
editing this copy changes nothing except your own understanding.
"""

import jax, jax.numpy as jnp
import numpy as np

VOCAB = 100000
EMBED_DIM = 64
MAX_SEQ_LEN = 512
BATCH = 1024
SEQ_LEN = 200
LN_EPS = 1e-5


def setup_inputs(seed: int = 0) -> dict:
    key = jax.random.key(seed)
    k_tok, k_te, k_pe = jax.random.split(key, 3)
    token_ids = jax.random.randint(k_tok, (BATCH, SEQ_LEN), 0, VOCAB, dtype=jnp.int64 if jax.config.jax_enable_x64 else jnp.int32)
    token_table = jax.random.normal(k_te, (VOCAB, EMBED_DIM), dtype=jnp.float32) * 0.02
    pos_table = jax.random.normal(k_pe, (MAX_SEQ_LEN, EMBED_DIM), dtype=jnp.float32) * 0.02
    ln_gamma = jnp.ones((EMBED_DIM,), dtype=jnp.float32)
    ln_beta = jnp.zeros((EMBED_DIM,), dtype=jnp.float32)
    return {
        "token_ids": token_ids,
        "token_table": token_table,
        "pos_table": pos_table,
        "ln_gamma": ln_gamma,
        "ln_beta": ln_beta,
    }


def reference(token_ids, token_table, pos_table, ln_gamma, ln_beta):
    # token embedding lookup (gather)
    token_embeds = jnp.take(token_table, token_ids, axis=0)  # (B, S, D)
    # position embedding lookup
    seq_len = token_ids.shape[1]
    positions = jnp.arange(seq_len)
    pos_embeds = jnp.take(pos_table, positions, axis=0)[None, :, :]  # (1, S, D)
    embeddings = token_embeds + pos_embeds
    # LayerNorm over last dim (eps=1e-5, matching torch default)
    mean = jnp.mean(embeddings, axis=-1, keepdims=True)
    var = jnp.mean(jnp.square(embeddings - mean), axis=-1, keepdims=True)
    normed = (embeddings - mean) / jnp.sqrt(var + LN_EPS)
    out = normed * ln_gamma + ln_beta
    # dropout p=0.0 / eval mode -> identity
    return out

if __name__ == "__main__":
    import jax
    _d = setup_inputs()
    print(jax.jit(kernel)(*tuple(_d.values())))

</pallas_src>

<mosaic_0001>
#map = affine_map<(d0, d1) -> (0, 0)>
#map1 = affine_map<(d0, d1) -> (0)>
#map2 = affine_map<(d0, d1) -> (0, 0, 0)>
module attributes {stable_mosaic.version = 14 : i64} {
  func.func @_ln_body(%arg0: i32, %arg1: i32, %arg2: memref<1024x200xi32, #tpu.memory_space<hbm>>, %arg3: memref<100000x64xf32, #tpu.memory_space<hbm>>, %arg4: memref<512x64xf32, #tpu.memory_space<hbm>>, %arg5: memref<64xf32, #tpu.memory_space<hbm>>, %arg6: memref<64xf32, #tpu.memory_space<hbm>>, %arg7: memref<1024x200x128xf32, #tpu.memory_space<hbm>>, %arg8: memref<200xi32, #tpu.memory_space<vmem>>, %arg9: memref<200xi32, #tpu.memory_space<vmem>>, %arg10: memref<200x64xf32, #tpu.memory_space<vmem>>, %arg11: memref<200x64xf32, #tpu.memory_space<vmem>>, %arg12: memref<200x64xf32, #tpu.memory_space<vmem>>, %arg13: memref<200x64xf32, #tpu.memory_space<vmem>>, %arg14: memref<200x64xf32, #tpu.memory_space<vmem>>, %arg15: memref<64xf32, #tpu.memory_space<vmem>>, %arg16: memref<64xf32, #tpu.memory_space<vmem>>, %arg17: memref<!tpu.dma_semaphore, #tpu.memory_space<semaphore_mem>>, %arg18: memref<!tpu.dma_semaphore, #tpu.memory_space<semaphore_mem>>, %arg19: memref<!tpu.dma_semaphore, #tpu.memory_space<semaphore_mem>>, %arg20: memref<!tpu.dma_semaphore, #tpu.memory_space<semaphore_mem>>, %arg21: memref<!tpu.dma_semaphore, #tpu.memory_space<semaphore_mem>>, %arg22: memref<!tpu.dma_semaphore, #tpu.memory_space<semaphore_mem>>) attributes {dimension_semantics = [#tpu.dimension_semantics<core_parallel>, #tpu.dimension_semantics<subcore_parallel>], iteration_bounds = array<i64: 2, 16>, scalar_prefetch = 0 : i64, scratch_operands = 15 : i64, tpu.core_type = #tpu.core_type<sc_vector_subcore>, window_params = [{transform_indices = #map}, {transform_indices = #map}, {transform_indices = #map}, {transform_indices = #map1}, {transform_indices = #map1}, {transform_indices = #map2}]} {
    %mul3A = arith.constant 2 : i32
    %mul3A_0 = arith.muli %arg1, %mul3A : i32
    %add3A = arith.addi %mul3A_0, %arg0 : i32
    %mul3A_1 = arith.constant 32 : i32
    %mul3A_2 = arith.muli %add3A, %mul3A_1 : i32
    "tpu.region"() ({
      %run_scoped3A = tpu.sem_alloc : memref<!tpu.dma_semaphore, #tpu.memory_space<semaphore_mem>>
      %dma_start3A_104 = arith.constant 0 : i32
      %dma_start3A_105 = arith.constant 0 : i32
      %dma_start3A_106 = tpu.memref_slice %arg4[%dma_start3A_104, %dma_start3A_105] : memref<512x64xf32, #tpu.memory_space<hbm>> -> memref<200x64xf32, #tpu.memory_space<hbm>>
      %dma_start3A_107 = arith.constant 0 : i32
      %dma_start3A_108 = arith.constant 0 : i32
      %dma_start3A_109 = tpu.memref_slice %arg4[%dma_start3A_107, %dma_start3A_108] : memref<512x64xf32, #tpu.memory_space<hbm>> -> memref<200x64xf32, #tpu.memory_space<hbm>>
      tpu.enqueue_dma source(%dma_start3A_109 : memref<200x64xf32, #tpu.memory_space<hbm>>) target(%arg14 : memref<200x64xf32, #tpu.memory_space<vmem>>) target_semaphore(%run_scoped3A : memref<!tpu.dma_semaphore, #tpu.memory_space<semaphore_mem>>)
      %dma_wait3A_110 = arith.constant 0 : i32
      %dma_wait3A_111 = arith.constant 0 : i32
      %dma_wait3A_112 = tpu.memref_slice %arg4[%dma_wait3A_110, %dma_wait3A_111] : memref<512x64xf32, #tpu.memory_space<hbm>> -> memref<200x64xf32, #tpu.memory_space<hbm>>
      %dma_wait3A_113 = arith.constant 0 : i32
      %dma_wait3A_114 = arith.constant 0 : i32
      %dma_wait3A_115 = tpu.memref_slice %arg4[%dma_wait3A_113, %dma_wait3A_114] : memref<512x64xf32, #tpu.memory_space<hbm>> -> memref<200x64xf32, #tpu.memory_space<hbm>>
      tpu.wait_dma2 semaphore(%run_scoped3A : memref<!tpu.dma_semaphore, #tpu.memory_space<semaphore_mem>>) src(%dma_wait3A_115 : memref<200x64xf32, #tpu.memory_space<hbm>>) dst(%arg14 : memref<200x64xf32, #tpu.memory_space<vmem>>)
      tpu.yield
    }) : () -> ()
    "tpu.region"() ({
      %run_scoped3A = tpu.sem_alloc : memref<!tpu.dma_semaphore, #tpu.memory_space<semaphore_mem>>
      tpu.enqueue_dma source(%arg5 : memref<64xf32, #tpu.memory_space<hbm>>) target(%arg15 : memref<64xf32, #tpu.memory_space<vmem>>) target_semaphore(%run_scoped3A : memref<!tpu.dma_semaphore, #tpu.memory_space<semaphore_mem>>)
      tpu.wait_dma2 semaphore(%run_scoped3A : memref<!tpu.dma_semaphore, #tpu.memory_space<semaphore_mem>>) src(%arg5 : memref<64xf32, #tpu.memory_space<hbm>>) dst(%arg15 : memref<64xf32, #tpu.memory_space<vmem>>)
      tpu.yield
    }) : () -> ()
    "tpu.region"() ({
      %run_scoped3A = tpu.sem_alloc : memref<!tpu.dma_semaphore, #tpu.memory_space<semaphore_mem>>
      tpu.enqueue_dma source(%arg6 : memref<64xf32, #tpu.memory_space<hbm>>) target(%arg16 : memref<64xf32, #tpu.memory_space<vmem>>) target_semaphore(%run_scoped3A : memref<!tpu.dma_semaphore, #tpu.memory_space<semaphore_mem>>)
      tpu.wait_dma2 semaphore(%run_scoped3A : memref<!tpu.dma_semaphore, #tpu.memory_space<semaphore_mem>>) src(%arg6 : memref<64xf32, #tpu.memory_space<hbm>>) dst(%arg16 : memref<64xf32, #tpu.memory_space<vmem>>)
      tpu.yield
    }) : () -> ()
    %iota3A = tpu.iota {dimensions = array<i32: 0>} : vector<16xi32>
    %xor3A = arith.constant 1 : i32
    %xor3A_3 = vector.broadcast %xor3A : i32 to vector<16xi32>
    %xor3A_4 = arith.xori %iota3A, %xor3A_3 : vector<16xi32>
    %xor3A_5 = arith.constant 2 : i32
    %xor3A_6 = vector.broadcast %xor3A_5 : i32 to vector<16xi32>
    %xor3A_7 = arith.xori %iota3A, %xor3A_6 : vector<16xi32>
    %xor3A_8 = arith.constant 4 : i32
    %xor3A_9 = vector.broadcast %xor3A_8 : i32 to vector<16xi32>
    %xor3A_10 = arith.xori %iota3A, %xor3A_9 : vector<16xi32>
    %xor3A_11 = arith.constant 8 : i32
    %xor3A_12 = vector.broadcast %xor3A_11 : i32 to vector<16xi32>
    %xor3A_13 = arith.xori %iota3A, %xor3A_12 : vector<16xi32>
    %get3A = arith.constant 0 : index
    %get3A_14 = tpu.vector_load %arg15[%get3A] {strides = array<i32>} : memref<64xf32, #tpu.memory_space<vmem>>, vector<16xf32>,
    %get3A_15 = vector.shape_cast %get3A_14 : vector<16xf32> to vector<16xf32>
    %get3A_16 = arith.constant 16 : index
    %get3A_17 = tpu.vector_load %arg15[%get3A_16] {strides = array<i32>} : memref<64xf32, #tpu.memory_space<vmem>>, vector<16xf32>,
    %get3A_18 = vector.shape_cast %get3A_17 : vector<16xf32> to vector<16xf32>
    %get3A_19 = arith.constant 32 : index
    %get3A_20 = tpu.vector_load %arg15[%get3A_19] {strides = array<i32>} : memref<64xf32, #tpu.memory_space<vmem>>, vector<16xf32>,
    %get3A_21 = vector.shape_cast %get3A_20 : vector<16xf32> to vector<16xf32>
    %get3A_22 = arith.constant 48 : index
    %get3A_23 = tpu.vector_load %arg15[%get3A_22] {strides = array<i32>} : memref<64xf32, #tpu.memory_space<vmem>>, vector<16xf32>,
    %get3A_24 = vector.shape_cast %get3A_23 : vector<16xf32> to vector<16xf32>
    %get3A_25 = arith.constant 0 : index
    %get3A_26 = tpu.vector_load %arg16[%get3A_25] {strides = array<i32>} : memref<64xf32, #tpu.memory_space<vmem>>, vector<16xf32>,
    %get3A_27 = vector.shape_cast %get3A_26 : vector<16xf32> to vector<16xf32>
    %get3A_28 = arith.constant 16 : index
    %get3A_29 = tpu.vector_load %arg16[%get3A_28] {strides = array<i32>} : memref<64xf32, #tpu.memory_space<vmem>>, vector<16xf32>,
    %get3A_30 = vector.shape_cast %get3A_29 : vector<16xf32> to vector<16xf32>
    %get3A_31 = arith.constant 32 : index
    %get3A_32 = tpu.vector_load %arg16[%get3A_31] {strides = array<i32>} : memref<64xf32, #tpu.memory_space<vmem>>, vector<16xf32>,
    %get3A_33 = vector.shape_cast %get3A_32 : vector<16xf32> to vector<16xf32>
    %get3A_34 = arith.constant 48 : index
    %get3A_35 = tpu.vector_load %arg16[%get3A_34] {strides = array<i32>} : memref<64xf32, #tpu.memory_space<vmem>>, vector<16xf32>,
    %get3A_36 = vector.shape_cast %get3A_35 : vector<16xf32> to vector<16xf32>
    %add3A_37 = arith.constant 0 : i32
    %add3A_38 = arith.addi %mul3A_2, %add3A_37 : i32
    "tpu.region"() ({
      %run_scoped3A = tpu.sem_alloc : memref<!tpu.dma_semaphore, #tpu.memory_space<semaphore_mem>>
      %dma_start3A_104 = arith.constant 0 : i32
      %dma_start3A_105 = tpu.memref_slice %arg2[%add3A_38, %dma_start3A_104] : memref<1024x200xi32, #tpu.memory_space<hbm>> -> memref<1x200xi32, #tpu.memory_space<hbm>>
      %dma_start3A_106 = tpu.memref_squeeze %dma_start3A_105 : memref<1x200xi32, #tpu.memory_space<hbm>> -> memref<200xi32, #tpu.memory_space<hbm>>
      %dma_start3A_107 = arith.constant 0 : i32
      %dma_start3A_108 = tpu.memref_slice %arg2[%add3A_38, %dma_start3A_107] : memref<1024x200xi32, #tpu.memory_space<hbm>> -> memref<1x200xi32, #tpu.memory_space<hbm>>
      %dma_start3A_109 = tpu.memref_squeeze %dma_start3A_108 : memref<1x200xi32, #tpu.memory_space<hbm>> -> memref<200xi32, #tpu.memory_space<hbm>>
      tpu.enqueue_dma source(%dma_start3A_109 : memref<200xi32, #tpu.memory_space<hbm>>) target(%arg8 : memref<200xi32, #tpu.memory_space<vmem>>) target_semaphore(%run_scoped3A : memref<!tpu.dma_semaphore, #tpu.memory_space<semaphore_mem>>)
      %dma_wait3A_110 = arith.constant 0 : i32
      %dma_wait3A_111 = tpu.memref_slice %arg2[%add3A_38, %dma_wait3A_110] : memref<1024x200xi32, #tpu.memory_space<hbm>> -> memref<1x200xi32, #tpu.memory_space<hbm>>
      %dma_wait3A_112 = tpu.memref_squeeze %dma_wait3A_111 : memref<1x200xi32, #tpu.memory_space<hbm>> -> memref<200xi32, #tpu.memory_space<hbm>>
      %dma_wait3A_113 = arith.constant 0 : i32
      %dma_wait3A_114 = tpu.memref_slice %arg2[%add3A_38, %dma_wait3A_113] : memref<1024x200xi32, #tpu.memory_space<hbm>> -> memref<1x200xi32, #tpu.memory_space<hbm>>
      %dma_wait3A_115 = tpu.memref_squeeze %dma_wait3A_114 : memref<1x200xi32, #tpu.memory_space<hbm>> -> memref<200xi32, #tpu.memory_space<hbm>>
      tpu.wait_dma2 semaphore(%run_scoped3A : memref<!tpu.dma_semaphore, #tpu.memory_space<semaphore_mem>>) src(%dma_wait3A_115 : memref<200xi32, #tpu.memory_space<hbm>>) dst(%arg8 : memref<200xi32, #tpu.memory_space<vmem>>)
      tpu.yield
    }) : () -> ()
    %dma_start3A = arith.constant 0 : i32
    %dma_start3A_39 = arith.constant 0 : i32
    %dma_start3A_40 = tpu.memref_slice %arg10[%dma_start3A, %dma_start3A_39] : memref<200x64xf32, #tpu.memory_space<vmem>> -> memref<104x64xf32, #tpu.memory_space<vmem>>
    %dma_start3A_41 = arith.constant 0 : i32
    %dma_start3A_42 = tpu.memref_slice %arg8[%dma_start3A_41] : memref<200xi32, #tpu.memory_space<vmem>> -> memref<104xi32, #tpu.memory_space<vmem>>
    %dma_start3A_43 = arith.constant 0 : i32
    %dma_start3A_44 = arith.constant 0 : i32
    %dma_start3A_45 = tpu.memref_slice %arg3[%dma_start3A_43, %dma_start3A_44] : memref<100000x64xf32, #tpu.memory_space<hbm>> -> memref<100000x64xf32, #tpu.memory_space<hbm>>
    tpu.enqueue_indirect_dma source(%dma_start3A_45 : memref<100000x64xf32, #tpu.memory_space<hbm>>) target(%dma_start3A_40 : memref<104x64xf32, #tpu.memory_space<vmem>>) offsets(%dma_start3A_42 : memref<104xi32, #tpu.memory_space<vmem>>) semaphore(%arg17 : memref<!tpu.dma_semaphore, #tpu.memory_space<semaphore_mem>>)
    %dma_start3A_46 = arith.constant 104 : i32
    %dma_start3A_47 = arith.constant 0 : i32
    %dma_start3A_48 = tpu.memref_slice %arg10[%dma_start3A_46, %dma_start3A_47] : memref<200x64xf32, #tpu.memory_space<vmem>> -> memref<96x64xf32, #tpu.memory_space<vmem>>
    %dma_start3A_49 = arith.constant 104 : i32
    %dma_start3A_50 = tpu.memref_slice %arg8[%dma_start3A_49] : memref<200xi32, #tpu.memory_space<vmem>> -> memref<96xi32, #tpu.memory_space<vmem>>
    %dma_start3A_51 = arith.constant 0 : i32
    %dma_start3A_52 = arith.constant 0 : i32
    %dma_start3A_53 = tpu.memref_slice %arg3[%dma_start3A_51, %dma_start3A_52] : memref<100000x64xf32, #tpu.memory_space<hbm>> -> memref<100000x64xf32, #tpu.memory_space<hbm>>
    tpu.enqueue_indirect_dma source(%dma_start3A_53 : memref<100000x64xf32, #tpu.memory_space<hbm>>) target(%dma_start3A_48 : memref<96x64xf32, #tpu.memory_space<vmem>>) offsets(%dma_start3A_50 : memref<96xi32, #tpu.memory_space<vmem>>) semaphore(%arg17 : memref<!tpu.dma_semaphore, #tpu.memory_space<semaphore_mem>>)
    %add3A_54 = arith.constant 1 : i32
    %add3A_55 = arith.addi %mul3A_2, %add3A_54 : i32
    "tpu.region"() ({
      %run_scoped3A = tpu.sem_alloc : memref<!tpu.dma_semaphore, #tpu.memory_space<semaphore_mem>>
      %dma_start3A_104 = arith.constant 0 : i32
      %dma_start3A_105 = tpu.memref_slice %arg2[%add3A_55, %dma_start3A_104] : memref<1024x200xi32, #tpu.memory_space<hbm>> -> memref<1x200xi32, #tpu.memory_space<hbm>>
      %dma_start3A_106 = tpu.memref_squeeze %dma_start3A_105 : memref<1x200xi32, #tpu.memory_space<hbm>> -> memref<200xi32, #tpu.memory_space<hbm>>
      %dma_start3A_107 = arith.constant 0 : i32
      %dma_start3A_108 = tpu.memref_slice %arg2[%add3A_55, %dma_start3A_107] : memref<1024x200xi32, #tpu.memory_space<hbm>> -> memref<1x200xi32, #tpu.memory_space<hbm>>
      %dma_start3A_109 = tpu.memref_squeeze %dma_start3A_108 : memref<1x200xi32, #tpu.memory_space<hbm>> -> memref<200xi32, #tpu.memory_space<hbm>>
      tpu.enqueue_dma source(%dma_start3A_109 : memref<200xi32, #tpu.memory_space<hbm>>) target(%arg9 : memref<200xi32, #tpu.memory_space<vmem>>) target_semaphore(%run_scoped3A : memref<!tpu.dma_semaphore, #tpu.memory_space<semaphore_mem>>)
      %dma_wait3A_110 = arith.constant 0 : i32
      %dma_wait3A_111 = tpu.memref_slice %arg2[%add3A_55, %dma_wait3A_110] : memref<1024x200xi32, #tpu.memory_space<hbm>> -> memref<1x200xi32, #tpu.memory_space<hbm>>
      %dma_wait3A_112 = tpu.memref_squeeze %dma_wait3A_111 : memref<1x200xi32, #tpu.memory_space<hbm>> -> memref<200xi32, #tpu.memory_space<hbm>>
      %dma_wait3A_113 = arith.constant 0 : i32
      %dma_wait3A_114 = tpu.memref_slice %arg2[%add3A_55, %dma_wait3A_113] : memref<1024x200xi32, #tpu.memory_space<hbm>> -> memref<1x200xi32, #tpu.memory_space<hbm>>
      %dma_wait3A_115 = tpu.memref_squeeze %dma_wait3A_114 : memref<1x200xi32, #tpu.memory_space<hbm>> -> memref<200xi32, #tpu.memory_space<hbm>>
      tpu.wait_dma2 semaphore(%run_scoped3A : memref<!tpu.dma_semaphore, #tpu.memory_space<semaphore_mem>>) src(%dma_wait3A_115 : memref<200xi32, #tpu.memory_space<hbm>>) dst(%arg9 : memref<200xi32, #tpu.memory_space<vmem>>)
      tpu.yield
    }) : () -> ()
    %dma_start3A_56 = arith.constant 0 : i32
    %dma_start3A_57 = arith.constant 0 : i32
    %dma_start3A_58 = tpu.memref_slice %arg11[%dma_start3A_56, %dma_start3A_57] : memref<200x64xf32, #tpu.memory_space<vmem>> -> memref<104x64xf32, #tpu.memory_space<vmem>>
    %dma_start3A_59 = arith.constant 0 : i32
    %dma_start3A_60 = tpu.memref_slice %arg9[%dma_start3A_59] : memref<200xi32, #tpu.memory_space<vmem>> -> memref<104xi32, #tpu.memory_space<vmem>>
    %dma_start3A_61 = arith.constant 0 : i32
    %dma_start3A_62 = arith.constant 0 : i32
    %dma_start3A_63 = tpu.memref_slice %arg3[%dma_start3A_61, %dma_start3A_62] : memref<100000x64xf32, #tpu.memory_space<hbm>> -> memref<100000x64xf32, #tpu.memory_space<hbm>>
    tpu.enqueue_indirect_dma source(%dma_start3A_63 : memref<100000x64xf32, #tpu.memory_space<hbm>>) target(%dma_start3A_58 : memref<104x64xf32, #tpu.memory_space<vmem>>) offsets(%dma_start3A_60 : memref<104xi32, #tpu.memory_space<vmem>>) semaphore(%arg18 : memref<!tpu.dma_semaphore, #tpu.memory_space<semaphore_mem>>)
    %dma_start3A_64 = arith.constant 104 : i32
    %dma_start3A_65 = arith.constant 0 : i32
    %dma_start3A_66 = tpu.memref_slice %arg11[%dma_start3A_64, %dma_start3A_65] : memref<200x64xf32, #tpu.memory_space<vmem>> -> memref<96x64xf32, #tpu.memory_space<vmem>>
    %dma_start3A_67 = arith.constant 104 : i32
    %dma_start3A_68 = tpu.memref_slice %arg9[%dma_start3A_67] : memref<200xi32, #tpu.memory_space<vmem>> -> memref<96xi32, #tpu.memory_space<vmem>>
    %dma_start3A_69 = arith.constant 0 : i32
    %dma_start3A_70 = arith.constant 0 : i32
    %dma_start3A_71 = tpu.memref_slice %arg3[%dma_start3A_69, %dma_start3A_70] : memref<100000x64xf32, #tpu.memory_space<hbm>> -> memref<100000x64xf32, #tpu.memory_space<hbm>>
    tpu.enqueue_indirect_dma source(%dma_start3A_71 : memref<100000x64xf32, #tpu.memory_space<hbm>>) target(%dma_start3A_66 : memref<96x64xf32, #tpu.memory_space<vmem>>) offsets(%dma_start3A_68 : memref<96xi32, #tpu.memory_space<vmem>>) semaphore(%arg18 : memref<!tpu.dma_semaphore, #tpu.memory_space<semaphore_mem>>)
    %scan3A = arith.constant 0 : i32
    %scan3A_72 = arith.constant 1.562500e-02 : f32
    %scan3A_73 = arith.constant 0 : i32
    %scan3A_74 = arith.constant 16 : i32
    %scan3A_75 = arith.addi %scan3A_73, %scan3A_74 : i32
    %scan3A_76 = arith.constant 1 : i32
    scf.for %scan3A_104 = %scan3A_73 to %scan3A_75 step %scan3A_76  : i32 {
      %mul3A_105 = arith.constant 2 : i32
      %mul3A_106 = arith.muli %scan3A_104, %mul3A_105 : i32
      %add3A_107 = arith.addi %mul3A_2, %mul3A_106 : i32
      %add3A_108 = arith.constant 0 : i32
      %add3A_109 = arith.addi %add3A_107, %add3A_108 : i32
      %lt3A = arith.constant 15 : i32
      %lt3A_110 = arith.cmpi slt, %scan3A_104, %lt3A : i32
      %dma_wait3A_111 = arith.constant 0 : i32
      %dma_wait3A_112 = arith.constant 0 : i32
      %dma_wait3A_113 = tpu.memref_slice %arg10[%dma_wait3A_111, %dma_wait3A_112] : memref<200x64xf32, #tpu.memory_space<vmem>> -> memref<104x64xf32, #tpu.memory_space<vmem>>
      %dma_wait3A_114 = arith.constant 0 : i32
      %dma_wait3A_115 = tpu.memref_slice %arg8[%dma_wait3A_114] : memref<200xi32, #tpu.memory_space<vmem>> -> memref<104xi32, #tpu.memory_space<vmem>>
      %dma_wait3A_116 = arith.constant 0 : i32
      %dma_wait3A_117 = arith.constant 0 : i32
      %dma_wait3A_118 = tpu.memref_slice %arg3[%dma_wait3A_116, %dma_wait3A_117] : memref<100000x64xf32, #tpu.memory_space<hbm>> -> memref<100000x64xf32, #tpu.memory_space<hbm>>
      tpu.wait_indirect_dma semaphore(%arg17 : memref<!tpu.dma_semaphore, #tpu.memory_space<semaphore_mem>>) src(%dma_wait3A_118 : memref<100000x64xf32, #tpu.memory_space<hbm>>) dst(%dma_wait3A_113 : memref<104x64xf32, #tpu.memory_space<vmem>>)
      %dma_wait3A_119 = arith.constant 104 : i32
      %dma_wait3A_120 = arith.constant 0 : i32
      %dma_wait3A_121 = tpu.memref_slice %arg10[%dma_wait3A_119, %dma_wait3A_120] : memref<200x64xf32, #tpu.memory_space<vmem>> -> memref<96x64xf32, #tpu.memory_space<vmem>>
      %dma_wait3A_122 = arith.constant 104 : i32
      %dma_wait3A_123 = tpu.memref_slice %arg8[%dma_wait3A_122] : memref<200xi32, #tpu.memory_space<vmem>> -> memref<96xi32, #tpu.memory_space<vmem>>
      %dma_wait3A_124 = arith.constant 0 : i32
      %dma_wait3A_125 = arith.constant 0 : i32
      %dma_wait3A_126 = tpu.memref_slice %arg3[%dma_wait3A_124, %dma_wait3A_125] : memref<100000x64xf32, #tpu.memory_space<hbm>> -> memref<100000x64xf32, #tpu.memory_space<hbm>>
      tpu.wait_indirect_dma semaphore(%arg17 : memref<!tpu.dma_semaphore, #tpu.memory_space<semaphore_mem>>) src(%dma_wait3A_126 : memref<100000x64xf32, #tpu.memory_space<hbm>>) dst(%dma_wait3A_121 : memref<96x64xf32, #tpu.memory_space<vmem>>)
      %convert_element_type3A = arith.extui %lt3A_110 : i1 to i32
      %cond3A = arith.constant 0 : i32
      %cond3A_127 = arith.cmpi ne, %convert_element_type3A, %cond3A : i32
      scf.if %cond3A_127 {
        %add3A_197 = arith.constant 2 : i32
        %add3A_198 = arith.addi %add3A_109, %add3A_197 : i32
        %dma_start3A_199 = arith.constant 0 : i32
        %dma_start3A_200 = tpu.memref_slice %arg2[%add3A_198, %dma_start3A_199] : memref<1024x200xi32, #tpu.memory_space<hbm>> -> memref<1x200xi32, #tpu.memory_space<hbm>>
        %dma_start3A_201 = tpu.memref_squeeze %dma_start3A_200 : memref<1x200xi32, #tpu.memory_space<hbm>> -> memref<200xi32, #tpu.memory_space<hbm>>
        %dma_start3A_202 = arith.constant 0 : i32
        %dma_start3A_203 = tpu.memref_slice %arg2[%add3A_198, %dma_start3A_202] : memref<1024x200xi32, #tpu.memory_space<hbm>> -> memref<1x200xi32, #tpu.memory_space<hbm>>
        %dma_start3A_204 = tpu.memref_squeeze %dma_start3A_203 : memref<1x200xi32, #tpu.memory_space<hbm>> -> memref<200xi32, #tpu.memory_space<hbm>>
        tpu.enqueue_dma source(%dma_start3A_204 : memref<200xi32, #tpu.memory_space<hbm>>) target(%arg8 : memref<200xi32, #tpu.memory_space<vmem>>) target_semaphore(%arg21 : memref<!tpu.dma_semaphore, #tpu.memory_space<semaphore_mem>>)
      } else {
      }
      %gt3A = arith.constant 0 : i32
      %gt3A_128 = arith.cmpi sgt, %scan3A_104, %gt3A : i32
      %convert_element_type3A_129 = arith.extui %gt3A_128 : i1 to i32
      %cond3A_130 = arith.constant 0 : i32
      %cond3A_131 = arith.cmpi ne, %convert_element_type3A_129, %cond3A_130 : i32
      scf.if %cond3A_131 {
        %sub3A_197 = arith.constant 2 : i32
        %sub3A_198 = arith.subi %add3A_109, %sub3A_197 : i32
        %dma_wait3A_199 = arith.constant 0 : i32
        %dma_wait3A_200 = arith.constant 0 : i32
        %dma_wait3A_201 = tpu.memref_slice %arg7[%sub3A_198, %dma_wait3A_199, %dma_wait3A_200] : memref<1024x200x128xf32, #tpu.memory_space<hbm>> -> memref<1x200x64xf32, #tpu.memory_space<hbm>>
        %dma_wait3A_202 = tpu.memref_squeeze %dma_wait3A_201 : memref<1x200x64xf32, #tpu.memory_space<hbm>> -> memref<200x64xf32, #tpu.memory_space<hbm>>
        %dma_wait3A_203 = arith.constant 0 : i32
        %dma_wait3A_204 = arith.constant 0 : i32
        %dma_wait3A_205 = tpu.memref_slice %arg7[%sub3A_198, %dma_wait3A_203, %dma_wait3A_204] : memref<1024x200x128xf32, #tpu.memory_space<hbm>> -> memref<1x200x64xf32, #tpu.memory_space<hbm>>
        %dma_wait3A_206 = tpu.memref_squeeze %dma_wait3A_205 : memref<1x200x64xf32, #tpu.memory_space<hbm>> -> memref<200x64xf32, #tpu.memory_space<hbm>>
        tpu.wait_dma2 semaphore(%arg19 : memref<!tpu.dma_semaphore, #tpu.memory_space<semaphore_mem>>) src(%arg12 : memref<200x64xf32, #tpu.memory_space<vmem>>) dst(%dma_wait3A_206 : memref<200x64xf32, #tpu.memory_space<hbm>>)
      } else {
      }
      %scan3A_132 = arith.constant 0 : i32
      %scan3A_133 = arith.constant 0 : i32
      %scan3A_134 = arith.constant 50 : i32
      %scan3A_135 = arith.addi %scan3A_133, %scan3A_134 : i32
      %scan3A_136 = arith.constant 1 : i32
      scf.for %scan3A_197 = %scan3A_133 to %scan3A_135 step %scan3A_136  : i32 {
        %mul3A_198 = arith.constant 4 : i32
        %mul3A_199 = arith.muli %scan3A_197, %mul3A_198 : i32
        %add3A_200 = arith.constant 0 : i32
        %add3A_201 = arith.addi %mul3A_199, %add3A_200 : i32
        %get3A_202 = arith.index_cast %add3A_201 : i32 to index
        %get3A_203 = arith.constant 0 : index
        %get3A_204 = tpu.vector_load %arg10[%get3A_202, %get3A_203] {strides = array<i32>} : memref<200x64xf32, #tpu.memory_space<vmem>>, vector<1x16xf32>,
        %get3A_205 = vector.shape_cast %get3A_204 : vector<1x16xf32> to vector<16xf32>
        %add3A_206 = arith.constant 0 : i32
        %add3A_207 = arith.addi %mul3A_199, %add3A_206 : i32
        %get3A_208 = arith.index_cast %add3A_207 : i32 to index
        %get3A_209 = arith.constant 0 : index
        %get3A_210 = tpu.vector_load %arg14[%get3A_208, %get3A_209] {strides = array<i32>} : memref<200x64xf32, #tpu.memory_space<vmem>>, vector<1x16xf32>,
        %get3A_211 = vector.shape_cast %get3A_210 : vector<1x16xf32> to vector<16xf32>
        %add3A_212 = arith.addf %get3A_205, %get3A_211 : vector<16xf32>
        %add3A_213 = arith.constant 0 : i32
        %add3A_214 = arith.addi %mul3A_199, %add3A_213 : i32
        %get3A_215 = arith.index_cast %add3A_214 : i32 to index
        %get3A_216 = arith.constant 16 : index
        %get3A_217 = tpu.vector_load %arg10[%get3A_215, %get3A_216] {strides = array<i32>} : memref<200x64xf32, #tpu.memory_space<vmem>>, vector<1x16xf32>,
        %get3A_218 = vector.shape_cast %get3A_217 : vector<1x16xf32> to vector<16xf32>
        %add3A_219 = arith.constant 0 : i32
        %add3A_220 = arith.addi %mul3A_199, %add3A_219 : i32
        %get3A_221 = arith.index_cast %add3A_220 : i32 to index
        %get3A_222 = arith.constant 16 : index
        %get3A_223 = tpu.vector_load %arg14[%get3A_221, %get3A_222] {strides = array<i32>} : memref<200x64xf32, #tpu.memory_space<vmem>>, vector<1x16xf32>,
        %get3A_224 = vector.shape_cast %get3A_223 : vector<1x16xf32> to vector<16xf32>
        %add3A_225 = arith.addf %get3A_218, %get3A_224 : vector<16xf32>
        %add3A_226 = arith.constant 0 : i32
        %add3A_227 = arith.addi %mul3A_199, %add3A_226 : i32
        %get3A_228 = arith.index_cast %add3A_227 : i32 to index
        %get3A_229 = arith.constant 32 : index
        %get3A_230 = tpu.vector_load %arg10[%get3A_228, %get3A_229] {strides = array<i32>} : memref<200x64xf32, #tpu.memory_space<vmem>>, vector<1x16xf32>,
        %get3A_231 = vector.shape_cast %get3A_230 : vector<1x16xf32> to vector<16xf32>
        %add3A_232 = arith.constant 0 : i32
        %add3A_233 = arith.addi %mul3A_199, %add3A_232 : i32
        %get3A_234 = arith.index_cast %add3A_233 : i32 to index
        %get3A_235 = arith.constant 32 : index
        %get3A_236 = tpu.vector_load %arg14[%get3A_234, %get3A_235] {strides = array<i32>} : memref<200x64xf32, #tpu.memory_space<vmem>>, vector<1x16xf32>,
        %get3A_237 = vector.shape_cast %get3A_236 : vector<1x16xf32> to vector<16xf32>
        %add3A_238 = arith.addf %get3A_231, %get3A_237 : vector<16xf32>
        %add3A_239 = arith.constant 0 : i32
        %add3A_240 = arith.addi %mul3A_199, %add3A_239 : i32
        %get3A_241 = arith.index_cast %add3A_240 : i32 to index
        %get3A_242 = arith.constant 48 : index
        %get3A_243 = tpu.vector_load %arg10[%get3A_241, %get3A_242] {strides = array<i32>} : memref<200x64xf32, #tpu.memory_space<vmem>>, vector<1x16xf32>,
        %get3A_244 = vector.shape_cast %get3A_243 : vector<1x16xf32> to vector<16xf32>
        %add3A_245 = arith.constant 0 : i32
        %add3A_246 = arith.addi %mul3A_199, %add3A_245 : i32
        %get3A_247 = arith.index_cast %add3A_246 : i32 to index
        %get3A_248 = arith.constant 48 : index
        %get3A_249 = tpu.vector_load %arg14[%get3A_247, %get3A_248] {strides = array<i32>} : memref<200x64xf32, #tpu.memory_space<vmem>>, vector<1x16xf32>,
        %get3A_250 = vector.shape_cast %get3A_249 : vector<1x16xf32> to vector<16xf32>
        %add3A_251 = arith.addf %get3A_244, %get3A_250 : vector<16xf32>
        %add3A_252 = arith.constant 1 : i32
        %add3A_253 = arith.addi %mul3A_199, %add3A_252 : i32
        %get3A_254 = arith.index_cast %add3A_253 : i32 to index
        %get3A_255 = arith.constant 0 : index
        %get3A_256 = tpu.vector_load %arg10[%get3A_254, %get3A_255] {strides = array<i32>} : memref<200x64xf32, #tpu.memory_space<vmem>>, vector<1x16xf32>,
        %get3A_257 = vector.shape_cast %get3A_256 : vector<1x16xf32> to vector<16xf32>
        %add3A_258 = arith.constant 1 : i32
        %add3A_259 = arith.addi %mul3A_199, %add3A_258 : i32
        %get3A_260 = arith.index_cast %add3A_259 : i32 to index
        %get3A_261 = arith.constant 0 : index
        %get3A_262 = tpu.vector_load %arg14[%get3A_260, %get3A_261] {strides = array<i32>} : memref<200x64xf32, #tpu.memory_space<vmem>>, vector<1x16xf32>,
        %get3A_263 = vector.shape_cast %get3A_262 : vector<1x16xf32> to vector<16xf32>
        %add3A_264 = arith.addf %get3A_257, %get3A_263 : vector<16xf32>
        %add3A_265 = arith.constant 1 : i32
        %add3A_266 = arith.addi %mul3A_199, %add3A_265 : i32
        %get3A_267 = arith.index_cast %add3A_266 : i32 to index
        %get3A_268 = arith.constant 16 : index
        %get3A_269 = tpu.vector_load %arg10[%get3A_267, %get3A_268] {strides = array<i32>} : memref<200x64xf32, #tpu.memory_space<vmem>>, vector<1x16xf32>,
        %get3A_270 = vector.shape_cast %get3A_269 : vector<1x16xf32> to vector<16xf32>
        %add3A_271 = arith.constant 1 : i32
        %add3A_272 = arith.addi %mul3A_199, %add3A_271 : i32
        %get3A_273 = arith.index_cast %add3A_272 : i32 to index
        %get3A_274 = arith.constant 16 : index
        %get3A_275 = tpu.vector_load %arg14[%get3A_273, %get3A_274] {strides = array<i32>} : memref<200x64xf32, #tpu.memory_space<vmem>>, vector<1x16xf32>,
        %get3A_276 = vector.shape_cast %get3A_275 : vector<1x16xf32> to vector<16xf32>
        %add3A_277 = arith.addf %get3A_270, %get3A_276 : vector<16xf32>
        %add3A_278 = arith.constant 1 : i32
        %add3A_279 = arith.addi %mul3A_199, %add3A_278 : i32
        %get3A_280 = arith.index_cast %add3A_279 : i32 to index
        %get3A_281 = arith.constant 32 : index
        %get3A_282 = tpu.vector_load %arg10[%get3A_280, %get3A_281] {strides = array<i32>} : memref<200x64xf32, #tpu.memory_space<vmem>>, vector<1x16xf32>,
        %get3A_283 = vector.shape_cast %get3A_282 : vector<1x16xf32> to vector<16xf32>
        %add3A_284 = arith.constant 1 : i32
        %add3A_285 = arith.addi %mul3A_199, %add3A_284 : i32
        %get3A_286 = arith.index_cast %add3A_285 : i32 to index
        %get3A_287 = arith.constant 32 : index
        %get3A_288 = tpu.vector_load %arg14[%get3A_286, %get3A_287] {strides = array<i32>} : memref<200x64xf32, #tpu.memory_space<vmem>>, vector<1x16xf32>,
        %get3A_289 = vector.shape_cast %get3A_288 : vector<1x16xf32> to vector<16xf32>
        %add3A_290 = arith.addf %get3A_283, %get3A_289 : vector<16xf32>
        %add3A_291 = arith.constant 1 : i32
        %add3A_292 = arith.addi %mul3A_199, %add3A_291 : i32
        %get3A_293 = arith.index_cast %add3A_292 : i32 to index
        %get3A_294 = arith.constant 48 : index
        %get3A_295 = tpu.vector_load %arg10[%get3A_293, %get3A_294] {strides = array<i32>} : memref<200x64xf32, #tpu.memory_space<vmem>>, vector<1x16xf32>,
        %get3A_296 = vector.shape_cast %get3A_295 : vector<1x16xf32> to vector<16xf32>
        %add3A_297 = arith.constant 1 : i32
        %add3A_298 = arith.addi %mul3A_199, %add3A_297 : i32
        %get3A_299 = arith.index_cast %add3A_298 : i32 to index
        %get3A_300 = arith.constant 48 : index
        %get3A_301 = tpu.vector_load %arg14[%get3A_299, %get3A_300] {strides = array<i32>} : memref<200x64xf32, #tpu.memory_space<vmem>>, vector<1x16xf32>,
        %get3A_302 = vector.shape_cast %get3A_301 : vector<1x16xf32> to vector<16xf32>
        %add3A_303 = arith.addf %get3A_296, %get3A_302 : vector<16xf32>
        %add3A_304 = arith.constant 2 : i32
        %add3A_305 = arith.addi %mul3A_199, %add3A_304 : i32
        %get3A_306 = arith.index_cast %add3A_305 : i32 to index
        %get3A_307 = arith.constant 0 : index
        %get3A_308 = tpu.vector_load %arg10[%get3A_306, %get3A_307] {strides = array<i32>} : memref<200x64xf32, #tpu.memory_space<vmem>>, vector<1x16xf32>,
        %get3A_309 = vector.shape_cast %get3A_308 : vector<1x16xf32> to vector<16xf32>
        %add3A_310 = arith.constant 2 : i32
        %add3A_311 = arith.addi %mul3A_199, %add3A_310 : i32
        %get3A_312 = arith.index_cast %add3A_311 : i32 to index
        %get3A_313 = arith.constant 0 : index
        %get3A_314 = tpu.vector_load %arg14[%get3A_312, %get3A_313] {strides = array<i32>} : memref<200x64xf32, #tpu.memory_space<vmem>>, vector<1x16xf32>,
        %get3A_315 = vector.shape_cast %get3A_314 : vector<1x16xf32> to vector<16xf32>
        %add3A_316 = arith.addf %get3A_309, %get3A_315 : vector<16xf32>
        %add3A_317 = arith.constant 2 : i32
        %add3A_318 = arith.addi %mul3A_199, %add3A_317 : i32
        %get3A_319 = arith.index_cast %add3A_318 : i32 to index
        %get3A_320 = arith.constant 16 : index
        %get3A_321 = tpu.vector_load %arg10[%get3A_319, %get3A_320] {strides = array<i32>} : memref<200x64xf32, #tpu.memory_space<vmem>>, vector<1x16xf32>,
        %get3A_322 = vector.shape_cast %get3A_321 : vector<1x16xf32> to vector<16xf32>
        %add3A_323 = arith.constant 2 : i32
        %add3A_324 = arith.addi %mul3A_199, %add3A_323 : i32
        %get3A_325 = arith.index_cast %add3A_324 : i32 to index
        %get3A_326 = arith.constant 16 : index
        %get3A_327 = tpu.vector_load %arg14[%get3A_325, %get3A_326] {strides = array<i32>} : memref<200x64xf32, #tpu.memory_space<vmem>>, vector<1x16xf32>,
        %get3A_328 = vector.shape_cast %get3A_327 : vector<1x16xf32> to vector<16xf32>
        %add3A_329 = arith.addf %get3A_322, %get3A_328 : vector<16xf32>
        %add3A_330 = arith.constant 2 : i32
        %add3A_331 = arith.addi %mul3A_199, %add3A_330 : i32
        %get3A_332 = arith.index_cast %add3A_331 : i32 to index
        %get3A_333 = arith.constant 32 : index
        %get3A_334 = tpu.vector_load %arg10[%get3A_332, %get3A_333] {strides = array<i32>} : memref<200x64xf32, #tpu.memory_space<vmem>>, vector<1x16xf32>,
        %get3A_335 = vector.shape_cast %get3A_334 : vector<1x16xf32> to vector<16xf32>
        %add3A_336 = arith.constant 2 : i32
        %add3A_337 = arith.addi %mul3A_199, %add3A_336 : i32
        %get3A_338 = arith.index_cast %add3A_337 : i32 to index
        %get3A_339 = arith.constant 32 : index
        %get3A_340 = tpu.vector_load %arg14[%get3A_338, %get3A_339] {strides = array<i32>} : memref<200x64xf32, #tpu.memory_space<vmem>>, vector<1x16xf32>,
        %get3A_341 = vector.shape_cast %get3A_340 : vector<1x16xf32> to vector<16xf32>
        %add3A_342 = arith.addf %get3A_335, %get3A_341 : vector<16xf32>
        %add3A_343 = arith.constant 2 : i32
        %add3A_344 = arith.addi %mul3A_199, %add3A_343 : i32
        %get3A_345 = arith.index_cast %add3A_344 : i32 to index
        %get3A_346 = arith.constant 48 : index
        %get3A_347 = tpu.vector_load %arg10[%get3A_345, %get3A_346] {strides = array<i32>} : memref<200x64xf32, #tpu.memory_space<vmem>>, vector<1x16xf32>,
        %get3A_348 = vector.shape_cast %get3A_347 : vector<1x16xf32> to vector<16xf32>
        %add3A_349 = arith.constant 2 : i32
        %add3A_350 = arith.addi %mul3A_199, %add3A_349 : i32
        %get3A_351 = arith.index_cast %add3A_350 : i32 to index
        %get3A_352 = arith.constant 48 : index
        %get3A_353 = tpu.vector_load %arg14[%get3A_351, %get3A_352] {strides = array<i32>} : memref<200x64xf32, #tpu.memory_space<vmem>>, vector<1x16xf32>,
        %get3A_354 = vector.shape_cast %get3A_353 : vector<1x16xf32> to vector<16xf32>
        %add3A_355 = arith.addf %get3A_348, %get3A_354 : vector<16xf32>
        %add3A_356 = arith.constant 3 : i32
        %add3A_357 = arith.addi %mul3A_199, %add3A_356 : i32
        %get3A_358 = arith.index_cast %add3A_357 : i32 to index
        %get3A_359 = arith.constant 0 : index
        %get3A_360 = tpu.vector_load %arg10[%get3A_358, %get3A_359] {strides = array<i32>} : memref<200x64xf32, #tpu.memory_space<vmem>>, vector<1x16xf32>,
        %get3A_361 = vector.shape_cast %get3A_360 : vector<1x16xf32> to vector<16xf32>
        %add3A_362 = arith.constant 3 : i32
        %add3A_363 = arith.addi %mul3A_199, %add3A_362 : i32
        %get3A_364 = arith.index_cast %add3A_363 : i32 to index
        %get3A_365 = arith.constant 0 : index
        %get3A_366 = tpu.vector_load %arg14[%get3A_364, %get3A_365] {strides = array<i32>} : memref<200x64xf32, #tpu.memory_space<vmem>>, vector<1x16xf32>,
        %get3A_367 = vector.shape_cast %get3A_366 : vector<1x16xf32> to vector<16xf32>
        %add3A_368 = arith.addf %get3A_361, %get3A_367 : vector<16xf32>
        %add3A_369 = arith.constant 3 : i32
        %add3A_370 = arith.addi %mul3A_199, %add3A_369 : i32
        %get3A_371 = arith.index_cast %add3A_370 : i32 to index
        %get3A_372 = arith.constant 16 : index
        %get3A_373 = tpu.vector_load %arg10[%get3A_371, %get3A_372] {strides = array<i32>} : memref<200x64xf32, #tpu.memory_space<vmem>>, vector<1x16xf32>,
        %get3A_374 = vector.shape_cast %get3A_373 : vector<1x16xf32> to vector<16xf32>
        %add3A_375 = arith.constant 3 : i32
        %add3A_376 = arith.addi %mul3A_199, %add3A_375 : i32
        %get3A_377 = arith.index_cast %add3A_376 : i32 to index
        %get3A_378 = arith.constant 16 : index
        %get3A_379 = tpu.vector_load %arg14[%get3A_377, %get3A_378] {strides = array<i32>} : memref<200x64xf32, #tpu.memory_space<vmem>>, vector<1x16xf32>,
        %get3A_380 = vector.shape_cast %get3A_379 : vector<1x16xf32> to vector<16xf32>
        %add3A_381 = arith.addf %get3A_374, %get3A_380 : vector<16xf32>
        %add3A_382 = arith.constant 3 : i32
        %add3A_383 = arith.addi %mul3A_199, %add3A_382 : i32
        %get3A_384 = arith.index_cast %add3A_383 : i32 to index
        %get3A_385 = arith.constant 32 : index
        %get3A_386 = tpu.vector_load %arg10[%get3A_384, %get3A_385] {strides = array<i32>} : memref<200x64xf32, #tpu.memory_space<vmem>>, vector<1x16xf32>,
        %get3A_387 = vector.shape_cast %get3A_386 : vector<1x16xf32> to vector<16xf32>
        %add3A_388 = arith.constant 3 : i32
        %add3A_389 = arith.addi %mul3A_199, %add3A_388 : i32
        %get3A_390 = arith.index_cast %add3A_389 : i32 to index
        %get3A_391 = arith.constant 32 : index
        %get3A_392 = tpu.vector_load %arg14[%get3A_390, %get3A_391] {strides = array<i32>} : memref<200x64xf32, #tpu.memory_space<vmem>>, vector<1x16xf32>,
        %get3A_393 = vector.shape_cast %get3A_392 : vector<1x16xf32> to vector<16xf32>
        %add3A_394 = arith.addf %get3A_387, %get3A_393 : vector<16xf32>
        %add3A_395 = arith.constant 3 : i32
        %add3A_396 = arith.addi %mul3A_199, %add3A_395 : i32
        %get3A_397 = arith.index_cast %add3A_396 : i32 to index
        %get3A_398 = arith.constant 48 : index
        %get3A_399 = tpu.vector_load %arg10[%get3A_397, %get3A_398] {strides = array<i32>} : memref<200x64xf32, #tpu.memory_space<vmem>>, vector<1x16xf32>,
        %get3A_400 = vector.shape_cast %get3A_399 : vector<1x16xf32> to vector<16xf32>
        %add3A_401 = arith.constant 3 : i32
        %add3A_402 = arith.addi %mul3A_199, %add3A_401 : i32
        %get3A_403 = arith.index_cast %add3A_402 : i32 to index
        %get3A_404 = arith.constant 48 : index
        %get3A_405 = tpu.vector_load %arg14[%get3A_403, %get3A_404] {strides = array<i32>} : memref<200x64xf32, #tpu.memory_space<vmem>>, vector<1x16xf32>,
        %get3A_406 = vector.shape_cast %get3A_405 : vector<1x16xf32> to vector<16xf32>
        %add3A_407 = arith.addf %get3A_400, %get3A_406 : vector<16xf32>
        %add3A_408 = arith.addf %add3A_212, %add3A_225 : vector<16xf32>
        %add3A_409 = arith.addf %add3A_238, %add3A_251 : vector<16xf32>
        %add3A_410 = arith.addf %add3A_408, %add3A_409 : vector<16xf32>
        %add3A_411 = arith.addf %add3A_264, %add3A_277 : vector<16xf32>
        %add3A_412 = arith.addf %add3A_290, %add3A_303 : vector<16xf32>
        %add3A_413 = arith.addf %add3A_411, %add3A_412 : vector<16xf32>
        %add3A_414 = arith.addf %add3A_316, %add3A_329 : vector<16xf32>
        %add3A_415 = arith.addf %add3A_342, %add3A_355 : vector<16xf32>
        %add3A_416 = arith.addf %add3A_414, %add3A_415 : vector<16xf32>
        %add3A_417 = arith.addf %add3A_368, %add3A_381 : vector<16xf32>
        %add3A_418 = arith.addf %add3A_394, %add3A_407 : vector<16xf32>
        %add3A_419 = arith.addf %add3A_417, %add3A_418 : vector<16xf32>
        %mul3A_420 = arith.mulf %add3A_212, %add3A_212 : vector<16xf32>
        %mul3A_421 = arith.mulf %add3A_225, %add3A_225 : vector<16xf32>
        %add3A_422 = arith.addf %mul3A_420, %mul3A_421 : vector<16xf32>
        %mul3A_423 = arith.mulf %add3A_238, %add3A_238 : vector<16xf32>
        %mul3A_424 = arith.mulf %add3A_251, %add3A_251 : vector<16xf32>
        %add3A_425 = arith.addf %mul3A_423, %mul3A_424 : vector<16xf32>
        %add3A_426 = arith.addf %add3A_422, %add3A_425 : vector<16xf32>
        %mul3A_427 = arith.mulf %add3A_264, %add3A_264 : vector<16xf32>
        %mul3A_428 = arith.mulf %add3A_277, %add3A_277 : vector<16xf32>
        %add3A_429 = arith.addf %mul3A_427, %mul3A_428 : vector<16xf32>
        %mul3A_430 = arith.mulf %add3A_290, %add3A_290 : vector<16xf32>
        %mul3A_431 = arith.mulf %add3A_303, %add3A_303 : vector<16xf32>
        %add3A_432 = arith.addf %mul3A_430, %mul3A_431 : vector<16xf32>
        %add3A_433 = arith.addf %add3A_429, %add3A_432 : vector<16xf32>
        %mul3A_434 = arith.mulf %add3A_316, %add3A_316 : vector<16xf32>
        %mul3A_435 = arith.mulf %add3A_329, %add3A_329 : vector<16xf32>
        %add3A_436 = arith.addf %mul3A_434, %mul3A_435 : vector<16xf32>
        %mul3A_437 = arith.mulf %add3A_342, %add3A_342 : vector<16xf32>
        %mul3A_438 = arith.mulf %add3A_355, %add3A_355 : vector<16xf32>
        %add3A_439 = arith.addf %mul3A_437, %mul3A_438 : vector<16xf32>
        %add3A_440 = arith.addf %add3A_436, %add3A_439 : vector<16xf32>
        %mul3A_441 = arith.mulf %add3A_368, %add3A_368 : vector<16xf32>
        %mul3A_442 = arith.mulf %add3A_381, %add3A_381 : vector<16xf32>
        %add3A_443 = arith.addf %mul3A_441, %mul3A_442 : vector<16xf32>
        %mul3A_444 = arith.mulf %add3A_394, %add3A_394 : vector<16xf32>
        %mul3A_445 = arith.mulf %add3A_407, %add3A_407 : vector<16xf32>
        %add3A_446 = arith.addf %mul3A_444, %mul3A_445 : vector<16xf32>
        %add3A_447 = arith.addf %add3A_443, %add3A_446 : vector<16xf32>
        %broadcast_in_dim3A = vector.shape_cast %xor3A_4 : vector<16xi32> to vector<16x1xi32>
        %gather3A = vector.shape_cast %broadcast_in_dim3A : vector<16x1xi32> to vector<16xi32>
        %gather3A_448 = tpu.dynamic_gather %add3A_410[%gather3A] in [0] : vector<16xf32>, vector<16xi32> -> vector<16xf32>
        %add3A_449 = arith.addf %add3A_410, %gather3A_448 : vector<16xf32>
        %broadcast_in_dim3A_450 = vector.shape_cast %xor3A_4 : vector<16xi32> to vector<16x1xi32>
        %gather3A_451 = vector.shape_cast %broadcast_in_dim3A_450 : vector<16x1xi32> to vector<16xi32>
        %gather3A_452 = tpu.dynamic_gather %add3A_413[%gather3A_451] in [0] : vector<16xf32>, vector<16xi32> -> vector<16xf32>
        %add3A_453 = arith.addf %add3A_413, %gather3A_452 : vector<16xf32>
        %broadcast_in_dim3A_454 = vector.shape_cast %xor3A_4 : vector<16xi32> to vector<16x1xi32>
        %gather3A_455 = vector.shape_cast %broadcast_in_dim3A_454 : vector<16x1xi32> to vector<16xi32>
        %gather3A_456 = tpu.dynamic_gather %add3A_416[%gather3A_455] in [0] : vector<16xf32>, vector<16xi32> -> vector<16xf32>
        %add3A_457 = arith.addf %add3A_416, %gather3A_456 : vector<16xf32>
        %broadcast_in_dim3A_458 = vector.shape_cast %xor3A_4 : vector<16xi32> to vector<16x1xi32>
        %gather3A_459 = vector.shape_cast %broadcast_in_dim3A_458 : vector<16x1xi32> to vector<16xi32>
        %gather3A_460 = tpu.dynamic_gather %add3A_419[%gather3A_459] in [0] : vector<16xf32>, vector<16xi32> -> vector<16xf32>
        %add3A_461 = arith.addf %add3A_419, %gather3A_460 : vector<16xf32>
        %broadcast_in_dim3A_462 = vector.shape_cast %xor3A_4 : vector<16xi32> to vector<16x1xi32>
        %gather3A_463 = vector.shape_cast %broadcast_in_dim3A_462 : vector<16x1xi32> to vector<16xi32>
        %gather3A_464 = tpu.dynamic_gather %add3A_426[%gather3A_463] in [0] : vector<16xf32>, vector<16xi32> -> vector<16xf32>
        %add3A_465 = arith.addf %add3A_426, %gather3A_464 : vector<16xf32>
        %broadcast_in_dim3A_466 = vector.shape_cast %xor3A_4 : vector<16xi32> to vector<16x1xi32>
        %gather3A_467 = vector.shape_cast %broadcast_in_dim3A_466 : vector<16x1xi32> to vector<16xi32>
        %gather3A_468 = tpu.dynamic_gather %add3A_433[%gather3A_467] in [0] : vector<16xf32>, vector<16xi32> -> vector<16xf32>
        %add3A_469 = arith.addf %add3A_433, %gather3A_468 : vector<16xf32>
        %broadcast_in_dim3A_470 = vector.shape_cast %xor3A_4 : vector<16xi32> to vector<16x1xi32>
        %gather3A_471 = vector.shape_cast %broadcast_in_dim3A_470 : vector<16x1xi32> to vector<16xi32>
        %gather3A_472 = tpu.dynamic_gather %add3A_440[%gather3A_471] in [0] : vector<16xf32>, vector<16xi32> -> vector<16xf32>
        %add3A_473 = arith.addf %add3A_440, %gather3A_472 : vector<16xf32>
        %broadcast_in_dim3A_474 = vector.shape_cast %xor3A_4 : vector<16xi32> to vector<16x1xi32>
        %gather3A_475 = vector.shape_cast %broadcast_in_dim3A_474 : vector<16x1xi32> to vector<16xi32>
        %gather3A_476 = tpu.dynamic_gather %add3A_447[%gather3A_475] in [0] : vector<16xf32>, vector<16xi32> -> vector<16xf32>
        %add3A_477 = arith.addf %add3A_447, %gather3A_476 : vector<16xf32>
        %broadcast_in_dim3A_478 = vector.shape_cast %xor3A_7 : vector<16xi32> to vector<16x1xi32>
        %gather3A_479 = vector.shape_cast %broadcast_in_dim3A_478 : vector<16x1xi32> to vector<16xi32>
        %gather3A_480 = tpu.dynamic_gather %add3A_449[%gather3A_479] in [0] : vector<16xf32>, vector<16xi32> -> vector<16xf32>
        %add3A_481 = arith.addf %add3A_449, %gather3A_480 : vector<16xf32>
        %broadcast_in_dim3A_482 = vector.shape_cast %xor3A_7 : vector<16xi32> to vector<16x1xi32>
        %gather3A_483 = vector.shape_cast %broadcast_in_dim3A_482 : vector<16x1xi32> to vector<16xi32>
        %gather3A_484 = tpu.dynamic_gather %add3A_453[%gather3A_483] in [0] : vector<16xf32>, vector<16xi32> -> vector<16xf32>
        %add3A_485 = arith.addf %add3A_453, %gather3A_484 : vector<16xf32>
        %broadcast_in_dim3A_486 = vector.shape_cast %xor3A_7 : vector<16xi32> to vector<16x1xi32>
        %gather3A_487 = vector.shape_cast %broadcast_in_dim3A_486 : vector<16x1xi32> to vector<16xi32>
        %gather3A_488 = tpu.dynamic_gather %add3A_457[%gather3A_487] in [0] : vector<16xf32>, vector<16xi32> -> vector<16xf32>
        %add3A_489 = arith.addf %add3A_457, %gather3A_488 : vector<16xf32>
        %broadcast_in_dim3A_490 = vector.shape_cast %xor3A_7 : vector<16xi32> to vector<16x1xi32>
        %gather3A_491 = vector.shape_cast %broadcast_in_dim3A_490 : vector<16x1xi32> to vector<16xi32>
        %gather3A_492 = tpu.dynamic_gather %add3A_461[%gather3A_491] in [0] : vector<16xf32>, vector<16xi32> -> vector<16xf32>
        %add3A_493 = arith.addf %add3A_461, %gather3A_492 : vector<16xf32>
        %broadcast_in_dim3A_494 = vector.shape_cast %xor3A_7 : vector<16xi32> to vector<16x1xi32>
        %gather3A_495 = vector.shape_cast %broadcast_in_dim3A_494 : vector<16x1xi32> to vector<16xi32>
        %gather3A_496 = tpu.dynamic_gather %add3A_465[%gather3A_495] in [0] : vector<16xf32>, vector<16xi32> -> vector<16xf32>
        %add3A_497 = arith.addf %add3A_465, %gather3A_496 : vector<16xf32>
        %broadcast_in_dim3A_498 = vector.shape_cast %xor3A_7 : vector<16xi32> to vector<16x1xi32>
        %gather3A_499 = vector.shape_cast %broadcast_in_dim3A_498 : vector<16x1xi32> to vector<16xi32>
        %gather3A_500 = tpu.dynamic_gather %add3A_469[%gather3A_499] in [0] : vector<16xf32>, vector<16xi32> -> vector<16xf32>
        %add3A_501 = arith.addf %add3A_469, %gather3A_500 : vector<16xf32>
        %broadcast_in_dim3A_502 = vector.shape_cast %xor3A_7 : vector<16xi32> to vector<16x1xi32>
        %gather3A_503 = vector.shape_cast %broadcast_in_dim3A_502 : vector<16x1xi32> to vector<16xi32>
        %gather3A_504 = tpu.dynamic_gather %add3A_473[%gather3A_503] in [0] : vector<16xf32>, vector<16xi32> -> vector<16xf32>
        %add3A_505 = arith.addf %add3A_473, %gather3A_504 : vector<16xf32>
        %broadcast_in_dim3A_506 = vector.shape_cast %xor3A_7 : vector<16xi32> to vector<16x1xi32>
        %gather3A_507 = vector.shape_cast %broadcast_in_dim3A_506 : vector<16x1xi32> to vector<16xi32>
        %gather3A_508 = tpu.dynamic_gather %add3A_477[%gather3A_507] in [0] : vector<16xf32>, vector<16xi32> -> vector<16xf32>
        %add3A_509 = arith.addf %add3A_477, %gather3A_508 : vector<16xf32>
        %broadcast_in_dim3A_510 = vector.shape_cast %xor3A_10 : vector<16xi32> to vector<16x1xi32>
        %gather3A_511 = vector.shape_cast %broadcast_in_dim3A_510 : vector<16x1xi32> to vector<16xi32>
        %gather3A_512 = tpu.dynamic_gather %add3A_481[%gather3A_511] in [0] : vector<16xf32>, vector<16xi32> -> vector<16xf32>
        %add3A_513 = arith.addf %add3A_481, %gather3A_512 : vector<16xf32>
        %broadcast_in_dim3A_514 = vector.shape_cast %xor3A_10 : vector<16xi32> to vector<16x1xi32>
        %gather3A_515 = vector.shape_cast %broadcast_in_dim3A_514 : vector<16x1xi32> to vector<16xi32>
        %gather3A_516 = tpu.dynamic_gather %add3A_485[%gather3A_515] in [0] : vector<16xf32>, vector<16xi32> -> vector<16xf32>
        %add3A_517 = arith.addf %add3A_485, %gather3A_516 : vector<16xf32>
        %broadcast_in_dim3A_518 = vector.shape_cast %xor3A_10 : vector<16xi32> to vector<16x1xi32>
        %gather3A_519 = vector.shape_cast %broadcast_in_dim3A_518 : vector<16x1xi32> to vector<16xi32>
        %gather3A_520 = tpu.dynamic_gather %add3A_489[%gather3A_519] in [0] : vector<16xf32>, vector<16xi32> -> vector<16xf32>
        %add3A_521 = arith.addf %add3A_489, %gather3A_520 : vector<16xf32>
        %broadcast_in_dim3A_522 = vector.shape_cast %xor3A_10 : vector<16xi32> to vector<16x1xi32>
        %gather3A_523 = vector.shape_cast %broadcast_in_dim3A_522 : vector<16x1xi32> to vector<16xi32>
        %gather3A_524 = tpu.dynamic_gather %add3A_493[%gather3A_523] in [0] : vector<16xf32>, vector<16xi32> -> vector<16xf32>
        %add3A_525 = arith.addf %add3A_493, %gather3A_524 : vector<16xf32>
        %broadcast_in_dim3A_526 = vector.shape_cast %xor3A_10 : vector<16xi32> to vector<16x1xi32>
        %gather3A_527 = vector.shape_cast %broadcast_in_dim3A_526 : vector<16x1xi32> to vector<16xi32>
        %gather3A_528 = tpu.dynamic_gather %add3A_497[%gather3A_527] in [0] : vector<16xf32>, vector<16xi32> -> vector<16xf32>
        %add3A_529 = arith.addf %add3A_497, %gather3A_528 : vector<16xf32>
        %broadcast_in_dim3A_530 = vector.shape_cast %xor3A_10 : vector<16xi32> to vector<16x1xi32>
        %gather3A_531 = vector.shape_cast %broadcast_in_dim3A_530 : vector<16x1xi32> to vector<16xi32>
        %gather3A_532 = tpu.dynamic_gather %add3A_501[%gather3A_531] in [0] : vector<16xf32>, vector<16xi32> -> vector<16xf32>
        %add3A_533 = arith.addf %add3A_501, %gather3A_532 : vector<16xf32>
        %broadcast_in_dim3A_534 = vector.shape_cast %xor3A_10 : vector<16xi32> to vector<16x1xi32>
        %gather3A_535 = vector.shape_cast %broadcast_in_dim3A_534 : vector<16x1xi32> to vector<16xi32>
        %gather3A_536 = tpu.dynamic_gather %add3A_505[%gather3A_535] in [0] : vector<16xf32>, vector<16xi32> -> vector<16xf32>
        %add3A_537 = arith.addf %add3A_505, %gather3A_536 : vector<16xf32>
        %broadcast_in_dim3A_538 = vector.shape_cast %xor3A_10 : vector<16xi32> to vector<16x1xi32>
        %gather3A_539 = vector.shape_cast %broadcast_in_dim3A_538 : vector<16x1xi32> to vector<16xi32>
        %gather3A_540 = tpu.dynamic_gather %add3A_509[%gather3A_539] in [0] : vector<16xf32>, vector<16xi32> -> vector<16xf32>
        %add3A_541 = arith.addf %add3A_509, %gather3A_540 : vector<16xf32>
        %broadcast_in_dim3A_542 = vector.shape_cast %xor3A_13 : vector<16xi32> to vector<16x1xi32>
        %gather3A_543 = vector.shape_cast %broadcast_in_dim3A_542 : vector<16x1xi32> to vector<16xi32>
        %gather3A_544 = tpu.dynamic_gather %add3A_513[%gather3A_543] in [0] : vector<16xf32>, vector<16xi32> -> vector<16xf32>
        %add3A_545 = arith.addf %add3A_513, %gather3A_544 : vector<16xf32>
        %broadcast_in_dim3A_546 = vector.shape_cast %xor3A_13 : vector<16xi32> to vector<16x1xi32>
        %gather3A_547 = vector.shape_cast %broadcast_in_dim3A_546 : vector<16x1xi32> to vector<16xi32>
        %gather3A_548 = tpu.dynamic_gather %add3A_517[%gather3A_547] in [0] : vector<16xf32>, vector<16xi32> -> vector<16xf32>
        %add3A_549 = arith.addf %add3A_517, %gather3A_548 : vector<16xf32>
        %broadcast_in_dim3A_550 = vector.shape_cast %xor3A_13 : vector<16xi32> to vector<16x1xi32>
        %gather3A_551 = vector.shape_cast %broadcast_in_dim3A_550 : vector<16x1xi32> to vector<16xi32>
        %gather3A_552 = tpu.dynamic_gather %add3A_521[%gather3A_551] in [0] : vector<16xf32>, vector<16xi32> -> vector<16xf32>
        %add3A_553 = arith.addf %add3A_521, %gather3A_552 : vector<16xf32>
        %broadcast_in_dim3A_554 = vector.shape_cast %xor3A_13 : vector<16xi32> to vector<16x1xi32>
        %gather3A_555 = vector.shape_cast %broadcast_in_dim3A_554 : vector<16x1xi32> to vector<16xi32>
        %gather3A_556 = tpu.dynamic_gather %add3A_525[%gather3A_555] in [0] : vector<16xf32>, vector<16xi32> -> vector<16xf32>
        %add3A_557 = arith.addf %add3A_525, %gather3A_556 : vector<16xf32>
        %broadcast_in_dim3A_558 = vector.shape_cast %xor3A_13 : vector<16xi32> to vector<16x1xi32>
        %gather3A_559 = vector.shape_cast %broadcast_in_dim3A_558 : vector<16x1xi32> to vector<16xi32>
        %gather3A_560 = tpu.dynamic_gather %add3A_529[%gather3A_559] in [0] : vector<16xf32>, vector<16xi32> -> vector<16xf32>
        %add3A_561 = arith.addf %add3A_529, %gather3A_560 : vector<16xf32>
        %broadcast_in_dim3A_562 = vector.shape_cast %xor3A_13 : vector<16xi32> to vector<16x1xi32>
        %gather3A_563 = vector.shape_cast %broadcast_in_dim3A_562 : vector<16x1xi32> to vector<16xi32>
        %gather3A_564 = tpu.dynamic_gather %add3A_533[%gather3A_563] in [0] : vector<16xf32>, vector<16xi32> -> vector<16xf32>
        %add3A_565 = arith.addf %add3A_533, %gather3A_564 : vector<16xf32>
        %broadcast_in_dim3A_566 = vector.shape_cast %xor3A_13 : vector<16xi32> to vector<16x1xi32>
        %gather3A_567 = vector.shape_cast %broadcast_in_dim3A_566 : vector<16x1xi32> to vector<16xi32>
        %gather3A_568 = tpu.dynamic_gather %add3A_537[%gather3A_567] in [0] : vector<16xf32>, vector<16xi32> -> vector<16xf32>
        %add3A_569 = arith.addf %add3A_537, %gather3A_568 : vector<16xf32>
        %broadcast_in_dim3A_570 = vector.shape_cast %xor3A_13 : vector<16xi32> to vector<16x1xi32>
        %gather3A_571 = vector.shape_cast %broadcast_in_dim3A_570 : vector<16x1xi32> to vector<16xi32>
        %gather3A_572 = tpu.dynamic_gather %add3A_541[%gather3A_571] in [0] : vector<16xf32>, vector<16xi32> -> vector<16xf32>
        %add3A_573 = arith.addf %add3A_541, %gather3A_572 : vector<16xf32>
        %mul3A_574 = vector.broadcast %scan3A_72 : f32 to vector<16xf32>
        %mul3A_575 = arith.mulf %add3A_545, %mul3A_574 : vector<16xf32>
        %mul3A_576 = vector.broadcast %scan3A_72 : f32 to vector<16xf32>
        %mul3A_577 = arith.mulf %add3A_549, %mul3A_576 : vector<16xf32>
        %mul3A_578 = vector.broadcast %scan3A_72 : f32 to vector<16xf32>
        %mul3A_579 = arith.mulf %add3A_553, %mul3A_578 : vector<16xf32>
        %mul3A_580 = vector.broadcast %scan3A_72 : f32 to vector<16xf32>
        %mul3A_581 = arith.mulf %add3A_557, %mul3A_580 : vector<16xf32>
        %mul3A_582 = vector.broadcast %scan3A_72 : f32 to vector<16xf32>
        %mul3A_583 = arith.mulf %add3A_561, %mul3A_582 : vector<16xf32>
        %mul3A_584 = arith.mulf %mul3A_575, %mul3A_575 : vector<16xf32>
        %sub3A_585 = arith.subf %mul3A_583, %mul3A_584 : vector<16xf32>
        %add3A_586 = arith.constant 9.99999974E-6 : f32
        %add3A_587 = vector.broadcast %add3A_586 : f32 to vector<16xf32>
        %add3A_588 = arith.addf %sub3A_585, %add3A_587 : vector<16xf32>
        %mul3A_589 = vector.broadcast %scan3A_72 : f32 to vector<16xf32>
        %mul3A_590 = arith.mulf %add3A_565, %mul3A_589 : vector<16xf32>
        %mul3A_591 = arith.mulf %mul3A_577, %mul3A_577 : vector<16xf32>
        %sub3A_592 = arith.subf %mul3A_590, %mul3A_591 : vector<16xf32>
        %add3A_593 = arith.constant 9.99999974E-6 : f32
        %add3A_594 = vector.broadcast %add3A_593 : f32 to vector<16xf32>
        %add3A_595 = arith.addf %sub3A_592, %add3A_594 : vector<16xf32>
        %mul3A_596 = vector.broadcast %scan3A_72 : f32 to vector<16xf32>
        %mul3A_597 = arith.mulf %add3A_569, %mul3A_596 : vector<16xf32>
        %mul3A_598 = arith.mulf %mul3A_579, %mul3A_579 : vector<16xf32>
        %sub3A_599 = arith.subf %mul3A_597, %mul3A_598 : vector<16xf32>
        %add3A_600 = arith.constant 9.99999974E-6 : f32
        %add3A_601 = vector.broadcast %add3A_600 : f32 to vector<16xf32>
        %add3A_602 = arith.addf %sub3A_599, %add3A_601 : vector<16xf32>
        %mul3A_603 = vector.broadcast %scan3A_72 : f32 to vector<16xf32>
        %mul3A_604 = arith.mulf %add3A_573, %mul3A_603 : vector<16xf32>
        %mul3A_605 = arith.mulf %mul3A_581, %mul3A_581 : vector<16xf32>
        %sub3A_606 = arith.subf %mul3A_604, %mul3A_605 : vector<16xf32>
        %add3A_607 = arith.constant 9.99999974E-6 : f32
        %add3A_608 = vector.broadcast %add3A_607 : f32 to vector<16xf32>
        %add3A_609 = arith.addf %sub3A_606, %add3A_608 : vector<16xf32>
        %bitcast_convert_type3A = tpu.bitcast %add3A_588 : vector<16xf32> -> vector<16xi32>
        %shift_right_arithmetic3A = arith.constant 1 : i32
        %shift_right_arithmetic3A_610 = vector.broadcast %shift_right_arithmetic3A : i32 to vector<16xi32>
        %shift_right_arithmetic3A_611 = arith.shrsi %bitcast_convert_type3A, %shift_right_arithmetic3A_610 : vector<16xi32>
        %sub3A_612 = arith.constant 1597463007 : i32
        %sub3A_613 = vector.broadcast %sub3A_612 : i32 to vector<16xi32>
        %sub3A_614 = arith.subi %sub3A_613, %shift_right_arithmetic3A_611 : vector<16xi32>
        %bitcast_convert_type3A_615 = tpu.bitcast %sub3A_614 : vector<16xi32> -> vector<16xf32>
        %bitcast_convert_type3A_616 = tpu.bitcast %add3A_595 : vector<16xf32> -> vector<16xi32>
        %shift_right_arithmetic3A_617 = arith.constant 1 : i32
        %shift_right_arithmetic3A_618 = vector.broadcast %shift_right_arithmetic3A_617 : i32 to vector<16xi32>
        %shift_right_arithmetic3A_619 = arith.shrsi %bitcast_convert_type3A_616, %shift_right_arithmetic3A_618 : vector<16xi32>
        %sub3A_620 = arith.constant 1597463007 : i32
        %sub3A_621 = vector.broadcast %sub3A_620 : i32 to vector<16xi32>
        %sub3A_622 = arith.subi %sub3A_621, %shift_right_arithmetic3A_619 : vector<16xi32>
        %bitcast_convert_type3A_623 = tpu.bitcast %sub3A_622 : vector<16xi32> -> vector<16xf32>
        %bitcast_convert_type3A_624 = tpu.bitcast %add3A_602 : vector<16xf32> -> vector<16xi32>
        %shift_right_arithmetic3A_625 = arith.constant 1 : i32
        %shift_right_arithmetic3A_626 = vector.broadcast %shift_right_arithmetic3A_625 : i32 to vector<16xi32>
        %shift_right_arithmetic3A_627 = arith.shrsi %bitcast_convert_type3A_624, %shift_right_arithmetic3A_626 : vector<16xi32>
        %sub3A_628 = arith.constant 1597463007 : i32
        %sub3A_629 = vector.broadcast %sub3A_628 : i32 to vector<16xi32>
        %sub3A_630 = arith.subi %sub3A_629, %shift_right_arithmetic3A_627 : vector<16xi32>
        %bitcast_convert_type3A_631 = tpu.bitcast %sub3A_630 : vector<16xi32> -> vector<16xf32>
        %bitcast_convert_type3A_632 = tpu.bitcast %add3A_609 : vector<16xf32> -> vector<16xi32>
        %shift_right_arithmetic3A_633 = arith.constant 1 : i32
        %shift_right_arithmetic3A_634 = vector.broadcast %shift_right_arithmetic3A_633 : i32 to vector<16xi32>
        %shift_right_arithmetic3A_635 = arith.shrsi %bitcast_convert_type3A_632, %shift_right_arithmetic3A_634 : vector<16xi32>
        %sub3A_636 = arith.constant 1597463007 : i32
        %sub3A_637 = vector.broadcast %sub3A_636 : i32 to vector<16xi32>
        %sub3A_638 = arith.subi %sub3A_637, %shift_right_arithmetic3A_635 : vector<16xi32>
        %bitcast_convert_type3A_639 = tpu.bitcast %sub3A_638 : vector<16xi32> -> vector<16xf32>
        %mul3A_640 = arith.constant 5.000000e-01 : f32
        %mul3A_641 = vector.broadcast %mul3A_640 : f32 to vector<16xf32>
        %mul3A_642 = arith.mulf %add3A_588, %mul3A_641 : vector<16xf32>
        %mul3A_643 = arith.constant 5.000000e-01 : f32
        %mul3A_644 = vector.broadcast %mul3A_643 : f32 to vector<16xf32>
        %mul3A_645 = arith.mulf %add3A_595, %mul3A_644 : vector<16xf32>
        %mul3A_646 = arith.constant 5.000000e-01 : f32
        %mul3A_647 = vector.broadcast %mul3A_646 : f32 to vector<16xf32>
        %mul3A_648 = arith.mulf %add3A_602, %mul3A_647 : vector<16xf32>
        %mul3A_649 = arith.constant 5.000000e-01 : f32
        %mul3A_650 = vector.broadcast %mul3A_649 : f32 to vector<16xf32>
        %mul3A_651 = arith.mulf %add3A_609, %mul3A_650 : vector<16xf32>
        %mul3A_652 = arith.mulf %bitcast_convert_type3A_615, %bitcast_convert_type3A_615 : vector<16xf32>
        %mul3A_653 = arith.mulf %bitcast_convert_type3A_623, %bitcast_convert_type3A_623 : vector<16xf32>
        %mul3A_654 = arith.mulf %bitcast_convert_type3A_631, %bitcast_convert_type3A_631 : vector<16xf32>
        %mul3A_655 = arith.mulf %bitcast_convert_type3A_639, %bitcast_convert_type3A_639 : vector<16xf32>
        %mul3A_656 = arith.mulf %mul3A_642, %mul3A_652 : vector<16xf32>
        %sub3A_657 = arith.constant 1.500000e+00 : f32
        %sub3A_658 = vector.broadcast %sub3A_657 : f32 to vector<16xf32>
        %sub3A_659 = arith.subf %sub3A_658, %mul3A_656 : vector<16xf32>
        %mul3A_660 = arith.mulf %bitcast_convert_type3A_615, %sub3A_659 : vector<16xf32>
        %mul3A_661 = arith.mulf %mul3A_645, %mul3A_653 : vector<16xf32>
        %sub3A_662 = arith.constant 1.500000e+00 : f32
        %sub3A_663 = vector.broadcast %sub3A_662 : f32 to vector<16xf32>
        %sub3A_664 = arith.subf %sub3A_663, %mul3A_661 : vector<16xf32>
        %mul3A_665 = arith.mulf %bitcast_convert_type3A_623, %sub3A_664 : vector<16xf32>
        %mul3A_666 = arith.mulf %mul3A_648, %mul3A_654 : vector<16xf32>
        %sub3A_667 = arith.constant 1.500000e+00 : f32
        %sub3A_668 = vector.broadcast %sub3A_667 : f32 to vector<16xf32>
        %sub3A_669 = arith.subf %sub3A_668, %mul3A_666 : vector<16xf32>
        %mul3A_670 = arith.mulf %bitcast_convert_type3A_631, %sub3A_669 : vector<16xf32>
        %mul3A_671 = arith.mulf %mul3A_651, %mul3A_655 : vector<16xf32>
        %sub3A_672 = arith.constant 1.500000e+00 : f32
        %sub3A_673 = vector.broadcast %sub3A_672 : f32 to vector<16xf32>
        %sub3A_674 = arith.subf %sub3A_673, %mul3A_671 : vector<16xf32>
        %mul3A_675 = arith.mulf %bitcast_convert_type3A_639, %sub3A_674 : vector<16xf32>
        %mul3A_676 = arith.mulf %mul3A_575, %mul3A_660 : vector<16xf32>
        %mul3A_677 = arith.mulf %mul3A_577, %mul3A_665 : vector<16xf32>
        %mul3A_678 = arith.mulf %mul3A_579, %mul3A_670 : vector<16xf32>
        %mul3A_679 = arith.mulf %mul3A_581, %mul3A_675 : vector<16xf32>
        %mul3A_680 = arith.mulf %add3A_212, %mul3A_660 : vector<16xf32>
        %sub3A_681 = arith.subf %mul3A_680, %mul3A_676 : vector<16xf32>
        %mul3A_682 = arith.mulf %sub3A_681, %get3A_15 : vector<16xf32>
        %add3A_683 = arith.addf %mul3A_682, %get3A_27 : vector<16xf32>
        %add3A_684 = arith.constant 0 : i32
        %add3A_685 = arith.addi %mul3A_199, %add3A_684 : i32
        %swap3A = arith.index_cast %add3A_685 : i32 to index
        %swap3A_686 = arith.constant 0 : index
        %swap3A_687 = tpu.vector_load %arg12[%swap3A, %swap3A_686] {strides = array<i32>} : memref<200x64xf32, #tpu.memory_space<vmem>>, vector<1x16xf32>,
        %swap3A_688 = vector.shape_cast %swap3A_687 : vector<1x16xf32> to vector<16xf32>
        %swap3A_689 = vector.shape_cast %add3A_683 : vector<16xf32> to vector<1x16xf32>
        tpu.vector_store %arg12[%swap3A, %swap3A_686], %swap3A_689 {strides = array<i32>} : memref<200x64xf32, #tpu.memory_space<vmem>>, vector<1x16xf32>,
        %mul3A_690 = arith.mulf %add3A_264, %mul3A_665 : vector<16xf32>
        %sub3A_691 = arith.subf %mul3A_690, %mul3A_677 : vector<16xf32>
        %mul3A_692 = arith.mulf %sub3A_691, %get3A_15 : vector<16xf32>
        %add3A_693 = arith.addf %mul3A_692, %get3A_27 : vector<16xf32>
        %add3A_694 = arith.constant 1 : i32
        %add3A_695 = arith.addi %mul3A_199, %add3A_694 : i32
        %swap3A_696 = arith.index_cast %add3A_695 : i32 to index
        %swap3A_697 = arith.constant 0 : index
        %swap3A_698 = tpu.vector_load %arg12[%swap3A_696, %swap3A_697] {strides = array<i32>} : memref<200x64xf32, #tpu.memory_space<vmem>>, vector<1x16xf32>,
        %swap3A_699 = vector.shape_cast %swap3A_698 : vector<1x16xf32> to vector<16xf32>
        %swap3A_700 = vector.shape_cast %add3A_693 : vector<16xf32> to vector<1x16xf32>
        tpu.vector_store %arg12[%swap3A_696, %swap3A_697], %swap3A_700 {strides = array<i32>} : memref<200x64xf32, #tpu.memory_space<vmem>>, vector<1x16xf32>,
        %mul3A_701 = arith.mulf %add3A_316, %mul3A_670 : vector<16xf32>
        %sub3A_702 = arith.subf %mul3A_701, %mul3A_678 : vector<16xf32>
        %mul3A_703 = arith.mulf %sub3A_702, %get3A_15 : vector<16xf32>
        %add3A_704 = arith.addf %mul3A_703, %get3A_27 : vector<16xf32>
        %add3A_705 = arith.constant 2 : i32
        %add3A_706 = arith.addi %mul3A_199, %add3A_705 : i32
        %swap3A_707 = arith.index_cast %add3A_706 : i32 to index
        %swap3A_708 = arith.constant 0 : index
        %swap3A_709 = tpu.vector_load %arg12[%swap3A_707, %swap3A_708] {strides = array<i32>} : memref<200x64xf32, #tpu.memory_space<vmem>>, vector<1x16xf32>,
        %swap3A_710 = vector.shape_cast %swap3A_709 : vector<1x16xf32> to vector<16xf32>
        %swap3A_711 = vector.shape_cast %add3A_704 : vector<16xf32> to vector<1x16xf32>
        tpu.vector_store %arg12[%swap3A_707, %swap3A_708], %swap3A_711 {strides = array<i32>} : memref<200x64xf32, #tpu.memory_space<vmem>>, vector<1x16xf32>,
        %mul3A_712 = arith.mulf %add3A_368, %mul3A_675 : vector<16xf32>
        %sub3A_713 = arith.subf %mul3A_712, %mul3A_679 : vector<16xf32>
        %mul3A_714 = arith.mulf %sub3A_713, %get3A_15 : vector<16xf32>
        %add3A_715 = arith.addf %mul3A_714, %get3A_27 : vector<16xf32>
        %add3A_716 = arith.constant 3 : i32
        %add3A_717 = arith.addi %mul3A_199, %add3A_716 : i32
        %swap3A_718 = arith.index_cast %add3A_717 : i32 to index
        %swap3A_719 = arith.constant 0 : index
        %swap3A_720 = tpu.vector_load %arg12[%swap3A_718, %swap3A_719] {strides = array<i32>} : memref<200x64xf32, #tpu.memory_space<vmem>>, vector<1x16xf32>,
        %swap3A_721 = vector.shape_cast %swap3A_720 : vector<1x16xf32> to vector<16xf32>
        %swap3A_722 = vector.shape_cast %add3A_715 : vector<16xf32> to vector<1x16xf32>
        tpu.vector_store %arg12[%swap3A_718, %swap3A_719], %swap3A_722 {strides = array<i32>} : memref<200x64xf32, #tpu.memory_space<vmem>>, vector<1x16xf32>,
        %mul3A_723 = arith.mulf %add3A_225, %mul3A_660 : vector<16xf32>
        %sub3A_724 = arith.subf %mul3A_723, %mul3A_676 : vector<16xf32>
        %mul3A_725 = arith.mulf %sub3A_724, %get3A_18 : vector<16xf32>
        %add3A_726 = arith.addf %mul3A_725, %get3A_30 : vector<16xf32>
        %add3A_727 = arith.constant 0 : i32
        %add3A_728 = arith.addi %mul3A_199, %add3A_727 : i32
        %swap3A_729 = arith.index_cast %add3A_728 : i32 to index
        %swap3A_730 = arith.constant 16 : index
        %swap3A_731 = tpu.vector_load %arg12[%swap3A_729, %swap3A_730] {strides = array<i32>} : memref<200x64xf32, #tpu.memory_space<vmem>>, vector<1x16xf32>,
        %swap3A_732 = vector.shape_cast %swap3A_731 : vector<1x16xf32> to vector<16xf32>
        %swap3A_733 = vector.shape_cast %add3A_726 : vector<16xf32> to vector<1x16xf32>
        tpu.vector_store %arg12[%swap3A_729, %swap3A_730], %swap3A_733 {strides = array<i32>} : memref<200x64xf32, #tpu.memory_space<vmem>>, vector<1x16xf32>,
        %mul3A_734 = arith.mulf %add3A_277, %mul3A_665 : vector<16xf32>
        %sub3A_735 = arith.subf %mul3A_734, %mul3A_677 : vector<16xf32>
        %mul3A_736 = arith.mulf %sub3A_735, %get3A_18 : vector<16xf32>
        %add3A_737 = arith.addf %mul3A_736, %get3A_30 : vector<16xf32>
        %add3A_738 = arith.constant 1 : i32
        %add3A_739 = arith.addi %mul3A_199, %add3A_738 : i32
        %swap3A_740 = arith.index_cast %add3A_739 : i32 to index
        %swap3A_741 = arith.constant 16 : index
        %swap3A_742 = tpu.vector_load %arg12[%swap3A_740, %swap3A_741] {strides = array<i32>} : memref<200x64xf32, #tpu.memory_space<vmem>>, vector<1x16xf32>,
        %swap3A_743 = vector.shape_cast %swap3A_742 : vector<1x16xf32> to vector<16xf32>
        %swap3A_744 = vector.shape_cast %add3A_737 : vector<16xf32> to vector<1x16xf32>
        tpu.vector_store %arg12[%swap3A_740, %swap3A_741], %swap3A_744 {strides = array<i32>} : memref<200x64xf32, #tpu.memory_space<vmem>>, vector<1x16xf32>,
        %mul3A_745 = arith.mulf %add3A_329, %mul3A_670 : vector<16xf32>
        %sub3A_746 = arith.subf %mul3A_745, %mul3A_678 : vector<16xf32>
        %mul3A_747 = arith.mulf %sub3A_746, %get3A_18 : vector<16xf32>
        %add3A_748 = arith.addf %mul3A_747, %get3A_30 : vector<16xf32>
        %add3A_749 = arith.constant 2 : i32
        %add3A_750 = arith.addi %mul3A_199, %add3A_749 : i32
        %swap3A_751 = arith.index_cast %add3A_750 : i32 to index
        %swap3A_752 = arith.constant 16 : index
        %swap3A_753 = tpu.vector_load %arg12[%swap3A_751, %swap3A_752] {strides = array<i32>} : memref<200x64xf32, #tpu.memory_space<vmem>>, vector<1x16xf32>,
        %swap3A_754 = vector.shape_cast %swap3A_753 : vector<1x16xf32> to vector<16xf32>
        %swap3A_755 = vector.shape_cast %add3A_748 : vector<16xf32> to vector<1x16xf32>
        tpu.vector_store %arg12[%swap3A_751, %swap3A_752], %swap3A_755 {strides = array<i32>} : memref<200x64xf32, #tpu.memory_space<vmem>>, vector<1x16xf32>,
        %mul3A_756 = arith.mulf %add3A_381, %mul3A_675 : vector<16xf32>
        %sub3A_757 = arith.subf %mul3A_756, %mul3A_679 : vector<16xf32>
        %mul3A_758 = arith.mulf %sub3A_757, %get3A_18 : vector<16xf32>
        %add3A_759 = arith.addf %mul3A_758, %get3A_30 : vector<16xf32>
        %add3A_760 = arith.constant 3 : i32
        %add3A_761 = arith.addi %mul3A_199, %add3A_760 : i32
        %swap3A_762 = arith.index_cast %add3A_761 : i32 to index
        %swap3A_763 = arith.constant 16 : index
        %swap3A_764 = tpu.vector_load %arg12[%swap3A_762, %swap3A_763] {strides = array<i32>} : memref<200x64xf32, #tpu.memory_space<vmem>>, vector<1x16xf32>,
        %swap3A_765 = vector.shape_cast %swap3A_764 : vector<1x16xf32> to vector<16xf32>
        %swap3A_766 = vector.shape_cast %add3A_759 : vector<16xf32> to vector<1x16xf32>
        tpu.vector_store %arg12[%swap3A_762, %swap3A_763], %swap3A_766 {strides = array<i32>} : memref<200x64xf32, #tpu.memory_space<vmem>>, vector<1x16xf32>,
        %mul3A_767 = arith.mulf %add3A_238, %mul3A_660 : vector<16xf32>
        %sub3A_768 = arith.subf %mul3A_767, %mul3A_676 : vector<16xf32>
        %mul3A_769 = arith.mulf %sub3A_768, %get3A_21 : vector<16xf32>
        %add3A_770 = arith.addf %mul3A_769, %get3A_33 : vector<16xf32>
        %add3A_771 = arith.constant 0 : i32
        %add3A_772 = arith.addi %mul3A_199, %add3A_771 : i32
        %swap3A_773 = arith.index_cast %add3A_772 : i32 to index
        %swap3A_774 = arith.constant 32 : index
        %swap3A_775 = tpu.vector_load %arg12[%swap3A_773, %swap3A_774] {strides = array<i32>} : memref<200x64xf32, #tpu.memory_space<vmem>>, vector<1x16xf32>,
        %swap3A_776 = vector.shape_cast %swap3A_775 : vector<1x16xf32> to vector<16xf32>
        %swap3A_777 = vector.shape_cast %add3A_770 : vector<16xf32> to vector<1x16xf32>
        tpu.vector_store %arg12[%swap3A_773, %swap3A_774], %swap3A_777 {strides = array<i32>} : memref<200x64xf32, #tpu.memory_space<vmem>>, vector<1x16xf32>,
        %mul3A_778 = arith.mulf %add3A_290, %mul3A_665 : vector<16xf32>
        %sub3A_779 = arith.subf %mul3A_778, %mul3A_677 : vector<16xf32>
        %mul3A_780 = arith.mulf %sub3A_779, %get3A_21 : vector<16xf32>
        %add3A_781 = arith.addf %mul3A_780, %get3A_33 : vector<16xf32>
        %add3A_782 = arith.constant 1 : i32
        %add3A_783 = arith.addi %mul3A_199, %add3A_782 : i32
        %swap3A_784 = arith.index_cast %add3A_783 : i32 to index
        %swap3A_785 = arith.constant 32 : index
        %swap3A_786 = tpu.vector_load %arg12[%swap3A_784, %swap3A_785] {strides = array<i32>} : memref<200x64xf32, #tpu.memory_space<vmem>>, vector<1x16xf32>,
        %swap3A_787 = vector.shape_cast %swap3A_786 : vector<1x16xf32> to vector<16xf32>
        %swap3A_788 = vector.shape_cast %add3A_781 : vector<16xf32> to vector<1x16xf32>
        tpu.vector_store %arg12[%swap3A_784, %swap3A_785], %swap3A_788 {strides = array<i32>} : memref<200x64xf32, #tpu.memory_space<vmem>>, vector<1x16xf32>,
        %mul3A_789 = arith.mulf %add3A_342, %mul3A_670 : vector<16xf32>
        %sub3A_790 = arith.subf %mul3A_789, %mul3A_678 : vector<16xf32>
        %mul3A_791 = arith.mulf %sub3A_790, %get3A_21 : vector<16xf32>
        %add3A_792 = arith.addf %mul3A_791, %get3A_33 : vector<16xf32>
        %add3A_793 = arith.constant 2 : i32
        %add3A_794 = arith.addi %mul3A_199, %add3A_793 : i32
        %swap3A_795 = arith.index_cast %add3A_794 : i32 to index
        %swap3A_796 = arith.constant 32 : index
        %swap3A_797 = tpu.vector_load %arg12[%swap3A_795, %swap3A_796] {strides = array<i32>} : memref<200x64xf32, #tpu.memory_space<vmem>>, vector<1x16xf32>,
        %swap3A_798 = vector.shape_cast %swap3A_797 : vector<1x16xf32> to vector<16xf32>
        %swap3A_799 = vector.shape_cast %add3A_792 : vector<16xf32> to vector<1x16xf32>
        tpu.vector_store %arg12[%swap3A_795, %swap3A_796], %swap3A_799 {strides = array<i32>} : memref<200x64xf32, #tpu.memory_space<vmem>>, vector<1x16xf32>,
        %mul3A_800 = arith.mulf %add3A_394, %mul3A_675 : vector<16xf32>
        %sub3A_801 = arith.subf %mul3A_800, %mul3A_679 : vector<16xf32>
        %mul3A_802 = arith.mulf %sub3A_801, %get3A_21 : vector<16xf32>
        %add3A_803 = arith.addf %mul3A_802, %get3A_33 : vector<16xf32>
        %add3A_804 = arith.constant 3 : i32
        %add3A_805 = arith.addi %mul3A_199, %add3A_804 : i32
        %swap3A_806 = arith.index_cast %add3A_805 : i32 to index
        %swap3A_807 = arith.constant 32 : index
        %swap3A_808 = tpu.vector_load %arg12[%swap3A_806, %swap3A_807] {strides = array<i32>} : memref<200x64xf32, #tpu.memory_space<vmem>>, vector<1x16xf32>,
        %swap3A_809 = vector.shape_cast %swap3A_808 : vector<1x16xf32> to vector<16xf32>
        %swap3A_810 = vector.shape_cast %add3A_803 : vector<16xf32> to vector<1x16xf32>
        tpu.vector_store %arg12[%swap3A_806, %swap3A_807], %swap3A_810 {strides = array<i32>} : memref<200x64xf32, #tpu.memory_space<vmem>>, vector<1x16xf32>,
        %mul3A_811 = arith.mulf %add3A_251, %mul3A_660 : vector<16xf32>
        %sub3A_812 = arith.subf %mul3A_811, %mul3A_676 : vector<16xf32>
        %mul3A_813 = arith.mulf %sub3A_812, %get3A_24 : vector<16xf32>
        %add3A_814 = arith.addf %mul3A_813, %get3A_36 : vector<16xf32>
        %add3A_815 = arith.constant 0 : i32
        %add3A_816 = arith.addi %mul3A_199, %add3A_815 : i32
        %swap3A_817 = arith.index_cast %add3A_816 : i32 to index
        %swap3A_818 = arith.constant 48 : index
        %swap3A_819 = tpu.vector_load %arg12[%swap3A_817, %swap3A_818] {strides = array<i32>} : memref<200x64xf32, #tpu.memory_space<vmem>>, vector<1x16xf32>,
        %swap3A_820 = vector.shape_cast %swap3A_819 : vector<1x16xf32> to vector<16xf32>
        %swap3A_821 = vector.shape_cast %add3A_814 : vector<16xf32> to vector<1x16xf32>
        tpu.vector_store %arg12[%swap3A_817, %swap3A_818], %swap3A_821 {strides = array<i32>} : memref<200x64xf32, #tpu.memory_space<vmem>>, vector<1x16xf32>,
        %mul3A_822 = arith.mulf %add3A_303, %mul3A_665 : vector<16xf32>
        %sub3A_823 = arith.subf %mul3A_822, %mul3A_677 : vector<16xf32>
        %mul3A_824 = arith.mulf %sub3A_823, %get3A_24 : vector<16xf32>
        %add3A_825 = arith.addf %mul3A_824, %get3A_36 : vector<16xf32>
        %add3A_826 = arith.constant 1 : i32
        %add3A_827 = arith.addi %mul3A_199, %add3A_826 : i32
        %swap3A_828 = arith.index_cast %add3A_827 : i32 to index
        %swap3A_829 = arith.constant 48 : index
        %swap3A_830 = tpu.vector_load %arg12[%swap3A_828, %swap3A_829] {strides = array<i32>} : memref<200x64xf32, #tpu.memory_space<vmem>>, vector<1x16xf32>,
        %swap3A_831 = vector.shape_cast %swap3A_830 : vector<1x16xf32> to vector<16xf32>
        %swap3A_832 = vector.shape_cast %add3A_825 : vector<16xf32> to vector<1x16xf32>
        tpu.vector_store %arg12[%swap3A_828, %swap3A_829], %swap3A_832 {strides = array<i32>} : memref<200x64xf32, #tpu.memory_space<vmem>>, vector<1x16xf32>,
        %mul3A_833 = arith.mulf %add3A_355, %mul3A_670 : vector<16xf32>
        %sub3A_834 = arith.subf %mul3A_833, %mul3A_678 : vector<16xf32>
        %mul3A_835 = arith.mulf %sub3A_834, %get3A_24 : vector<16xf32>
        %add3A_836 = arith.addf %mul3A_835, %get3A_36 : vector<16xf32>
        %add3A_837 = arith.constant 2 : i32
        %add3A_838 = arith.addi %mul3A_199, %add3A_837 : i32
        %swap3A_839 = arith.index_cast %add3A_838 : i32 to index
        %swap3A_840 = arith.constant 48 : index
        %swap3A_841 = tpu.vector_load %arg12[%swap3A_839, %swap3A_840] {strides = array<i32>} : memref<200x64xf32, #tpu.memory_space<vmem>>, vector<1x16xf32>,
        %swap3A_842 = vector.shape_cast %swap3A_841 : vector<1x16xf32> to vector<16xf32>
        %swap3A_843 = vector.shape_cast %add3A_836 : vector<16xf32> to vector<1x16xf32>
        tpu.vector_store %arg12[%swap3A_839, %swap3A_840], %swap3A_843 {strides = array<i32>} : memref<200x64xf32, #tpu.memory_space<vmem>>, vector<1x16xf32>,
        %mul3A_844 = arith.mulf %add3A_407, %mul3A_675 : vector<16xf32>
        %sub3A_845 = arith.subf %mul3A_844, %mul3A_679 : vector<16xf32>
        %mul3A_846 = arith.mulf %sub3A_845, %get3A_24 : vector<16xf32>
        %add3A_847 = arith.addf %mul3A_846, %get3A_36 : vector<16xf32>
        %add3A_848 = arith.constant 3 : i32
        %add3A_849 = arith.addi %mul3A_199, %add3A_848 : i32
        %swap3A_850 = arith.index_cast %add3A_849 : i32 to index
        %swap3A_851 = arith.constant 48 : index
        %swap3A_852 = tpu.vector_load %arg12[%swap3A_850, %swap3A_851] {strides = array<i32>} : memref<200x64xf32, #tpu.memory_space<vmem>>, vector<1x16xf32>,
        %swap3A_853 = vector.shape_cast %swap3A_852 : vector<1x16xf32> to vector<16xf32>
        %swap3A_854 = vector.shape_cast %add3A_847 : vector<16xf32> to vector<1x16xf32>
        tpu.vector_store %arg12[%swap3A_850, %swap3A_851], %swap3A_854 {strides = array<i32>} : memref<200x64xf32, #tpu.memory_space<vmem>>, vector<1x16xf32>,
      }
      %scan3A_137 = arith.constant 50 : i32
      %dma_start3A_138 = arith.constant 0 : i32
      %dma_start3A_139 = arith.constant 0 : i32
      %dma_start3A_140 = tpu.memref_slice %arg7[%add3A_109, %dma_start3A_138, %dma_start3A_139] : memref<1024x200x128xf32, #tpu.memory_space<hbm>> -> memref<1x200x64xf32, #tpu.memory_space<hbm>>
      %dma_start3A_141 = tpu.memref_squeeze %dma_start3A_140 : memref<1x200x64xf32, #tpu.memory_space<hbm>> -> memref<200x64xf32, #tpu.memory_space<hbm>>
      %dma_start3A_142 = arith.constant 0 : i32
      %dma_start3A_143 = arith.constant 0 : i32
      %dma_start3A_144 = tpu.memref_slice %arg7[%add3A_109, %dma_start3A_142, %dma_start3A_143] : memref<1024x200x128xf32, #tpu.memory_space<hbm>> -> memref<1x200x64xf32, #tpu.memory_space<hbm>>
      %dma_start3A_145 = tpu.memref_squeeze %dma_start3A_144 : memref<1x200x64xf32, #tpu.memory_space<hbm>> -> memref<200x64xf32, #tpu.memory_space<hbm>>
      tpu.enqueue_dma source(%arg12 : memref<200x64xf32, #tpu.memory_space<vmem>>) target(%dma_start3A_145 : memref<200x64xf32, #tpu.memory_space<hbm>>) target_semaphore(%arg19 : memref<!tpu.dma_semaphore, #tpu.memory_space<semaphore_mem>>)
      %convert_element_type3A_146 = arith.extui %lt3A_110 : i1 to i32
      %cond3A_147 = arith.constant 0 : i32
      %cond3A_148 = arith.cmpi ne, %convert_element_type3A_146, %cond3A_147 : i32
      scf.if %cond3A_148 {
        %add3A_197 = arith.constant 2 : i32
        %add3A_198 = arith.addi %add3A_109, %add3A_197 : i32
        %dma_wait3A_199 = arith.constant 0 : i32
        %dma_wait3A_200 = tpu.memref_slice %arg2[%add3A_198, %dma_wait3A_199] : memref<1024x200xi32, #tpu.memory_space<hbm>> -> memref<1x200xi32, #tpu.memory_space<hbm>>
        %dma_wait3A_201 = tpu.memref_squeeze %dma_wait3A_200 : memref<1x200xi32, #tpu.memory_space<hbm>> -> memref<200xi32, #tpu.memory_space<hbm>>
        %dma_wait3A_202 = arith.constant 0 : i32
        %dma_wait3A_203 = tpu.memref_slice %arg2[%add3A_198, %dma_wait3A_202] : memref<1024x200xi32, #tpu.memory_space<hbm>> -> memref<1x200xi32, #tpu.memory_space<hbm>>
        %dma_wait3A_204 = tpu.memref_squeeze %dma_wait3A_203 : memref<1x200xi32, #tpu.memory_space<hbm>> -> memref<200xi32, #tpu.memory_space<hbm>>
        tpu.wait_dma2 semaphore(%arg21 : memref<!tpu.dma_semaphore, #tpu.memory_space<semaphore_mem>>) src(%dma_wait3A_204 : memref<200xi32, #tpu.memory_space<hbm>>) dst(%arg8 : memref<200xi32, #tpu.memory_space<vmem>>)
        %dma_start3A_205 = arith.constant 0 : i32
        %dma_start3A_206 = arith.constant 0 : i32
        %dma_start3A_207 = tpu.memref_slice %arg10[%dma_start3A_205, %dma_start3A_206] : memref<200x64xf32, #tpu.memory_space<vmem>> -> memref<104x64xf32, #tpu.memory_space<vmem>>
        %dma_start3A_208 = arith.constant 0 : i32
        %dma_start3A_209 = tpu.memref_slice %arg8[%dma_start3A_208] : memref<200xi32, #tpu.memory_space<vmem>> -> memref<104xi32, #tpu.memory_space<vmem>>
        %dma_start3A_210 = arith.constant 0 : i32
        %dma_start3A_211 = arith.constant 0 : i32
        %dma_start3A_212 = tpu.memref_slice %arg3[%dma_start3A_210, %dma_start3A_211] : memref<100000x64xf32, #tpu.memory_space<hbm>> -> memref<100000x64xf32, #tpu.memory_space<hbm>>
        tpu.enqueue_indirect_dma source(%dma_start3A_212 : memref<100000x64xf32, #tpu.memory_space<hbm>>) target(%dma_start3A_207 : memref<104x64xf32, #tpu.memory_space<vmem>>) offsets(%dma_start3A_209 : memref<104xi32, #tpu.memory_space<vmem>>) semaphore(%arg17 : memref<!tpu.dma_semaphore, #tpu.memory_space<semaphore_mem>>)
        %dma_start3A_213 = arith.constant 104 : i32
        %dma_start3A_214 = arith.constant 0 : i32
        %dma_start3A_215 = tpu.memref_slice %arg10[%dma_start3A_213, %dma_start3A_214] : memref<200x64xf32, #tpu.memory_space<vmem>> -> memref<96x64xf32, #tpu.memory_space<vmem>>
        %dma_start3A_216 = arith.constant 104 : i32
        %dma_start3A_217 = tpu.memref_slice %arg8[%dma_start3A_216] : memref<200xi32, #tpu.memory_space<vmem>> -> memref<96xi32, #tpu.memory_space<vmem>>
        %dma_start3A_218 = arith.constant 0 : i32
        %dma_start3A_219 = arith.constant 0 : i32
        %dma_start3A_220 = tpu.memref_slice %arg3[%dma_start3A_218, %dma_start3A_219] : memref<100000x64xf32, #tpu.memory_space<hbm>> -> memref<100000x64xf32, #tpu.memory_space<hbm>>
        tpu.enqueue_indirect_dma source(%dma_start3A_220 : memref<100000x64xf32, #tpu.memory_space<hbm>>) target(%dma_start3A_215 : memref<96x64xf32, #tpu.memory_space<vmem>>) offsets(%dma_start3A_217 : memref<96xi32, #tpu.memory_space<vmem>>) semaphore(%arg17 : memref<!tpu.dma_semaphore, #tpu.memory_space<semaphore_mem>>)
      } else {
      }
      %mul3A_149 = arith.constant 2 : i32
      %mul3A_150 = arith.muli %scan3A_104, %mul3A_149 : i32
      %add3A_151 = arith.addi %mul3A_2, %mul3A_150 : i32
      %add3A_152 = arith.constant 1 : i32
      %add3A_153 = arith.addi %add3A_151, %add3A_152 : i32
      %lt3A_154 = arith.constant 15 : i32
      %lt3A_155 = arith.cmpi slt, %scan3A_104, %lt3A_154 : i32
      %dma_wait3A_156 = arith.constant 0 : i32
      %dma_wait3A_157 = arith.constant 0 : i32
      %dma_wait3A_158 = tpu.memref_slice %arg11[%dma_wait3A_156, %dma_wait3A_157] : memref<200x64xf32, #tpu.memory_space<vmem>> -> memref<104x64xf32, #tpu.memory_space<vmem>>
      %dma_wait3A_159 = arith.constant 0 : i32
      %dma_wait3A_160 = tpu.memref_slice %arg9[%dma_wait3A_159] : memref<200xi32, #tpu.memory_space<vmem>> -> memref<104xi32, #tpu.memory_space<vmem>>
      %dma_wait3A_161 = arith.constant 0 : i32
      %dma_wait3A_162 = arith.constant 0 : i32
      %dma_wait3A_163 = tpu.memref_slice %arg3[%dma_wait3A_161, %dma_wait3A_162] : memref<100000x64xf32, #tpu.memory_space<hbm>> -> memref<100000x64xf32, #tpu.memory_space<hbm>>
      tpu.wait_indirect_dma semaphore(%arg18 : memref<!tpu.dma_semaphore, #tpu.memory_space<semaphore_mem>>) src(%dma_wait3A_163 : memref<100000x64xf32, #tpu.memory_space<hbm>>) dst(%dma_wait3A_158 : memref<104x64xf32, #tpu.memory_space<vmem>>)
      %dma_wait3A_164 = arith.constant 104 : i32
      %dma_wait3A_165 = arith.constant 0 : i32
      %dma_wait3A_166 = tpu.memref_slice %arg11[%dma_wait3A_164, %dma_wait3A_165] : memref<200x64xf32, #tpu.memory_space<vmem>> -> memref<96x64xf32, #tpu.memory_space<vmem>>
      %dma_wait3A_167 = arith.constant 104 : i32
      %dma_wait3A_168 = tpu.memref_slice %arg9[%dma_wait3A_167] : memref<200xi32, #tpu.memory_space<vmem>> -> memref<96xi32, #tpu.memory_space<vmem>>
      %dma_wait3A_169 = arith.constant 0 : i32
      %dma_wait3A_170 = arith.constant 0 : i32
      %dma_wait3A_171 = tpu.memref_slice %arg3[%dma_wait3A_169, %dma_wait3A_170] : memref<100000x64xf32, #tpu.memory_space<hbm>> -> memref<100000x64xf32, #tpu.memory_space<hbm>>
      tpu.wait_indirect_dma semaphore(%arg18 : memref<!tpu.dma_semaphore, #tpu.memory_space<semaphore_mem>>) src(%dma_wait3A_171 : memref<100000x64xf32, #tpu.memory_space<hbm>>) dst(%dma_wait3A_166 : memref<96x64xf32, #tpu.memory_space<vmem>>)
      %convert_element_type3A_172 = arith.extui %lt3A_155 : i1 to i32
      %cond3A_173 = arith.constant 0 : i32
      %cond3A_174 = arith.cmpi ne, %convert_element_type3A_172, %cond3A_173 : i32
      scf.if %cond3A_174 {
        %add3A_197 = arith.constant 2 : i32
        %add3A_198 = arith.addi %add3A_153, %add3A_197 : i32
        %dma_start3A_199 = arith.constant 0 : i32
        %dma_start3A_200 = tpu.memref_slice %arg2[%add3A_198, %dma_start3A_199] : memref<1024x200xi32, #tpu.memory_space<hbm>> -> memref<1x200xi32, #tpu.memory_space<hbm>>
        %dma_start3A_201 = tpu.memref_squeeze %dma_start3A_200 : memref<1x200xi32, #tpu.memory_space<hbm>> -> memref<200xi32, #tpu.memory_space<hbm>>
        %dma_start3A_202 = arith.constant 0 : i32
        %dma_start3A_203 = tpu.memref_slice %arg2[%add3A_198, %dma_start3A_202] : memref<1024x200xi32, #tpu.memory_space<hbm>> -> memref<1x200xi32, #tpu.memory_space<hbm>>
        %dma_start3A_204 = tpu.memref_squeeze %dma_start3A_203 : memref<1x200xi32, #tpu.memory_space<hbm>> -> memref<200xi32, #tpu.memory_space<hbm>>
        tpu.enqueue_dma source(%dma_start3A_204 : memref<200xi32, #tpu.memory_space<hbm>>) target(%arg9 : memref<200xi32, #tpu.memory_space<vmem>>) target_semaphore(%arg22 : memref<!tpu.dma_semaphore, #tpu.memory_space<semaphore_mem>>)
      } else {
      }
      %gt3A_175 = arith.constant 0 : i32
      %gt3A_176 = arith.cmpi sgt, %scan3A_104, %gt3A_175 : i32
      %convert_element_type3A_177 = arith.extui %gt3A_176 : i1 to i32
      %cond3A_178 = arith.constant 0 : i32
      %cond3A_179 = arith.cmpi ne, %convert_element_type3A_177, %cond3A_178 : i32
      scf.if %cond3A_179 {
        %sub3A_197 = arith.constant 2 : i32
        %sub3A_198 = arith.subi %add3A_153, %sub3A_197 : i32
        %dma_wait3A_199 = arith.constant 0 : i32
        %dma_wait3A_200 = arith.constant 0 : i32
        %dma_wait3A_201 = tpu.memref_slice %arg7[%sub3A_198, %dma_wait3A_199, %dma_wait3A_200] : memref<1024x200x128xf32, #tpu.memory_space<hbm>> -> memref<1x200x64xf32, #tpu.memory_space<hbm>>
        %dma_wait3A_202 = tpu.memref_squeeze %dma_wait3A_201 : memref<1x200x64xf32, #tpu.memory_space<hbm>> -> memref<200x64xf32, #tpu.memory_space<hbm>>
        %dma_wait3A_203 = arith.constant 0 : i32
        %dma_wait3A_204 = arith.constant 0 : i32
        %dma_wait3A_205 = tpu.memref_slice %arg7[%sub3A_198, %dma_wait3A_203, %dma_wait3A_204] : memref<1024x200x128xf32, #tpu.memory_space<hbm>> -> memref<1x200x64xf32, #tpu.memory_space<hbm>>
        %dma_wait3A_206 = tpu.memref_squeeze %dma_wait3A_205 : memref<1x200x64xf32, #tpu.memory_space<hbm>> -> memref<200x64xf32, #tpu.memory_space<hbm>>
        tpu.wait_dma2 semaphore(%arg20 : memref<!tpu.dma_semaphore, #tpu.memory_space<semaphore_mem>>) src(%arg13 : memref<200x64xf32, #tpu.memory_space<vmem>>) dst(%dma_wait3A_206 : memref<200x64xf32, #tpu.memory_space<hbm>>)
      } else {
      }
      %scan3A_180 = arith.constant 0 : i32
      %scan3A_181 = arith.constant 0 : i32
      %scan3A_182 = arith.constant 50 : i32
      %scan3A_183 = arith.addi %scan3A_181, %scan3A_182 : i32
      %scan3A_184 = arith.constant 1 : i32
      scf.for %scan3A_197 = %scan3A_181 to %scan3A_183 step %scan3A_184  : i32 {
        %mul3A_198 = arith.constant 4 : i32
        %mul3A_199 = arith.muli %scan3A_197, %mul3A_198 : i32
        %add3A_200 = arith.constant 0 : i32
        %add3A_201 = arith.addi %mul3A_199, %add3A_200 : i32
        %get3A_202 = arith.index_cast %add3A_201 : i32 to index
        %get3A_203 = arith.constant 0 : index
        %get3A_204 = tpu.vector_load %arg11[%get3A_202, %get3A_203] {strides = array<i32>} : memref<200x64xf32, #tpu.memory_space<vmem>>, vector<1x16xf32>,
        %get3A_205 = vector.shape_cast %get3A_204 : vector<1x16xf32> to vector<16xf32>
        %add3A_206 = arith.constant 0 : i32
        %add3A_207 = arith.addi %mul3A_199, %add3A_206 : i32
        %get3A_208 = arith.index_cast %add3A_207 : i32 to index
        %get3A_209 = arith.constant 0 : index
        %get3A_210 = tpu.vector_load %arg14[%get3A_208, %get3A_209] {strides = array<i32>} : memref<200x64xf32, #tpu.memory_space<vmem>>, vector<1x16xf32>,
        %get3A_211 = vector.shape_cast %get3A_210 : vector<1x16xf32> to vector<16xf32>
        %add3A_212 = arith.addf %get3A_205, %get3A_211 : vector<16xf32>
        %add3A_213 = arith.constant 0 : i32
        %add3A_214 = arith.addi %mul3A_199, %add3A_213 : i32
        %get3A_215 = arith.index_cast %add3A_214 : i32 to index
        %get3A_216 = arith.constant 16 : index
        %get3A_217 = tpu.vector_load %arg11[%get3A_215, %get3A_216] {strides = array<i32>} : memref<200x64xf32, #tpu.memory_space<vmem>>, vector<1x16xf32>,
        %get3A_218 = vector.shape_cast %get3A_217 : vector<1x16xf32> to vector<16xf32>
        %add3A_219 = arith.constant 0 : i32
        %add3A_220 = arith.addi %mul3A_199, %add3A_219 : i32
        %get3A_221 = arith.index_cast %add3A_220 : i32 to index
        %get3A_222 = arith.constant 16 : index
        %get3A_223 = tpu.vector_load %arg14[%get3A_221, %get3A_222] {strides = array<i32>} : memref<200x64xf32, #tpu.memory_space<vmem>>, vector<1x16xf32>,
        %get3A_224 = vector.shape_cast %get3A_223 : vector<1x16xf32> to vector<16xf32>
        %add3A_225 = arith.addf %get3A_218, %get3A_224 : vector<16xf32>
        %add3A_226 = arith.constant 0 : i32
        %add3A_227 = arith.addi %mul3A_199, %add3A_226 : i32
        %get3A_228 = arith.index_cast %add3A_227 : i32 to index
        %get3A_229 = arith.constant 32 : index
        %get3A_230 = tpu.vector_load %arg11[%get3A_228, %get3A_229] {strides = array<i32>} : memref<200x64xf32, #tpu.memory_space<vmem>>, vector<1x16xf32>,
        %get3A_231 = vector.shape_cast %get3A_230 : vector<1x16xf32> to vector<16xf32>
        %add3A_232 = arith.constant 0 : i32
        %add3A_233 = arith.addi %mul3A_199, %add3A_232 : i32
        %get3A_234 = arith.index_cast %add3A_233 : i32 to index
        %get3A_235 = arith.constant 32 : index
        %get3A_236 = tpu.vector_load %arg14[%get3A_234, %get3A_235] {strides = array<i32>} : memref<200x64xf32, #tpu.memory_space<vmem>>, vector<1x16xf32>,
        %get3A_237 = vector.shape_cast %get3A_236 : vector<1x16xf32> to vector<16xf32>
        %add3A_238 = arith.addf %get3A_231, %get3A_237 : vector<16xf32>
        %add3A_239 = arith.constant 0 : i32
        %add3A_240 = arith.addi %mul3A_199, %add3A_239 : i32
        %get3A_241 = arith.index_cast %add3A_240 : i32 to index
        %get3A_242 = arith.constant 48 : index
        %get3A_243 = tpu.vector_load %arg11[%get3A_241, %get3A_242] {strides = array<i32>} : memref<200x64xf32, #tpu.memory_space<vmem>>, vector<1x16xf32>,
        %get3A_244 = vector.shape_cast %get3A_243 : vector<1x16xf32> to vector<16xf32>
        %add3A_245 = arith.constant 0 : i32
        %add3A_246 = arith.addi %mul3A_199, %add3A_245 : i32
        %get3A_247 = arith.index_cast %add3A_246 : i32 to index
        %get3A_248 = arith.constant 48 : index
        %get3A_249 = tpu.vector_load %arg14[%get3A_247, %get3A_248] {strides = array<i32>} : memref<200x64xf32, #tpu.memory_space<vmem>>, vector<1x16xf32>,
        %get3A_250 = vector.shape_cast %get3A_249 : vector<1x16xf32> to vector<16xf32>
        %add3A_251 = arith.addf %get3A_244, %get3A_250 : vector<16xf32>
        %add3A_252 = arith.constant 1 : i32
        %add3A_253 = arith.addi %mul3A_199, %add3A_252 : i32
        %get3A_254 = arith.index_cast %add3A_253 : i32 to index
        %get3A_255 = arith.constant 0 : index
        %get3A_256 = tpu.vector_load %arg11[%get3A_254, %get3A_255] {strides = array<i32>} : memref<200x64xf32, #tpu.memory_space<vmem>>, vector<1x16xf32>,
        %get3A_257 = vector.shape_cast %get3A_256 : vector<1x16xf32> to vector<16xf32>
        %add3A_258 = arith.constant 1 : i32
        %add3A_259 = arith.addi %mul3A_199, %add3A_258 : i32
        %get3A_260 = arith.index_cast %add3A_259 : i32 to index
        %get3A_261 = arith.constant 0 : index
        %get3A_262 = tpu.vector_load %arg14[%get3A_260, %get3A_261] {strides = array<i32>} : memref<200x64xf32, #tpu.memory_space<vmem>>, vector<1x16xf32>,
        %get3A_263 = vector.shape_cast %get3A_262 : vector<1x16xf32> to vector<16xf32>
        %add3A_264 = arith.addf %get3A_257, %get3A_263 : vector<16xf32>
        %add3A_265 = arith.constant 1 : i32
        %add3A_266 = arith.addi %mul3A_199, %add3A_265 : i32
        %get3A_267 = arith.index_cast %add3A_266 : i32 to index
        %get3A_268 = arith.constant 16 : index
        %get3A_269 = tpu.vector_load %arg11[%get3A_267, %get3A_268] {strides = array<i32>} : memref<200x64xf32, #tpu.memory_space<vmem>>, vector<1x16xf32>,
        %get3A_270 = vector.shape_cast %get3A_269 : vector<1x16xf32> to vector<16xf32>
        %add3A_271 = arith.constant 1 : i32
        %add3A_272 = arith.addi %mul3A_199, %add3A_271 : i32
        %get3A_273 = arith.index_cast %add3A_272 : i32 to index
        %get3A_274 = arith.constant 16 : index
        %get3A_275 = tpu.vector_load %arg14[%get3A_273, %get3A_274] {strides = array<i32>} : memref<200x64xf32, #tpu.memory_space<vmem>>, vector<1x16xf32>,
        %get3A_276 = vector.shape_cast %get3A_275 : vector<1x16xf32> to vector<16xf32>
        %add3A_277 = arith.addf %get3A_270, %get3A_276 : vector<16xf32>
        %add3A_278 = arith.constant 1 : i32
        %add3A_279 = arith.addi %mul3A_199, %add3A_278 : i32
        %get3A_280 = arith.index_cast %add3A_279 : i32 to index
        %get3A_281 = arith.constant 32 : index
        %get3A_282 = tpu.vector_load %arg11[%get3A_280, %get3A_281] {strides = array<i32>} : memref<200x64xf32, #tpu.memory_space<vmem>>, vector<1x16xf32>,
        %get3A_283 = vector.shape_cast %get3A_282 : vector<1x16xf32> to vector<16xf32>
        %add3A_284 = arith.constant 1 : i32
        %add3A_285 = arith.addi %mul3A_199, %add3A_284 : i32
        %get3A_286 = arith.index_cast %add3A_285 : i32 to index
        %get3A_287 = arith.constant 32 : index
        %get3A_288 = tpu.vector_load %arg14[%get3A_286, %get3A_287] {strides = array<i32>} : memref<200x64xf32, #tpu.memory_space<vmem>>, vector<1x16xf32>,
        %get3A_289 = vector.shape_cast %get3A_288 : vector<1x16xf32> to vector<16xf32>
        %add3A_290 = arith.addf %get3A_283, %get3A_289 : vector<16xf32>
        %add3A_291 = arith.constant 1 : i32
        %add3A_292 = arith.addi %mul3A_199, %add3A_291 : i32
        %get3A_293 = arith.index_cast %add3A_292 : i32 to index
        %get3A_294 = arith.constant 48 : index
        %get3A_295 = tpu.vector_load %arg11[%get3A_293, %get3A_294] {strides = array<i32>} : memref<200x64xf32, #tpu.memory_space<vmem>>, vector<1x16xf32>,
        %get3A_296 = vector.shape_cast %get3A_295 : vector<1x16xf32> to vector<16xf32>
        %add3A_297 = arith.constant 1 : i32
        %add3A_298 = arith.addi %mul3A_199, %add3A_297 : i32
        %get3A_299 = arith.index_cast %add3A_298 : i32 to index
        %get3A_300 = arith.constant 48 : index
        %get3A_301 = tpu.vector_load %arg14[%get3A_299, %get3A_300] {strides = array<i32>} : memref<200x64xf32, #tpu.memory_space<vmem>>, vector<1x16xf32>,
        %get3A_302 = vector.shape_cast %get3A_301 : vector<1x16xf32> to vector<16xf32>
        %add3A_303 = arith.addf %get3A_296, %get3A_302 : vector<16xf32>
        %add3A_304 = arith.constant 2 : i32
        %add3A_305 = arith.addi %mul3A_199, %add3A_304 : i32
        %get3A_306 = arith.index_cast %add3A_305 : i32 to index
        %get3A_307 = arith.constant 0 : index
        %get3A_308 = tpu.vector_load %arg11[%get3A_306, %get3A_307] {strides = array<i32>} : memref<200x64xf32, #tpu.memory_space<vmem>>, vector<1x16xf32>,
        %get3A_309 = vector.shape_cast %get3A_308 : vector<1x16xf32> to vector<16xf32>
        %add3A_310 = arith.constant 2 : i32
        %add3A_311 = arith.addi %mul3A_199, %add3A_310 : i32
        %get3A_312 = arith.index_cast %add3A_311 : i32 to index
        %get3A_313 = arith.constant 0 : index
        %get3A_314 = tpu.vector_load %arg14[%get3A_312, %get3A_313] {strides = array<i32>} : memref<200x64xf32, #tpu.memory_space<vmem>>, vector<1x16xf32>,
        %get3A_315 = vector.shape_cast %get3A_314 : vector<1x16xf32> to vector<16xf32>
        %add3A_316 = arith.addf %get3A_309, %get3A_315 : vector<16xf32>
        %add3A_317 = arith.constant 2 : i32
        %add3A_318 = arith.addi %mul3A_199, %add3A_317 : i32
        %get3A_319 = arith.index_cast %add3A_318 : i32 to index
        %get3A_320 = arith.constant 16 : index
        %get3A_321 = tpu.vector_load %arg11[%get3A_319, %get3A_320] {strides = array<i32>} : memref<200x64xf32, #tpu.memory_space<vmem>>, vector<1x16xf32>,
        %get3A_322 = vector.shape_cast %get3A_321 : vector<1x16xf32> to vector<16xf32>
        %add3A_323 = arith.constant 2 : i32
        %add3A_324 = arith.addi %mul3A_199, %add3A_323 : i32
        %get3A_325 = arith.index_cast %add3A_324 : i32 to index
        %get3A_326 = arith.constant 16 : index
        %get3A_327 = tpu.vector_load %arg14[%get3A_325, %get3A_326] {strides = array<i32>} : memref<200x64xf32, #tpu.memory_space<vmem>>, vector<1x16xf32>,
        %get3A_328 = vector.shape_cast %get3A_327 : vector<1x16xf32> to vector<16xf32>
        %add3A_329 = arith.addf %get3A_322, %get3A_328 : vector<16xf32>
        %add3A_330 = arith.constant 2 : i32
        %add3A_331 = arith.addi %mul3A_199, %add3A_330 : i32
        %get3A_332 = arith.index_cast %add3A_331 : i32 to index
        %get3A_333 = arith.constant 32 : index
        %get3A_334 = tpu.vector_load %arg11[%get3A_332, %get3A_333] {strides = array<i32>} : memref<200x64xf32, #tpu.memory_space<vmem>>, vector<1x16xf32>,
        %get3A_335 = vector.shape_cast %get3A_334 : vector<1x16xf32> to vector<16xf32>
        %add3A_336 = arith.constant 2 : i32
        %add3A_337 = arith.addi %mul3A_199, %add3A_336 : i32
        %get3A_338 = arith.index_cast %add3A_337 : i32 to index
        %get3A_339 = arith.constant 32 : index
        %get3A_340 = tpu.vector_load %arg14[%get3A_338, %get3A_339] {strides = array<i32>} : memref<200x64xf32, #tpu.memory_space<vmem>>, vector<1x16xf32>,
        %get3A_341 = vector.shape_cast %get3A_340 : vector<1x16xf32> to vector<16xf32>
        %add3A_342 = arith.addf %get3A_335, %get3A_341 : vector<16xf32>
        %add3A_343 = arith.constant 2 : i32
        %add3A_344 = arith.addi %mul3A_199, %add3A_343 : i32
        %get3A_345 = arith.index_cast %add3A_344 : i32 to index
        %get3A_346 = arith.constant 48 : index
        %get3A_347 = tpu.vector_load %arg11[%get3A_345, %get3A_346] {strides = array<i32>} : memref<200x64xf32, #tpu.memory_space<vmem>>, vector<1x16xf32>,
        %get3A_348 = vector.shape_cast %get3A_347 : vector<1x16xf32> to vector<16xf32>
        %add3A_349 = arith.constant 2 : i32
        %add3A_350 = arith.addi %mul3A_199, %add3A_349 : i32
        %get3A_351 = arith.index_cast %add3A_350 : i32 to index
        %get3A_352 = arith.constant 48 : index
        %get3A_353 = tpu.vector_load %arg14[%get3A_351, %get3A_352] {strides = array<i32>} : memref<200x64xf32, #tpu.memory_space<vmem>>, vector<1x16xf32>,
        %get3A_354 = vector.shape_cast %get3A_353 : vector<1x16xf32> to vector<16xf32>
        %add3A_355 = arith.addf %get3A_348, %get3A_354 : vector<16xf32>
        %add3A_356 = arith.constant 3 : i32
        %add3A_357 = arith.addi %mul3A_199, %add3A_356 : i32
        %get3A_358 = arith.index_cast %add3A_357 : i32 to index
        %get3A_359 = arith.constant 0 : index
        %get3A_360 = tpu.vector_load %arg11[%get3A_358, %get3A_359] {strides = array<i32>} : memref<200x64xf32, #tpu.memory_space<vmem>>, vector<1x16xf32>,
        %get3A_361 = vector.shape_cast %get3A_360 : vector<1x16xf32> to vector<16xf32>
        %add3A_362 = arith.constant 3 : i32
        %add3A_363 = arith.addi %mul3A_199, %add3A_362 : i32
        %get3A_364 = arith.index_cast %add3A_363 : i32 to index
        %get3A_365 = arith.constant 0 : index
        %get3A_366 = tpu.vector_load %arg14[%get3A_364, %get3A_365] {strides = array<i32>} : memref<200x64xf32, #tpu.memory_space<vmem>>, vector<1x16xf32>,
        %get3A_367 = vector.shape_cast %get3A_366 : vector<1x16xf32> to vector<16xf32>
        %add3A_368 = arith.addf %get3A_361, %get3A_367 : vector<16xf32>
        %add3A_369 = arith.constant 3 : i32
        %add3A_370 = arith.addi %mul3A_199, %add3A_369 : i32
        %get3A_371 = arith.index_cast %add3A_370 : i32 to index
        %get3A_372 = arith.constant 16 : index
        %get3A_373 = tpu.vector_load %arg11[%get3A_371, %get3A_372] {strides = array<i32>} : memref<200x64xf32, #tpu.memory_space<vmem>>, vector<1x16xf32>,
        %get3A_374 = vector.shape_cast %get3A_373 : vector<1x16xf32> to vector<16xf32>
        %add3A_375 = arith.constant 3 : i32
        %add3A_376 = arith.addi %mul3A_199, %add3A_375 : i32
        %get3A_377 = arith.index_cast %add3A_376 : i32 to index
        %get3A_378 = arith.constant 16 : index
        %get3A_379 = tpu.vector_load %arg14[%get3A_377, %get3A_378] {strides = array<i32>} : memref<200x64xf32, #tpu.memory_space<vmem>>, vector<1x16xf32>,
        %get3A_380 = vector.shape_cast %get3A_379 : vector<1x16xf32> to vector<16xf32>
        %add3A_381 = arith.addf %get3A_374, %get3A_380 : vector<16xf32>
        %add3A_382 = arith.constant 3 : i32
        %add3A_383 = arith.addi %mul3A_199, %add3A_382 : i32
        %get3A_384 = arith.index_cast %add3A_383 : i32 to index
        %get3A_385 = arith.constant 32 : index
        %get3A_386 = tpu.vector_load %arg11[%get3A_384, %get3A_385] {strides = array<i32>} : memref<200x64xf32, #tpu.memory_space<vmem>>, vector<1x16xf32>,
        %get3A_387 = vector.shape_cast %get3A_386 : vector<1x16xf32> to vector<16xf32>
        %add3A_388 = arith.constant 3 : i32
        %add3A_389 = arith.addi %mul3A_199, %add3A_388 : i32
        %get3A_390 = arith.index_cast %add3A_389 : i32 to index
        %get3A_391 = arith.constant 32 : index
        %get3A_392 = tpu.vector_load %arg14[%get3A_390, %get3A_391] {strides = array<i32>} : memref<200x64xf32, #tpu.memory_space<vmem>>, vector<1x16xf32>,
        %get3A_393 = vector.shape_cast %get3A_392 : vector<1x16xf32> to vector<16xf32>
        %add3A_394 = arith.addf %get3A_387, %get3A_393 : vector<16xf32>
        %add3A_395 = arith.constant 3 : i32
        %add3A_396 = arith.addi %mul3A_199, %add3A_395 : i32
        %get3A_397 = arith.index_cast %add3A_396 : i32 to index
        %get3A_398 = arith.constant 48 : index
        %get3A_399 = tpu.vector_load %arg11[%get3A_397, %get3A_398] {strides = array<i32>} : memref<200x64xf32, #tpu.memory_space<vmem>>, vector<1x16xf32>,
        %get3A_400 = vector.shape_cast %get3A_399 : vector<1x16xf32> to vector<16xf32>
        %add3A_401 = arith.constant 3 : i32
        %add3A_402 = arith.addi %mul3A_199, %add3A_401 : i32
        %get3A_403 = arith.index_cast %add3A_402 : i32 to index
        %get3A_404 = arith.constant 48 : index
        %get3A_405 = tpu.vector_load %arg14[%get3A_403, %get3A_404] {strides = array<i32>} : memref<200x64xf32, #tpu.memory_space<vmem>>, vector<1x16xf32>,
        %get3A_406 = vector.shape_cast %get3A_405 : vector<1x16xf32> to vector<16xf32>
        %add3A_407 = arith.addf %get3A_400, %get3A_406 : vector<16xf32>
        %add3A_408 = arith.addf %add3A_212, %add3A_225 : vector<16xf32>
        %add3A_409 = arith.addf %add3A_238, %add3A_251 : vector<16xf32>
        %add3A_410 = arith.addf %add3A_408, %add3A_409 : vector<16xf32>
        %add3A_411 = arith.addf %add3A_264, %add3A_277 : vector<16xf32>
        %add3A_412 = arith.addf %add3A_290, %add3A_303 : vector<16xf32>
        %add3A_413 = arith.addf %add3A_411, %add3A_412 : vector<16xf32>
        %add3A_414 = arith.addf %add3A_316, %add3A_329 : vector<16xf32>
        %add3A_415 = arith.addf %add3A_342, %add3A_355 : vector<16xf32>
        %add3A_416 = arith.addf %add3A_414, %add3A_415 : vector<16xf32>
        %add3A_417 = arith.addf %add3A_368, %add3A_381 : vector<16xf32>
        %add3A_418 = arith.addf %add3A_394, %add3A_407 : vector<16xf32>
        %add3A_419 = arith.addf %add3A_417, %add3A_418 : vector<16xf32>
        %mul3A_420 = arith.mulf %add3A_212, %add3A_212 : vector<16xf32>
        %mul3A_421 = arith.mulf %add3A_225, %add3A_225 : vector<16xf32>
        %add3A_422 = arith.addf %mul3A_420, %mul3A_421 : vector<16xf32>
        %mul3A_423 = arith.mulf %add3A_238, %add3A_238 : vector<16xf32>
        %mul3A_424 = arith.mulf %add3A_251, %add3A_251 : vector<16xf32>
        %add3A_425 = arith.addf %mul3A_423, %mul3A_424 : vector<16xf32>
        %add3A_426 = arith.addf %add3A_422, %add3A_425 : vector<16xf32>
        %mul3A_427 = arith.mulf %add3A_264, %add3A_264 : vector<16xf32>
        %mul3A_428 = arith.mulf %add3A_277, %add3A_277 : vector<16xf32>
        %add3A_429 = arith.addf %mul3A_427, %mul3A_428 : vector<16xf32>
        %mul3A_430 = arith.mulf %add3A_290, %add3A_290 : vector<16xf32>
        %mul3A_431 = arith.mulf %add3A_303, %add3A_303 : vector<16xf32>
        %add3A_432 = arith.addf %mul3A_430, %mul3A_431 : vector<16xf32>
        %add3A_433 = arith.addf %add3A_429, %add3A_432 : vector<16xf32>
        %mul3A_434 = arith.mulf %add3A_316, %add3A_316 : vector<16xf32>
        %mul3A_435 = arith.mulf %add3A_329, %add3A_329 : vector<16xf32>
        %add3A_436 = arith.addf %mul3A_434, %mul3A_435 : vector<16xf32>
        %mul3A_437 = arith.mulf %add3A_342, %add3A_342 : vector<16xf32>
        %mul3A_438 = arith.mulf %add3A_355, %add3A_355 : vector<16xf32>
        %add3A_439 = arith.addf %mul3A_437, %mul3A_438 : vector<16xf32>
        %add3A_440 = arith.addf %add3A_436, %add3A_439 : vector<16xf32>
        %mul3A_441 = arith.mulf %add3A_368, %add3A_368 : vector<16xf32>
        %mul3A_442 = arith.mulf %add3A_381, %add3A_381 : vector<16xf32>
        %add3A_443 = arith.addf %mul3A_441, %mul3A_442 : vector<16xf32>
        %mul3A_444 = arith.mulf %add3A_394, %add3A_394 : vector<16xf32>
        %mul3A_445 = arith.mulf %add3A_407, %add3A_407 : vector<16xf32>
        %add3A_446 = arith.addf %mul3A_444, %mul3A_445 : vector<16xf32>
        %add3A_447 = arith.addf %add3A_443, %add3A_446 : vector<16xf32>
        %broadcast_in_dim3A = vector.shape_cast %xor3A_4 : vector<16xi32> to vector<16x1xi32>
        %gather3A = vector.shape_cast %broadcast_in_dim3A : vector<16x1xi32> to vector<16xi32>
        %gather3A_448 = tpu.dynamic_gather %add3A_410[%gather3A] in [0] : vector<16xf32>, vector<16xi32> -> vector<16xf32>
        %add3A_449 = arith.addf %add3A_410, %gather3A_448 : vector<16xf32>
        %broadcast_in_dim3A_450 = vector.shape_cast %xor3A_4 : vector<16xi32> to vector<16x1xi32>
        %gather3A_451 = vector.shape_cast %broadcast_in_dim3A_450 : vector<16x1xi32> to vector<16xi32>
        %gather3A_452 = tpu.dynamic_gather %add3A_413[%gather3A_451] in [0] : vector<16xf32>, vector<16xi32> -> vector<16xf32>
        %add3A_453 = arith.addf %add3A_413, %gather3A_452 : vector<16xf32>
        %broadcast_in_dim3A_454 = vector.shape_cast %xor3A_4 : vector<16xi32> to vector<16x1xi32>
        %gather3A_455 = vector.shape_cast %broadcast_in_dim3A_454 : vector<16x1xi32> to vector<16xi32>
        %gather3A_456 = tpu.dynamic_gather %add3A_416[%gather3A_455] in [0] : vector<16xf32>, vector<16xi32> -> vector<16xf32>
        %add3A_457 = arith.addf %add3A_416, %gather3A_456 : vector<16xf32>
        %broadcast_in_dim3A_458 = vector.shape_cast %xor3A_4 : vector<16xi32> to vector<16x1xi32>
        %gather3A_459 = vector.shape_cast %broadcast_in_dim3A_458 : vector<16x1xi32> to vector<16xi32>
        %gather3A_460 = tpu.dynamic_gather %add3A_419[%gather3A_459] in [0] : vector<16xf32>, vector<16xi32> -> vector<16xf32>
        %add3A_461 = arith.addf %add3A_419, %gather3A_460 : vector<16xf32>
        %broadcast_in_dim3A_462 = vector.shape_cast %xor3A_4 : vector<16xi32> to vector<16x1xi32>
        %gather3A_463 = vector.shape_cast %broadcast_in_dim3A_462 : vector<16x1xi32> to vector<16xi32>
        %gather3A_464 = tpu.dynamic_gather %add3A_426[%gather3A_463] in [0] : vector<16xf32>, vector<16xi32> -> vector<16xf32>
        %add3A_465 = arith.addf %add3A_426, %gather3A_464 : vector<16xf32>
        %broadcast_in_dim3A_466 = vector.shape_cast %xor3A_4 : vector<16xi32> to vector<16x1xi32>
        %gather3A_467 = vector.shape_cast %broadcast_in_dim3A_466 : vector<16x1xi32> to vector<16xi32>
        %gather3A_468 = tpu.dynamic_gather %add3A_433[%gather3A_467] in [0] : vector<16xf32>, vector<16xi32> -> vector<16xf32>
        %add3A_469 = arith.addf %add3A_433, %gather3A_468 : vector<16xf32>
        %broadcast_in_dim3A_470 = vector.shape_cast %xor3A_4 : vector<16xi32> to vector<16x1xi32>
        %gather3A_471 = vector.shape_cast %broadcast_in_dim3A_470 : vector<16x1xi32> to vector<16xi32>
        %gather3A_472 = tpu.dynamic_gather %add3A_440[%gather3A_471] in [0] : vector<16xf32>, vector<16xi32> -> vector<16xf32>
        %add3A_473 = arith.addf %add3A_440, %gather3A_472 : vector<16xf32>
        %broadcast_in_dim3A_474 = vector.shape_cast %xor3A_4 : vector<16xi32> to vector<16x1xi32>
        %gather3A_475 = vector.shape_cast %broadcast_in_dim3A_474 : vector<16x1xi32> to vector<16xi32>
        %gather3A_476 = tpu.dynamic_gather %add3A_447[%gather3A_475] in [0] : vector<16xf32>, vector<16xi32> -> vector<16xf32>
        %add3A_477 = arith.addf %add3A_447, %gather3A_476 : vector<16xf32>
        %broadcast_in_dim3A_478 = vector.shape_cast %xor3A_7 : vector<16xi32> to vector<16x1xi32>
        %gather3A_479 = vector.shape_cast %broadcast_in_dim3A_478 : vector<16x1xi32> to vector<16xi32>
        %gather3A_480 = tpu.dynamic_gather %add3A_449[%gather3A_479] in [0] : vector<16xf32>, vector<16xi32> -> vector<16xf32>
        %add3A_481 = arith.addf %add3A_449, %gather3A_480 : vector<16xf32>
        %broadcast_in_dim3A_482 = vector.shape_cast %xor3A_7 : vector<16xi32> to vector<16x1xi32>
        %gather3A_483 = vector.shape_cast %broadcast_in_dim3A_482 : vector<16x1xi32> to vector<16xi32>
        %gather3A_484 = tpu.dynamic_gather %add3A_453[%gather3A_483] in [0] : vector<16xf32>, vector<16xi32> -> vector<16xf32>
        %add3A_485 = arith.addf %add3A_453, %gather3A_484 : vector<16xf32>
        %broadcast_in_dim3A_486 = vector.shape_cast %xor3A_7 : vector<16xi32> to vector<16x1xi32>
        %gather3A_487 = vector.shape_cast %broadcast_in_dim3A_486 : vector<16x1xi32> to vector<16xi32>
        %gather3A_488 = tpu.dynamic_gather %add3A_457[%gather3A_487] in [0] : vector<16xf32>, vector<16xi32> -> vector<16xf32>
        %add3A_489 = arith.addf %add3A_457, %gather3A_488 : vector<16xf32>
        %broadcast_in_dim3A_490 = vector.shape_cast %xor3A_7 : vector<16xi32> to vector<16x1xi32>
        %gather3A_491 = vector.shape_cast %broadcast_in_dim3A_490 : vector<16x1xi32> to vector<16xi32>
        %gather3A_492 = tpu.dynamic_gather %add3A_461[%gather3A_491] in [0] : vector<16xf32>, vector<16xi32> -> vector<16xf32>
        %add3A_493 = arith.addf %add3A_461, %gather3A_492 : vector<16xf32>
        %broadcast_in_dim3A_494 = vector.shape_cast %xor3A_7 : vector<16xi32> to vector<16x1xi32>
        %gather3A_495 = vector.shape_cast %broadcast_in_dim3A_494 : vector<16x1xi32> to vector<16xi32>
        %gather3A_496 = tpu.dynamic_gather %add3A_465[%gather3A_495] in [0] : vector<16xf32>, vector<16xi32> -> vector<16xf32>
        %add3A_497 = arith.addf %add3A_465, %gather3A_496 : vector<16xf32>
        %broadcast_in_dim3A_498 = vector.shape_cast %xor3A_7 : vector<16xi32> to vector<16x1xi32>
        %gather3A_499 = vector.shape_cast %broadcast_in_dim3A_498 : vector<16x1xi32> to vector<16xi32>
        %gather3A_500 = tpu.dynamic_gather %add3A_469[%gather3A_499] in [0] : vector<16xf32>, vector<16xi32> -> vector<16xf32>
        %add3A_501 = arith.addf %add3A_469, %gather3A_500 : vector<16xf32>
        %broadcast_in_dim3A_502 = vector.shape_cast %xor3A_7 : vector<16xi32> to vector<16x1xi32>
        %gather3A_503 = vector.shape_cast %broadcast_in_dim3A_502 : vector<16x1xi32> to vector<16xi32>
        %gather3A_504 = tpu.dynamic_gather %add3A_473[%gather3A_503] in [0] : vector<16xf32>, vector<16xi32> -> vector<16xf32>
        %add3A_505 = arith.addf %add3A_473, %gather3A_504 : vector<16xf32>
        %broadcast_in_dim3A_506 = vector.shape_cast %xor3A_7 : vector<16xi32> to vector<16x1xi32>
        %gather3A_507 = vector.shape_cast %broadcast_in_dim3A_506 : vector<16x1xi32> to vector<16xi32>
        %gather3A_508 = tpu.dynamic_gather %add3A_477[%gather3A_507] in [0] : vector<16xf32>, vector<16xi32> -> vector<16xf32>
        %add3A_509 = arith.addf %add3A_477, %gather3A_508 : vector<16xf32>
        %broadcast_in_dim3A_510 = vector.shape_cast %xor3A_10 : vector<16xi32> to vector<16x1xi32>
        %gather3A_511 = vector.shape_cast %broadcast_in_dim3A_510 : vector<16x1xi32> to vector<16xi32>
        %gather3A_512 = tpu.dynamic_gather %add3A_481[%gather3A_511] in [0] : vector<16xf32>, vector<16xi32> -> vector<16xf32>
        %add3A_513 = arith.addf %add3A_481, %gather3A_512 : vector<16xf32>
        %broadcast_in_dim3A_514 = vector.shape_cast %xor3A_10 : vector<16xi32> to vector<16x1xi32>
        %gather3A_515 = vector.shape_cast %broadcast_in_dim3A_514 : vector<16x1xi32> to vector<16xi32>
        %gather3A_516 = tpu.dynamic_gather %add3A_485[%gather3A_515] in [0] : vector<16xf32>, vector<16xi32> -> vector<16xf32>
        %add3A_517 = arith.addf %add3A_485, %gather3A_516 : vector<16xf32>
        %broadcast_in_dim3A_518 = vector.shape_cast %xor3A_10 : vector<16xi32> to vector<16x1xi32>
        %gather3A_519 = vector.shape_cast %broadcast_in_dim3A_518 : vector<16x1xi32> to vector<16xi32>
        %gather3A_520 = tpu.dynamic_gather %add3A_489[%gather3A_519] in [0] : vector<16xf32>, vector<16xi32> -> vector<16xf32>
        %add3A_521 = arith.addf %add3A_489, %gather3A_520 : vector<16xf32>
        %broadcast_in_dim3A_522 = vector.shape_cast %xor3A_10 : vector<16xi32> to vector<16x1xi32>
        %gather3A_523 = vector.shape_cast %broadcast_in_dim3A_522 : vector<16x1xi32> to vector<16xi32>
        %gather3A_524 = tpu.dynamic_gather %add3A_493[%gather3A_523] in [0] : vector<16xf32>, vector<16xi32> -> vector<16xf32>
        %add3A_525 = arith.addf %add3A_493, %gather3A_524 : vector<16xf32>
        %broadcast_in_dim3A_526 = vector.shape_cast %xor3A_10 : vector<16xi32> to vector<16x1xi32>
        %gather3A_527 = vector.shape_cast %broadcast_in_dim3A_526 : vector<16x1xi32> to vector<16xi32>
        %gather3A_528 = tpu.dynamic_gather %add3A_497[%gather3A_527] in [0] : vector<16xf32>, vector<16xi32> -> vector<16xf32>
        %add3A_529 = arith.addf %add3A_497, %gather3A_528 : vector<16xf32>
        %broadcast_in_dim3A_530 = vector.shape_cast %xor3A_10 : vector<16xi32> to vector<16x1xi32>
        %gather3A_531 = vector.shape_cast %broadcast_in_dim3A_530 : vector<16x1xi32> to vector<16xi32>
        %gather3A_532 = tpu.dynamic_gather %add3A_501[%gather3A_531] in [0] : vector<16xf32>, vector<16xi32> -> vector<16xf32>
        %add3A_533 = arith.addf %add3A_501, %gather3A_532 : vector<16xf32>
        %broadcast_in_dim3A_534 = vector.shape_cast %xor3A_10 : vector<16xi32> to vector<16x1xi32>
        %gather3A_535 = vector.shape_cast %broadcast_in_dim3A_534 : vector<16x1xi32> to vector<16xi32>
        %gather3A_536 = tpu.dynamic_gather %add3A_505[%gather3A_535] in [0] : vector<16xf32>, vector<16xi32> -> vector<16xf32>
        %add3A_537 = arith.addf %add3A_505, %gather3A_536 : vector<16xf32>
        %broadcast_in_dim3A_538 = vector.shape_cast %xor3A_10 : vector<16xi32> to vector<16x1xi32>
        %gather3A_539 = vector.shape_cast %broadcast_in_dim3A_538 : vector<16x1xi32> to vector<16xi32>
        %gather3A_540 = tpu.dynamic_gather %add3A_509[%gather3A_539] in [0] : vector<16xf32>, vector<16xi32> -> vector<16xf32>
        %add3A_541 = arith.addf %add3A_509, %gather3A_540 : vector<16xf32>
        %broadcast_in_dim3A_542 = vector.shape_cast %xor3A_13 : vector<16xi32> to vector<16x1xi32>
        %gather3A_543 = vector.shape_cast %broadcast_in_dim3A_542 : vector<16x1xi32> to vector<16xi32>
        %gather3A_544 = tpu.dynamic_gather %add3A_513[%gather3A_543] in [0] : vector<16xf32>, vector<16xi32> -> vector<16xf32>
        %add3A_545 = arith.addf %add3A_513, %gather3A_544 : vector<16xf32>
        %broadcast_in_dim3A_546 = vector.shape_cast %xor3A_13 : vector<16xi32> to vector<16x1xi32>
        %gather3A_547 = vector.shape_cast %broadcast_in_dim3A_546 : vector<16x1xi32> to vector<16xi32>
        %gather3A_548 = tpu.dynamic_gather %add3A_517[%gather3A_547] in [0] : vector<16xf32>, vector<16xi32> -> vector<16xf32>
        %add3A_549 = arith.addf %add3A_517, %gather3A_548 : vector<16xf32>
        %broadcast_in_dim3A_550 = vector.shape_cast %xor3A_13 : vector<16xi32> to vector<16x1xi32>
        %gather3A_551 = vector.shape_cast %broadcast_in_dim3A_550 : vector<16x1xi32> to vector<16xi32>
        %gather3A_552 = tpu.dynamic_gather %add3A_521[%gather3A_551] in [0] : vector<16xf32>, vector<16xi32> -> vector<16xf32>
        %add3A_553 = arith.addf %add3A_521, %gather3A_552 : vector<16xf32>
        %broadcast_in_dim3A_554 = vector.shape_cast %xor3A_13 : vector<16xi32> to vector<16x1xi32>
        %gather3A_555 = vector.shape_cast %broadcast_in_dim3A_554 : vector<16x1xi32> to vector<16xi32>
        %gather3A_556 = tpu.dynamic_gather %add3A_525[%gather3A_555] in [0] : vector<16xf32>, vector<16xi32> -> vector<16xf32>
        %add3A_557 = arith.addf %add3A_525, %gather3A_556 : vector<16xf32>
        %broadcast_in_dim3A_558 = vector.shape_cast %xor3A_13 : vector<16xi32> to vector<16x1xi32>
        %gather3A_559 = vector.shape_cast %broadcast_in_dim3A_558 : vector<16x1xi32> to vector<16xi32>
        %gather3A_560 = tpu.dynamic_gather %add3A_529[%gather3A_559] in [0] : vector<16xf32>, vector<16xi32> -> vector<16xf32>
        %add3A_561 = arith.addf %add3A_529, %gather3A_560 : vector<16xf32>
        %broadcast_in_dim3A_562 = vector.shape_cast %xor3A_13 : vector<16xi32> to vector<16x1xi32>
        %gather3A_563 = vector.shape_cast %broadcast_in_dim3A_562 : vector<16x1xi32> to vector<16xi32>
        %gather3A_564 = tpu.dynamic_gather %add3A_533[%gather3A_563] in [0] : vector<16xf32>, vector<16xi32> -> vector<16xf32>
        %add3A_565 = arith.addf %add3A_533, %gather3A_564 : vector<16xf32>
        %broadcast_in_dim3A_566 = vector.shape_cast %xor3A_13 : vector<16xi32> to vector<16x1xi32>
        %gather3A_567 = vector.shape_cast %broadcast_in_dim3A_566 : vector<16x1xi32> to vector<16xi32>
        %gather3A_568 = tpu.dynamic_gather %add3A_537[%gather3A_567] in [0] : vector<16xf32>, vector<16xi32> -> vector<16xf32>
        %add3A_569 = arith.addf %add3A_537, %gather3A_568 : vector<16xf32>
        %broadcast_in_dim3A_570 = vector.shape_cast %xor3A_13 : vector<16xi32> to vector<16x1xi32>
        %gather3A_571 = vector.shape_cast %broadcast_in_dim3A_570 : vector<16x1xi32> to vector<16xi32>
        %gather3A_572 = tpu.dynamic_gather %add3A_541[%gather3A_571] in [0] : vector<16xf32>, vector<16xi32> -> vector<16xf32>
        %add3A_573 = arith.addf %add3A_541, %gather3A_572 : vector<16xf32>
        %mul3A_574 = vector.broadcast %scan3A_72 : f32 to vector<16xf32>
        %mul3A_575 = arith.mulf %add3A_545, %mul3A_574 : vector<16xf32>
        %mul3A_576 = vector.broadcast %scan3A_72 : f32 to vector<16xf32>
        %mul3A_577 = arith.mulf %add3A_549, %mul3A_576 : vector<16xf32>
        %mul3A_578 = vector.broadcast %scan3A_72 : f32 to vector<16xf32>
        %mul3A_579 = arith.mulf %add3A_553, %mul3A_578 : vector<16xf32>
        %mul3A_580 = vector.broadcast %scan3A_72 : f32 to vector<16xf32>
        %mul3A_581 = arith.mulf %add3A_557, %mul3A_580 : vector<16xf32>
        %mul3A_582 = vector.broadcast %scan3A_72 : f32 to vector<16xf32>
        %mul3A_583 = arith.mulf %add3A_561, %mul3A_582 : vector<16xf32>
        %mul3A_584 = arith.mulf %mul3A_575, %mul3A_575 : vector<16xf32>
        %sub3A_585 = arith.subf %mul3A_583, %mul3A_584 : vector<16xf32>
        %add3A_586 = arith.constant 9.99999974E-6 : f32
        %add3A_587 = vector.broadcast %add3A_586 : f32 to vector<16xf32>
        %add3A_588 = arith.addf %sub3A_585, %add3A_587 : vector<16xf32>
        %mul3A_589 = vector.broadcast %scan3A_72 : f32 to vector<16xf32>
        %mul3A_590 = arith.mulf %add3A_565, %mul3A_589 : vector<16xf32>
        %mul3A_591 = arith.mulf %mul3A_577, %mul3A_577 : vector<16xf32>
        %sub3A_592 = arith.subf %mul3A_590, %mul3A_591 : vector<16xf32>
        %add3A_593 = arith.constant 9.99999974E-6 : f32
        %add3A_594 = vector.broadcast %add3A_593 : f32 to vector<16xf32>
        %add3A_595 = arith.addf %sub3A_592, %add3A_594 : vector<16xf32>
        %mul3A_596 = vector.broadcast %scan3A_72 : f32 to vector<16xf32>
        %mul3A_597 = arith.mulf %add3A_569, %mul3A_596 : vector<16xf32>
        %mul3A_598 = arith.mulf %mul3A_579, %mul3A_579 : vector<16xf32>
        %sub3A_599 = arith.subf %mul3A_597, %mul3A_598 : vector<16xf32>
        %add3A_600 = arith.constant 9.99999974E-6 : f32
        %add3A_601 = vector.broadcast %add3A_600 : f32 to vector<16xf32>
        %add3A_602 = arith.addf %sub3A_599, %add3A_601 : vector<16xf32>
        %mul3A_603 = vector.broadcast %scan3A_72 : f32 to vector<16xf32>
        %mul3A_604 = arith.mulf %add3A_573, %mul3A_603 : vector<16xf32>
        %mul3A_605 = arith.mulf %mul3A_581, %mul3A_581 : vector<16xf32>
        %sub3A_606 = arith.subf %mul3A_604, %mul3A_605 : vector<16xf32>
        %add3A_607 = arith.constant 9.99999974E-6 : f32
        %add3A_608 = vector.broadcast %add3A_607 : f32 to vector<16xf32>
        %add3A_609 = arith.addf %sub3A_606, %add3A_608 : vector<16xf32>
        %bitcast_convert_type3A = tpu.bitcast %add3A_588 : vector<16xf32> -> vector<16xi32>
        %shift_right_arithmetic3A = arith.constant 1 : i32
        %shift_right_arithmetic3A_610 = vector.broadcast %shift_right_arithmetic3A : i32 to vector<16xi32>
        %shift_right_arithmetic3A_611 = arith.shrsi %bitcast_convert_type3A, %shift_right_arithmetic3A_610 : vector<16xi32>
        %sub3A_612 = arith.constant 1597463007 : i32
        %sub3A_613 = vector.broadcast %sub3A_612 : i32 to vector<16xi32>
        %sub3A_614 = arith.subi %sub3A_613, %shift_right_arithmetic3A_611 : vector<16xi32>
        %bitcast_convert_type3A_615 = tpu.bitcast %sub3A_614 : vector<16xi32> -> vector<16xf32>
        %bitcast_convert_type3A_616 = tpu.bitcast %add3A_595 : vector<16xf32> -> vector<16xi32>
        %shift_right_arithmetic3A_617 = arith.constant 1 : i32
        %shift_right_arithmetic3A_618 = vector.broadcast %shift_right_arithmetic3A_617 : i32 to vector<16xi32>
        %shift_right_arithmetic3A_619 = arith.shrsi %bitcast_convert_type3A_616, %shift_right_arithmetic3A_618 : vector<16xi32>
        %sub3A_620 = arith.constant 1597463007 : i32
        %sub3A_621 = vector.broadcast %sub3A_620 : i32 to vector<16xi32>
        %sub3A_622 = arith.subi %sub3A_621, %shift_right_arithmetic3A_619 : vector<16xi32>
        %bitcast_convert_type3A_623 = tpu.bitcast %sub3A_622 : vector<16xi32> -> vector<16xf32>
        %bitcast_convert_type3A_624 = tpu.bitcast %add3A_602 : vector<16xf32> -> vector<16xi32>
        %shift_right_arithmetic3A_625 = arith.constant 1 : i32
        %shift_right_arithmetic3A_626 = vector.broadcast %shift_right_arithmetic3A_625 : i32 to vector<16xi32>
        %shift_right_arithmetic3A_627 = arith.shrsi %bitcast_convert_type3A_624, %shift_right_arithmetic3A_626 : vector<16xi32>
        %sub3A_628 = arith.constant 1597463007 : i32
        %sub3A_629 = vector.broadcast %sub3A_628 : i32 to vector<16xi32>
        %sub3A_630 = arith.subi %sub3A_629, %shift_right_arithmetic3A_627 : vector<16xi32>
        %bitcast_convert_type3A_631 = tpu.bitcast %sub3A_630 : vector<16xi32> -> vector<16xf32>
        %bitcast_convert_type3A_632 = tpu.bitcast %add3A_609 : vector<16xf32> -> vector<16xi32>
        %shift_right_arithmetic3A_633 = arith.constant 1 : i32
        %shift_right_arithmetic3A_634 = vector.broadcast %shift_right_arithmetic3A_633 : i32 to vector<16xi32>
        %shift_right_arithmetic3A_635 = arith.shrsi %bitcast_convert_type3A_632, %shift_right_arithmetic3A_634 : vector<16xi32>
        %sub3A_636 = arith.constant 1597463007 : i32
        %sub3A_637 = vector.broadcast %sub3A_636 : i32 to vector<16xi32>
        %sub3A_638 = arith.subi %sub3A_637, %shift_right_arithmetic3A_635 : vector<16xi32>
        %bitcast_convert_type3A_639 = tpu.bitcast %sub3A_638 : vector<16xi32> -> vector<16xf32>
        %mul3A_640 = arith.constant 5.000000e-01 : f32
        %mul3A_641 = vector.broadcast %mul3A_640 : f32 to vector<16xf32>
        %mul3A_642 = arith.mulf %add3A_588, %mul3A_641 : vector<16xf32>
        %mul3A_643 = arith.constant 5.000000e-01 : f32
        %mul3A_644 = vector.broadcast %mul3A_643 : f32 to vector<16xf32>
        %mul3A_645 = arith.mulf %add3A_595, %mul3A_644 : vector<16xf32>
        %mul3A_646 = arith.constant 5.000000e-01 : f32
        %mul3A_647 = vector.broadcast %mul3A_646 : f32 to vector<16xf32>
        %mul3A_648 = arith.mulf %add3A_602, %mul3A_647 : vector<16xf32>
        %mul3A_649 = arith.constant 5.000000e-01 : f32
        %mul3A_650 = vector.broadcast %mul3A_649 : f32 to vector<16xf32>
        %mul3A_651 = arith.mulf %add3A_609, %mul3A_650 : vector<16xf32>
        %mul3A_652 = arith.mulf %bitcast_convert_type3A_615, %bitcast_convert_type3A_615 : vector<16xf32>
        %mul3A_653 = arith.mulf %bitcast_convert_type3A_623, %bitcast_convert_type3A_623 : vector<16xf32>
        %mul3A_654 = arith.mulf %bitcast_convert_type3A_631, %bitcast_convert_type3A_631 : vector<16xf32>
        %mul3A_655 = arith.mulf %bitcast_convert_type3A_639, %bitcast_convert_type3A_639 : vector<16xf32>
        %mul3A_656 = arith.mulf %mul3A_642, %mul3A_652 : vector<16xf32>
        %sub3A_657 = arith.constant 1.500000e+00 : f32
        %sub3A_658 = vector.broadcast %sub3A_657 : f32 to vector<16xf32>
        %sub3A_659 = arith.subf %sub3A_658, %mul3A_656 : vector<16xf32>
        %mul3A_660 = arith.mulf %bitcast_convert_type3A_615, %sub3A_659 : vector<16xf32>
        %mul3A_661 = arith.mulf %mul3A_645, %mul3A_653 : vector<16xf32>
        %sub3A_662 = arith.constant 1.500000e+00 : f32
        %sub3A_663 = vector.broadcast %sub3A_662 : f32 to vector<16xf32>
        %sub3A_664 = arith.subf %sub3A_663, %mul3A_661 : vector<16xf32>
        %mul3A_665 = arith.mulf %bitcast_convert_type3A_623, %sub3A_664 : vector<16xf32>
        %mul3A_666 = arith.mulf %mul3A_648, %mul3A_654 : vector<16xf32>
        %sub3A_667 = arith.constant 1.500000e+00 : f32
        %sub3A_668 = vector.broadcast %sub3A_667 : f32 to vector<16xf32>
        %sub3A_669 = arith.subf %sub3A_668, %mul3A_666 : vector<16xf32>
        %mul3A_670 = arith.mulf %bitcast_convert_type3A_631, %sub3A_669 : vector<16xf32>
        %mul3A_671 = arith.mulf %mul3A_651, %mul3A_655 : vector<16xf32>
        %sub3A_672 = arith.constant 1.500000e+00 : f32
        %sub3A_673 = vector.broadcast %sub3A_672 : f32 to vector<16xf32>
        %sub3A_674 = arith.subf %sub3A_673, %mul3A_671 : vector<16xf32>
        %mul3A_675 = arith.mulf %bitcast_convert_type3A_639, %sub3A_674 : vector<16xf32>
        %mul3A_676 = arith.mulf %mul3A_575, %mul3A_660 : vector<16xf32>
        %mul3A_677 = arith.mulf %mul3A_577, %mul3A_665 : vector<16xf32>
        %mul3A_678 = arith.mulf %mul3A_579, %mul3A_670 : vector<16xf32>
        %mul3A_679 = arith.mulf %mul3A_581, %mul3A_675 : vector<16xf32>
        %mul3A_680 = arith.mulf %add3A_212, %mul3A_660 : vector<16xf32>
        %sub3A_681 = arith.subf %mul3A_680, %mul3A_676 : vector<16xf32>
        %mul3A_682 = arith.mulf %sub3A_681, %get3A_15 : vector<16xf32>
        %add3A_683 = arith.addf %mul3A_682, %get3A_27 : vector<16xf32>
        %add3A_684 = arith.constant 0 : i32
        %add3A_685 = arith.addi %mul3A_199, %add3A_684 : i32
        %swap3A = arith.index_cast %add3A_685 : i32 to index
        %swap3A_686 = arith.constant 0 : index
        %swap3A_687 = tpu.vector_load %arg13[%swap3A, %swap3A_686] {strides = array<i32>} : memref<200x64xf32, #tpu.memory_space<vmem>>, vector<1x16xf32>,
        %swap3A_688 = vector.shape_cast %swap3A_687 : vector<1x16xf32> to vector<16xf32>
        %swap3A_689 = vector.shape_cast %add3A_683 : vector<16xf32> to vector<1x16xf32>
        tpu.vector_store %arg13[%swap3A, %swap3A_686], %swap3A_689 {strides = array<i32>} : memref<200x64xf32, #tpu.memory_space<vmem>>, vector<1x16xf32>,
        %mul3A_690 = arith.mulf %add3A_264, %mul3A_665 : vector<16xf32>
        %sub3A_691 = arith.subf %mul3A_690, %mul3A_677 : vector<16xf32>
        %mul3A_692 = arith.mulf %sub3A_691, %get3A_15 : vector<16xf32>
        %add3A_693 = arith.addf %mul3A_692, %get3A_27 : vector<16xf32>
        %add3A_694 = arith.constant 1 : i32
        %add3A_695 = arith.addi %mul3A_199, %add3A_694 : i32
        %swap3A_696 = arith.index_cast %add3A_695 : i32 to index
        %swap3A_697 = arith.constant 0 : index
        %swap3A_698 = tpu.vector_load %arg13[%swap3A_696, %swap3A_697] {strides = array<i32>} : memref<200x64xf32, #tpu.memory_space<vmem>>, vector<1x16xf32>,
        %swap3A_699 = vector.shape_cast %swap3A_698 : vector<1x16xf32> to vector<16xf32>
        %swap3A_700 = vector.shape_cast %add3A_693 : vector<16xf32> to vector<1x16xf32>
        tpu.vector_store %arg13[%swap3A_696, %swap3A_697], %swap3A_700 {strides = array<i32>} : memref<200x64xf32, #tpu.memory_space<vmem>>, vector<1x16xf32>,
        %mul3A_701 = arith.mulf %add3A_316, %mul3A_670 : vector<16xf32>
        %sub3A_702 = arith.subf %mul3A_701, %mul3A_678 : vector<16xf32>
        %mul3A_703 = arith.mulf %sub3A_702, %get3A_15 : vector<16xf32>
        %add3A_704 = arith.addf %mul3A_703, %get3A_27 : vector<16xf32>
        %add3A_705 = arith.constant 2 : i32
        %add3A_706 = arith.addi %mul3A_199, %add3A_705 : i32
        %swap3A_707 = arith.index_cast %add3A_706 : i32 to index
        %swap3A_708 = arith.constant 0 : index
        %swap3A_709 = tpu.vector_load %arg13[%swap3A_707, %swap3A_708] {strides = array<i32>} : memref<200x64xf32, #tpu.memory_space<vmem>>, vector<1x16xf32>,
        %swap3A_710 = vector.shape_cast %swap3A_709 : vector<1x16xf32> to vector<16xf32>
        %swap3A_711 = vector.shape_cast %add3A_704 : vector<16xf32> to vector<1x16xf32>
        tpu.vector_store %arg13[%swap3A_707, %swap3A_708], %swap3A_711 {strides = array<i32>} : memref<200x64xf32, #tpu.memory_space<vmem>>, vector<1x16xf32>,
        %mul3A_712 = arith.mulf %add3A_368, %mul3A_675 : vector<16xf32>
        %sub3A_713 = arith.subf %mul3A_712, %mul3A_679 : vector<16xf32>
        %mul3A_714 = arith.mulf %sub3A_713, %get3A_15 : vector<16xf32>
        %add3A_715 = arith.addf %mul3A_714, %get3A_27 : vector<16xf32>
        %add3A_716 = arith.constant 3 : i32
        %add3A_717 = arith.addi %mul3A_199, %add3A_716 : i32
        %swap3A_718 = arith.index_cast %add3A_717 : i32 to index
        %swap3A_719 = arith.constant 0 : index
        %swap3A_720 = tpu.vector_load %arg13[%swap3A_718, %swap3A_719] {strides = array<i32>} : memref<200x64xf32, #tpu.memory_space<vmem>>, vector<1x16xf32>,
        %swap3A_721 = vector.shape_cast %swap3A_720 : vector<1x16xf32> to vector<16xf32>
        %swap3A_722 = vector.shape_cast %add3A_715 : vector<16xf32> to vector<1x16xf32>
        tpu.vector_store %arg13[%swap3A_718, %swap3A_719], %swap3A_722 {strides = array<i32>} : memref<200x64xf32, #tpu.memory_space<vmem>>, vector<1x16xf32>,
        %mul3A_723 = arith.mulf %add3A_225, %mul3A_660 : vector<16xf32>
        %sub3A_724 = arith.subf %mul3A_723, %mul3A_676 : vector<16xf32>
        %mul3A_725 = arith.mulf %sub3A_724, %get3A_18 : vector<16xf32>
        %add3A_726 = arith.addf %mul3A_725, %get3A_30 : vector<16xf32>
        %add3A_727 = arith.constant 0 : i32
        %add3A_728 = arith.addi %mul3A_199, %add3A_727 : i32
        %swap3A_729 = arith.index_cast %add3A_728 : i32 to index
        %swap3A_730 = arith.constant 16 : index
        %swap3A_731 = tpu.vector_load %arg13[%swap3A_729, %swap3A_730] {strides = array<i32>} : memref<200x64xf32, #tpu.memory_space<vmem>>, vector<1x16xf32>,
        %swap3A_732 = vector.shape_cast %swap3A_731 : vector<1x16xf32> to vector<16xf32>
        %swap3A_733 = vector.shape_cast %add3A_726 : vector<16xf32> to vector<1x16xf32>
        tpu.vector_store %arg13[%swap3A_729, %swap3A_730], %swap3A_733 {strides = array<i32>} : memref<200x64xf32, #tpu.memory_space<vmem>>, vector<1x16xf32>,
        %mul3A_734 = arith.mulf %add3A_277, %mul3A_665 : vector<16xf32>
        %sub3A_735 = arith.subf %mul3A_734, %mul3A_677 : vector<16xf32>
        %mul3A_736 = arith.mulf %sub3A_735, %get3A_18 : vector<16xf32>
        %add3A_737 = arith.addf %mul3A_736, %get3A_30 : vector<16xf32>
        %add3A_738 = arith.constant 1 : i32
        %add3A_739 = arith.addi %mul3A_199, %add3A_738 : i32
        %swap3A_740 = arith.index_cast %add3A_739 : i32 to index
        %swap3A_741 = arith.constant 16 : index
        %swap3A_742 = tpu.vector_load %arg13[%swap3A_740, %swap3A_741] {strides = array<i32>} : memref<200x64xf32, #tpu.memory_space<vmem>>, vector<1x16xf32>,
        %swap3A_743 = vector.shape_cast %swap3A_742 : vector<1x16xf32> to vector<16xf32>
        %swap3A_744 = vector.shape_cast %add3A_737 : vector<16xf32> to vector<1x16xf32>
        tpu.vector_store %arg13[%swap3A_740, %swap3A_741], %swap3A_744 {strides = array<i32>} : memref<200x64xf32, #tpu.memory_space<vmem>>, vector<1x16xf32>,
        %mul3A_745 = arith.mulf %add3A_329, %mul3A_670 : vector<16xf32>
        %sub3A_746 = arith.subf %mul3A_745, %mul3A_678 : vector<16xf32>
        %mul3A_747 = arith.mulf %sub3A_746, %get3A_18 : vector<16xf32>
        %add3A_748 = arith.addf %mul3A_747, %get3A_30 : vector<16xf32>
        %add3A_749 = arith.constant 2 : i32
        %add3A_750 = arith.addi %mul3A_199, %add3A_749 : i32
        %swap3A_751 = arith.index_cast %add3A_750 : i32 to index
        %swap3A_752 = arith.constant 16 : index
        %swap3A_753 = tpu.vector_load %arg13[%swap3A_751, %swap3A_752] {strides = array<i32>} : memref<200x64xf32, #tpu.memory_space<vmem>>, vector<1x16xf32>,
        %swap3A_754 = vector.shape_cast %swap3A_753 : vector<1x16xf32> to vector<16xf32>
        %swap3A_755 = vector.shape_cast %add3A_748 : vector<16xf32> to vector<1x16xf32>
        tpu.vector_store %arg13[%swap3A_751, %swap3A_752], %swap3A_755 {strides = array<i32>} : memref<200x64xf32, #tpu.memory_space<vmem>>, vector<1x16xf32>,
        %mul3A_756 = arith.mulf %add3A_381, %mul3A_675 : vector<16xf32>
        %sub3A_757 = arith.subf %mul3A_756, %mul3A_679 : vector<16xf32>
        %mul3A_758 = arith.mulf %sub3A_757, %get3A_18 : vector<16xf32>
        %add3A_759 = arith.addf %mul3A_758, %get3A_30 : vector<16xf32>
        %add3A_760 = arith.constant 3 : i32
        %add3A_761 = arith.addi %mul3A_199, %add3A_760 : i32
        %swap3A_762 = arith.index_cast %add3A_761 : i32 to index
        %swap3A_763 = arith.constant 16 : index
        %swap3A_764 = tpu.vector_load %arg13[%swap3A_762, %swap3A_763] {strides = array<i32>} : memref<200x64xf32, #tpu.memory_space<vmem>>, vector<1x16xf32>,
        %swap3A_765 = vector.shape_cast %swap3A_764 : vector<1x16xf32> to vector<16xf32>
        %swap3A_766 = vector.shape_cast %add3A_759 : vector<16xf32> to vector<1x16xf32>
        tpu.vector_store %arg13[%swap3A_762, %swap3A_763], %swap3A_766 {strides = array<i32>} : memref<200x64xf32, #tpu.memory_space<vmem>>, vector<1x16xf32>,
        %mul3A_767 = arith.mulf %add3A_238, %mul3A_660 : vector<16xf32>
        %sub3A_768 = arith.subf %mul3A_767, %mul3A_676 : vector<16xf32>
        %mul3A_769 = arith.mulf %sub3A_768, %get3A_21 : vector<16xf32>
        %add3A_770 = arith.addf %mul3A_769, %get3A_33 : vector<16xf32>
        %add3A_771 = arith.constant 0 : i32
        %add3A_772 = arith.addi %mul3A_199, %add3A_771 : i32
        %swap3A_773 = arith.index_cast %add3A_772 : i32 to index
        %swap3A_774 = arith.constant 32 : index
        %swap3A_775 = tpu.vector_load %arg13[%swap3A_773, %swap3A_774] {strides = array<i32>} : memref<200x64xf32, #tpu.memory_space<vmem>>, vector<1x16xf32>,
        %swap3A_776 = vector.shape_cast %swap3A_775 : vector<1x16xf32> to vector<16xf32>
        %swap3A_777 = vector.shape_cast %add3A_770 : vector<16xf32> to vector<1x16xf32>
        tpu.vector_store %arg13[%swap3A_773, %swap3A_774], %swap3A_777 {strides = array<i32>} : memref<200x64xf32, #tpu.memory_space<vmem>>, vector<1x16xf32>,
        %mul3A_778 = arith.mulf %add3A_290, %mul3A_665 : vector<16xf32>
        %sub3A_779 = arith.subf %mul3A_778, %mul3A_677 : vector<16xf32>
        %mul3A_780 = arith.mulf %sub3A_779, %get3A_21 : vector<16xf32>
        %add3A_781 = arith.addf %mul3A_780, %get3A_33 : vector<16xf32>
        %add3A_782 = arith.constant 1 : i32
        %add3A_783 = arith.addi %mul3A_199, %add3A_782 : i32
        %swap3A_784 = arith.index_cast %add3A_783 : i32 to index
        %swap3A_785 = arith.constant 32 : index
        %swap3A_786 = tpu.vector_load %arg13[%swap3A_784, %swap3A_785] {strides = array<i32>} : memref<200x64xf32, #tpu.memory_space<vmem>>, vector<1x16xf32>,
        %swap3A_787 = vector.shape_cast %swap3A_786 : vector<1x16xf32> to vector<16xf32>
        %swap3A_788 = vector.shape_cast %add3A_781 : vector<16xf32> to vector<1x16xf32>
        tpu.vector_store %arg13[%swap3A_784, %swap3A_785], %swap3A_788 {strides = array<i32>} : memref<200x64xf32, #tpu.memory_space<vmem>>, vector<1x16xf32>,
        %mul3A_789 = arith.mulf %add3A_342, %mul3A_670 : vector<16xf32>
        %sub3A_790 = arith.subf %mul3A_789, %mul3A_678 : vector<16xf32>
        %mul3A_791 = arith.mulf %sub3A_790, %get3A_21 : vector<16xf32>
        %add3A_792 = arith.addf %mul3A_791, %get3A_33 : vector<16xf32>
        %add3A_793 = arith.constant 2 : i32
        %add3A_794 = arith.addi %mul3A_199, %add3A_793 : i32
        %swap3A_795 = arith.index_cast %add3A_794 : i32 to index
        %swap3A_796 = arith.constant 32 : index
        %swap3A_797 = tpu.vector_load %arg13[%swap3A_795, %swap3A_796] {strides = array<i32>} : memref<200x64xf32, #tpu.memory_space<vmem>>, vector<1x16xf32>,
        %swap3A_798 = vector.shape_cast %swap3A_797 : vector<1x16xf32> to vector<16xf32>
        %swap3A_799 = vector.shape_cast %add3A_792 : vector<16xf32> to vector<1x16xf32>
        tpu.vector_store %arg13[%swap3A_795, %swap3A_796], %swap3A_799 {strides = array<i32>} : memref<200x64xf32, #tpu.memory_space<vmem>>, vector<1x16xf32>,
        %mul3A_800 = arith.mulf %add3A_394, %mul3A_675 : vector<16xf32>
        %sub3A_801 = arith.subf %mul3A_800, %mul3A_679 : vector<16xf32>
        %mul3A_802 = arith.mulf %sub3A_801, %get3A_21 : vector<16xf32>
        %add3A_803 = arith.addf %mul3A_802, %get3A_33 : vector<16xf32>
        %add3A_804 = arith.constant 3 : i32
        %add3A_805 = arith.addi %mul3A_199, %add3A_804 : i32
        %swap3A_806 = arith.index_cast %add3A_805 : i32 to index
        %swap3A_807 = arith.constant 32 : index
        %swap3A_808 = tpu.vector_load %arg13[%swap3A_806, %swap3A_807] {strides = array<i32>} : memref<200x64xf32, #tpu.memory_space<vmem>>, vector<1x16xf32>,
        %swap3A_809 = vector.shape_cast %swap3A_808 : vector<1x16xf32> to vector<16xf32>
        %swap3A_810 = vector.shape_cast %add3A_803 : vector<16xf32> to vector<1x16xf32>
        tpu.vector_store %arg13[%swap3A_806, %swap3A_807], %swap3A_810 {strides = array<i32>} : memref<200x64xf32, #tpu.memory_space<vmem>>, vector<1x16xf32>,
        %mul3A_811 = arith.mulf %add3A_251, %mul3A_660 : vector<16xf32>
        %sub3A_812 = arith.subf %mul3A_811, %mul3A_676 : vector<16xf32>
        %mul3A_813 = arith.mulf %sub3A_812, %get3A_24 : vector<16xf32>
        %add3A_814 = arith.addf %mul3A_813, %get3A_36 : vector<16xf32>
        %add3A_815 = arith.constant 0 : i32
        %add3A_816 = arith.addi %mul3A_199, %add3A_815 : i32
        %swap3A_817 = arith.index_cast %add3A_816 : i32 to index
        %swap3A_818 = arith.constant 48 : index
        %swap3A_819 = tpu.vector_load %arg13[%swap3A_817, %swap3A_818] {strides = array<i32>} : memref<200x64xf32, #tpu.memory_space<vmem>>, vector<1x16xf32>,
        %swap3A_820 = vector.shape_cast %swap3A_819 : vector<1x16xf32> to vector<16xf32>
        %swap3A_821 = vector.shape_cast %add3A_814 : vector<16xf32> to vector<1x16xf32>
        tpu.vector_store %arg13[%swap3A_817, %swap3A_818], %swap3A_821 {strides = array<i32>} : memref<200x64xf32, #tpu.memory_space<vmem>>, vector<1x16xf32>,
        %mul3A_822 = arith.mulf %add3A_303, %mul3A_665 : vector<16xf32>
        %sub3A_823 = arith.subf %mul3A_822, %mul3A_677 : vector<16xf32>
        %mul3A_824 = arith.mulf %sub3A_823, %get3A_24 : vector<16xf32>
        %add3A_825 = arith.addf %mul3A_824, %get3A_36 : vector<16xf32>
        %add3A_826 = arith.constant 1 : i32
        %add3A_827 = arith.addi %mul3A_199, %add3A_826 : i32
        %swap3A_828 = arith.index_cast %add3A_827 : i32 to index
        %swap3A_829 = arith.constant 48 : index
        %swap3A_830 = tpu.vector_load %arg13[%swap3A_828, %swap3A_829] {strides = array<i32>} : memref<200x64xf32, #tpu.memory_space<vmem>>, vector<1x16xf32>,
        %swap3A_831 = vector.shape_cast %swap3A_830 : vector<1x16xf32> to vector<16xf32>
        %swap3A_832 = vector.shape_cast %add3A_825 : vector<16xf32> to vector<1x16xf32>
        tpu.vector_store %arg13[%swap3A_828, %swap3A_829], %swap3A_832 {strides = array<i32>} : memref<200x64xf32, #tpu.memory_space<vmem>>, vector<1x16xf32>,
        %mul3A_833 = arith.mulf %add3A_355, %mul3A_670 : vector<16xf32>
        %sub3A_834 = arith.subf %mul3A_833, %mul3A_678 : vector<16xf32>
        %mul3A_835 = arith.mulf %sub3A_834, %get3A_24 : vector<16xf32>
        %add3A_836 = arith.addf %mul3A_835, %get3A_36 : vector<16xf32>
        %add3A_837 = arith.constant 2 : i32
        %add3A_838 = arith.addi %mul3A_199, %add3A_837 : i32
        %swap3A_839 = arith.index_cast %add3A_838 : i32 to index
        %swap3A_840 = arith.constant 48 : index
        %swap3A_841 = tpu.vector_load %arg13[%swap3A_839, %swap3A_840] {strides = array<i32>} : memref<200x64xf32, #tpu.memory_space<vmem>>, vector<1x16xf32>,
        %swap3A_842 = vector.shape_cast %swap3A_841 : vector<1x16xf32> to vector<16xf32>
        %swap3A_843 = vector.shape_cast %add3A_836 : vector<16xf32> to vector<1x16xf32>
        tpu.vector_store %arg13[%swap3A_839, %swap3A_840], %swap3A_843 {strides = array<i32>} : memref<200x64xf32, #tpu.memory_space<vmem>>, vector<1x16xf32>,
        %mul3A_844 = arith.mulf %add3A_407, %mul3A_675 : vector<16xf32>
        %sub3A_845 = arith.subf %mul3A_844, %mul3A_679 : vector<16xf32>
        %mul3A_846 = arith.mulf %sub3A_845, %get3A_24 : vector<16xf32>
        %add3A_847 = arith.addf %mul3A_846, %get3A_36 : vector<16xf32>
        %add3A_848 = arith.constant 3 : i32
        %add3A_849 = arith.addi %mul3A_199, %add3A_848 : i32
        %swap3A_850 = arith.index_cast %add3A_849 : i32 to index
        %swap3A_851 = arith.constant 48 : index
        %swap3A_852 = tpu.vector_load %arg13[%swap3A_850, %swap3A_851] {strides = array<i32>} : memref<200x64xf32, #tpu.memory_space<vmem>>, vector<1x16xf32>,
        %swap3A_853 = vector.shape_cast %swap3A_852 : vector<1x16xf32> to vector<16xf32>
        %swap3A_854 = vector.shape_cast %add3A_847 : vector<16xf32> to vector<1x16xf32>
        tpu.vector_store %arg13[%swap3A_850, %swap3A_851], %swap3A_854 {strides = array<i32>} : memref<200x64xf32, #tpu.memory_space<vmem>>, vector<1x16xf32>,
      }
      %scan3A_185 = arith.constant 50 : i32
      %dma_start3A_186 = arith.constant 0 : i32
      %dma_start3A_187 = arith.constant 0 : i32
      %dma_start3A_188 = tpu.memref_slice %arg7[%add3A_153, %dma_start3A_186, %dma_start3A_187] : memref<1024x200x128xf32, #tpu.memory_space<hbm>> -> memref<1x200x64xf32, #tpu.memory_space<hbm>>
      %dma_start3A_189 = tpu.memref_squeeze %dma_start3A_188 : memref<1x200x64xf32, #tpu.memory_space<hbm>> -> memref<200x64xf32, #tpu.memory_space<hbm>>
      %dma_start3A_190 = arith.constant 0 : i32
      %dma_start3A_191 = arith.constant 0 : i32
      %dma_start3A_192 = tpu.memref_slice %arg7[%add3A_153, %dma_start3A_190, %dma_start3A_191] : memref<1024x200x128xf32, #tpu.memory_space<hbm>> -> memref<1x200x64xf32, #tpu.memory_space<hbm>>
      %dma_start3A_193 = tpu.memref_squeeze %dma_start3A_192 : memref<1x200x64xf32, #tpu.memory_space<hbm>> -> memref<200x64xf32, #tpu.memory_space<hbm>>
      tpu.enqueue_dma source(%arg13 : memref<200x64xf32, #tpu.memory_space<vmem>>) target(%dma_start3A_193 : memref<200x64xf32, #tpu.memory_space<hbm>>) target_semaphore(%arg20 : memref<!tpu.dma_semaphore, #tpu.memory_space<semaphore_mem>>)
      %convert_element_type3A_194 = arith.extui %lt3A_155 : i1 to i32
      %cond3A_195 = arith.constant 0 : i32
      %cond3A_196 = arith.cmpi ne, %convert_element_type3A_194, %cond3A_195 : i32
      scf.if %cond3A_196 {
        %add3A_197 = arith.constant 2 : i32
        %add3A_198 = arith.addi %add3A_153, %add3A_197 : i32
        %dma_wait3A_199 = arith.constant 0 : i32
        %dma_wait3A_200 = tpu.memref_slice %arg2[%add3A_198, %dma_wait3A_199] : memref<1024x200xi32, #tpu.memory_space<hbm>> -> memref<1x200xi32, #tpu.memory_space<hbm>>
        %dma_wait3A_201 = tpu.memref_squeeze %dma_wait3A_200 : memref<1x200xi32, #tpu.memory_space<hbm>> -> memref<200xi32, #tpu.memory_space<hbm>>
        %dma_wait3A_202 = arith.constant 0 : i32
        %dma_wait3A_203 = tpu.memref_slice %arg2[%add3A_198, %dma_wait3A_202] : memref<1024x200xi32, #tpu.memory_space<hbm>> -> memref<1x200xi32, #tpu.memory_space<hbm>>
        %dma_wait3A_204 = tpu.memref_squeeze %dma_wait3A_203 : memref<1x200xi32, #tpu.memory_space<hbm>> -> memref<200xi32, #tpu.memory_space<hbm>>
        tpu.wait_dma2 semaphore(%arg22 : memref<!tpu.dma_semaphore, #tpu.memory_space<semaphore_mem>>) src(%dma_wait3A_204 : memref<200xi32, #tpu.memory_space<hbm>>) dst(%arg9 : memref<200xi32, #tpu.memory_space<vmem>>)
        %dma_start3A_205 = arith.constant 0 : i32
        %dma_start3A_206 = arith.constant 0 : i32
        %dma_start3A_207 = tpu.memref_slice %arg11[%dma_start3A_205, %dma_start3A_206] : memref<200x64xf32, #tpu.memory_space<vmem>> -> memref<104x64xf32, #tpu.memory_space<vmem>>
        %dma_start3A_208 = arith.constant 0 : i32
        %dma_start3A_209 = tpu.memref_slice %arg9[%dma_start3A_208] : memref<200xi32, #tpu.memory_space<vmem>> -> memref<104xi32, #tpu.memory_space<vmem>>
        %dma_start3A_210 = arith.constant 0 : i32
        %dma_start3A_211 = arith.constant 0 : i32
        %dma_start3A_212 = tpu.memref_slice %arg3[%dma_start3A_210, %dma_start3A_211] : memref<100000x64xf32, #tpu.memory_space<hbm>> -> memref<100000x64xf32, #tpu.memory_space<hbm>>
        tpu.enqueue_indirect_dma source(%dma_start3A_212 : memref<100000x64xf32, #tpu.memory_space<hbm>>) target(%dma_start3A_207 : memref<104x64xf32, #tpu.memory_space<vmem>>) offsets(%dma_start3A_209 : memref<104xi32, #tpu.memory_space<vmem>>) semaphore(%arg18 : memref<!tpu.dma_semaphore, #tpu.memory_space<semaphore_mem>>)
        %dma_start3A_213 = arith.constant 104 : i32
        %dma_start3A_214 = arith.constant 0 : i32
        %dma_start3A_215 = tpu.memref_slice %arg11[%dma_start3A_213, %dma_start3A_214] : memref<200x64xf32, #tpu.memory_space<vmem>> -> memref<96x64xf32, #tpu.memory_space<vmem>>
        %dma_start3A_216 = arith.constant 104 : i32
        %dma_start3A_217 = tpu.memref_slice %arg9[%dma_start3A_216] : memref<200xi32, #tpu.memory_space<vmem>> -> memref<96xi32, #tpu.memory_space<vmem>>
        %dma_start3A_218 = arith.constant 0 : i32
        %dma_start3A_219 = arith.constant 0 : i32
        %dma_start3A_220 = tpu.memref_slice %arg3[%dma_start3A_218, %dma_start3A_219] : memref<100000x64xf32, #tpu.memory_space<hbm>> -> memref<100000x64xf32, #tpu.memory_space<hbm>>
        tpu.enqueue_indirect_dma source(%dma_start3A_220 : memref<100000x64xf32, #tpu.memory_space<hbm>>) target(%dma_start3A_215 : memref<96x64xf32, #tpu.memory_space<vmem>>) offsets(%dma_start3A_217 : memref<96xi32, #tpu.memory_space<vmem>>) semaphore(%arg18 : memref<!tpu.dma_semaphore, #tpu.memory_space<semaphore_mem>>)
      } else {
      }
    }
    %scan3A_77 = arith.constant 16 : i32
    %add3A_78 = arith.constant 32 : i32
    %add3A_79 = arith.addi %mul3A_2, %add3A_78 : i32
    %sub3A = arith.constant 2 : i32
    %sub3A_80 = arith.subi %add3A_79, %sub3A : i32
    %add3A_81 = arith.constant 0 : i32
    %add3A_82 = arith.addi %sub3A_80, %add3A_81 : i32
    %dma_wait3A = arith.constant 0 : i32
    %dma_wait3A_83 = arith.constant 0 : i32
    %dma_wait3A_84 = tpu.memref_slice %arg7[%add3A_82, %dma_wait3A, %dma_wait3A_83] : memref<1024x200x128xf32, #tpu.memory_space<hbm>> -> memref<1x200x64xf32, #tpu.memory_space<hbm>>
    %dma_wait3A_85 = tpu.memref_squeeze %dma_wait3A_84 : memref<1x200x64xf32, #tpu.memory_space<hbm>> -> memref<200x64xf32, #tpu.memory_space<hbm>>
    %dma_wait3A_86 = arith.constant 0 : i32
    %dma_wait3A_87 = arith.constant 0 : i32
    %dma_wait3A_88 = tpu.memref_slice %arg7[%add3A_82, %dma_wait3A_86, %dma_wait3A_87] : memref<1024x200x128xf32, #tpu.memory_space<hbm>> -> memref<1x200x64xf32, #tpu.memory_space<hbm>>
    %dma_wait3A_89 = tpu.memref_squeeze %dma_wait3A_88 : memref<1x200x64xf32, #tpu.memory_space<hbm>> -> memref<200x64xf32, #tpu.memory_space<hbm>>
    tpu.wait_dma2 semaphore(%arg19 : memref<!tpu.dma_semaphore, #tpu.memory_space<semaphore_mem>>) src(%arg12 : memref<200x64xf32, #tpu.memory_space<vmem>>) dst(%dma_wait3A_89 : memref<200x64xf32, #tpu.memory_space<hbm>>)
    %add3A_90 = arith.constant 32 : i32
    %add3A_91 = arith.addi %mul3A_2, %add3A_90 : i32
    %sub3A_92 = arith.constant 2 : i32
    %sub3A_93 = arith.subi %add3A_91, %sub3A_92 : i32
    %add3A_94 = arith.constant 1 : i32
    %add3A_95 = arith.addi %sub3A_93, %add3A_94 : i32
    %dma_wait3A_96 = arith.constant 0 : i32
    %dma_wait3A_97 = arith.constant 0 : i32
    %dma_wait3A_98 = tpu.memref_slice %arg7[%add3A_95, %dma_wait3A_96, %dma_wait3A_97] : memref<1024x200x128xf32, #tpu.memory_space<hbm>> -> memref<1x200x64xf32, #tpu.memory_space<hbm>>
    %dma_wait3A_99 = tpu.memref_squeeze %dma_wait3A_98 : memref<1x200x64xf32, #tpu.memory_space<hbm>> -> memref<200x64xf32, #tpu.memory_space<hbm>>
    %dma_wait3A_100 = arith.constant 0 : i32
    %dma_wait3A_101 = arith.constant 0 : i32
    %dma_wait3A_102 = tpu.memref_slice %arg7[%add3A_95, %dma_wait3A_100, %dma_wait3A_101] : memref<1024x200x128xf32, #tpu.memory_space<hbm>> -> memref<1x200x64xf32, #tpu.memory_space<hbm>>
    %dma_wait3A_103 = tpu.memref_squeeze %dma_wait3A_102 : memref<1x200x64xf32, #tpu.memory_space<hbm>> -> memref<200x64xf32, #tpu.memory_space<hbm>>
    tpu.wait_dma2 semaphore(%arg20 : memref<!tpu.dma_semaphore, #tpu.memory_space<semaphore_mem>>) src(%arg13 : memref<200x64xf32, #tpu.memory_space<vmem>>) dst(%dma_wait3A_103 : memref<200x64xf32, #tpu.memory_space<hbm>>)
    return
  }
}

</mosaic_0001>

<sc_bundles>
// kernel: _hybrid_embed.3.cloned.1.call-start
scs
__scs_entry_jumppad:
0x0: {  	(pc) =	sbr.rel $0x88, $3  }
0x1: {  	(tag) =	ssettag $0x0;
	lr =	simm.s32 $0x1  }
0x2: {  	[smem:$0x3F9C] =	sst lr;
	_ =	strace $0xD0000000  }
0x3: {  	_ = 	snop  }
0x4: {  	_ = 	snop  }
0x5: {  	_ = 	snop  }
0x6: {  	_ = 	snop  }
0x7: {  	_ = 	snop  }
__scs_overlays_trampoline_lowered:
0x8: {  	[smem:$0x3FAB] =	sst s0  }
0x9: {  	[smem:$0x3FAC] =	sst s1  }
0xa: {  	[smem:$0x3FAD] =	sst s2  }
0xb: {  	[smem:$0x3FAE] =	sst s3  }
0xc: {  	[smem:$0x3FAF] =	sst s4  }
0xd: {  	[smem:$0x3FB0] =	sst s5  }
0xe: {  	[smem:$0x3FB1] =	sst s6  }
0xf: {  	[smem:$0x3FB2] =	sst s7  }
0x10: {  	[smem:$0x3FB3] =	sst s8  }
0x11: {  	[smem:$0x3FB4] =	sst s9;
	s0 =	simm.s32 @!p0 $0x0  }
0x12: {  	s1 =	sld [smem:$0x3F9A];
	s0 =	simm.s32 @p0 $0x1  }
0x13: {  	[smem:$0x3FB5] =	sst s0;
	s0 =	simm.s32 @!p1 $0x0  }
0x14: {  	s2 =	sld [smem:$0x3F99];
	s0 =	simm.s32 @p1 $0x1  }
0x15: {  	[smem:$0x3FB6] =	sst s0;
	s0 =	simm.s32 @!p2 $0x0  }
0x16: {  	s3 =	sld [smem:$0x3FDB];
	s0 =	simm.s32 @p2 $0x1  }
0x17: {  	s4 =	simm.s32 $0x1BF5;
	[smem:$0x3FB8] =	sst s0  }
0x18: {  	s0 =	sld [smem:$0x3F9B];
	_ =	swait.ge [sflag:s4], $0x0  }
0x19: {  	s7 =	sld [smem:$0x3F9C]  }
0x1a: {  	s8 =	sadd.s32 $0xFFFFE003, lr  }
0x1b: {  	s9 =	sadd.s32 $0xFFFFFEF7, lr;
	s5 =	simm.s32 $0xFFFFFFFF;
	p2 =	slt.u32 s8, $0xFFFFF086  }
0x1c: {  	p1 =	slt.u32 s9, $0xF7A;
	s5 =	simm.s32 @!p2 $0x0  }
0x1d: {  	s5 =	simm.s32 @p1 $0x1;
	p0 =	seq.s32 s7, s2  }
0x1e: {  	s7 =	smul.u32 @!p0 $0xF7A, s2;
	p2 =	seq.s32 @!p0 s5, $0x0  }
0x1f: {  	s9 =	smul.u32 $0xF7A, s1;
	s8 =	simm.s32 @!p0 $0x1BF5;
	p2 =	por !p2, p0  }
0x20: {  	[sflag:s8] =	ssyncset.s32 @!p0 $0xFFFFF086;
	s6 =	sadd.s32 @!p0 s3, s7;
	s7 =	simm.s32 @!p0 $0x108  }
0x21: {  	s3 =	sadd.s32 s3, s9;
	s6 =	sadd.s32 @!p0 $0x88, s6;
	s7 =	simm.s32 @p2 $0x1082  }
0x22: {  	[simem:s7], [sflag:s8] =	dma.local @!p0 [hbm:s6], $0xF7A  }
0x23: {  	s9 =	sor.u32 $0xD0000000, s2;
	s6 =	simm.s32 $0x108;
	_ =	swait.ge @!p0 [sflag:s8], $0x0  }
0x24: {  	s3 =	sadd.s32 $0x88, s3;
	s6 =	simm.s32 @!p1 $0x1082;
	[sflag:s4] =	ssyncset.s32 $0xFFFFF086  }
0x25: {  	[simem:s6], [sflag:s4] =	dma.local [hbm:s3], $0xF7A  }
0x26: {  	[smem:$0x3F9C] =	sst s1;
	(tag) =	ssettag s2;
	_ =	strace s9  }
0x27: {  	s1 =	sld [smem:$0x3FAC]  }
0x28: {  	s2 =	sld [smem:$0x3FAD]  }
0x29: {  	s4 =	sld [smem:$0x3FAF]  }
0x2a: {  	p0 =	seq.s32 s5, $0x0;
	s5 =	sld [smem:$0x3FB0]  }
0x2b: {  	s6 =	sld [smem:$0x3FB1]  }
0x2c: {  	s7 =	sld [smem:$0x3FB2]  }
0x2d: {  	s3 =	simm.s32 $0x108;
	s8 =	sld [smem:$0x3FB3]  }
0x2e: {  	s3 =	simm.s32 @!p0 $0x1082;
	s9 =	sld [smem:$0x3FB4]  }
0x2f: {  	lr =	sadd.s32 s0, s3;
	s0 =	sld [smem:$0x3FAB]  }
0x30: {  	s3 =	sld [smem:$0x3FAE]  }
0x31: {  	[smem:$0x3FB7] =	sst s10  }
0x32: {  	s10 =	sld [smem:$0x3FB5];
	_ =	sdelay $0x3  }
0x33: {  	p0 =	seq.s32 s10, $0x1;
	s10 =	sld [smem:$0x3FB7];
	_ =	sdelay $0x3  }
0x34: {  	[smem:$0x3FB7] =	sst s10  }
0x35: {  	s10 =	sld [smem:$0x3FB6];
	_ =	sdelay $0x3  }
0x36: {  	p1 =	seq.s32 s10, $0x1;
	s10 =	sld [smem:$0x3FB7];
	_ =	sdelay $0x3  }
0x37: {  	[smem:$0x3FB7] =	sst s10  }
0x38: {  	s10 =	sld [smem:$0x3FB8]  }
0x39: {  	_ = 	snop;
	(pc) =	sbr.ind lr, $3  }
0x3a: {  	_ = 	snop  }
0x3b: {  	_ = 	snop  }
0x3c: {  	p2 =	seq.s32 s10, $0x1;
	s10 =	sld [smem:$0x3FB7]  }
0x3d: {  	_ =	shalt  }
0x3e: {  	_ =	shalt  }
0x3f: {  	_ =	shalt  }
0x40: {  	_ =	shalt  }
0x41: {  	_ =	shalt  }
0x42: {  	_ =	shalt  }
0x43: {  	_ =	shalt  }
0x44: {  	_ =	shalt  }
0x45: {  	_ =	shalt  }
0x46: {  	_ =	shalt  }
0x47: {  	_ =	shalt  }
0x48: {  	_ =	shalt  }
0x49: {  	_ =	shalt  }
0x4a: {  	_ =	shalt  }
0x4b: {  	_ =	shalt  }
0x4c: {  	_ =	shalt  }
0x4d: {  	_ =	shalt  }
0x4e: {  	_ =	shalt  }
0x4f: {  	_ =	shalt  }
0x50: {  	_ =	shalt  }
0x51: {  	_ =	shalt  }
0x52: {  	_ =	shalt  }
0x53: {  	_ =	shalt  }
0x54: {  	_ =	shalt  }
0x55: {  	_ =	shalt  }
0x56: {  	_ =	shalt  }
0x57: {  	_ =	shalt  }
0x58: {  	_ =	shalt  }
0x59: {  	_ =	shalt  }
0x5a: {  	_ =	shalt  }
0x5b: {  	_ =	shalt  }
0x5c: {  	_ =	shalt  }
0x5d: {  	_ =	shalt  }
0x5e: {  	_ =	shalt  }
0x5f: {  	_ =	shalt  }
0x60: {  	_ =	shalt  }
0x61: {  	_ =	shalt  }
0x62: {  	_ =	shalt  }
0x63: {  	_ =	shalt  }
0x64: {  	_ =	shalt  }
0x65: {  	_ =	shalt  }
0x66: {  	_ =	shalt  }
0x67: {  	_ =	shalt  }
0x68: {  	_ =	shalt  }
0x69: {  	_ =	shalt  }
0x6a: {  	_ =	shalt  }
0x6b: {  	_ =	shalt  }
0x6c: {  	_ =	shalt  }
0x6d: {  	_ =	shalt  }
0x6e: {  	_ =	shalt  }
0x6f: {  	_ =	shalt  }
0x70: {  	_ =	shalt  }
0x71: {  	_ =	shalt  }
0x72: {  	_ =	shalt  }
0x73: {  	_ =	shalt  }
0x74: {  	_ =	shalt  }
0x75: {  	_ =	shalt  }
0x76: {  	_ =	shalt  }
0x77: {  	_ =	shalt  }
0x78: {  	_ =	shalt  }
0x79: {  	_ =	shalt  }
0x7a: {  	_ =	shalt  }
0x7b: {  	_ =	shalt  }
0x7c: {  	_ =	shalt  }
0x7d: {  	_ =	shalt  }
0x7e: {  	_ =	shalt  }
0x7f: {  	_ =	shalt  }
0x80: {  	_ =	shalt  }
0x81: {  	_ =	shalt  }
0x82: {  	_ =	shalt  }
0x83: {  	_ =	shalt  }
0x84: {  	_ =	shalt  }
0x85: {  	_ =	shalt  }
0x86: {  	_ =	shalt  }
0x87: {  	_ =	shalt  }
.Lfunc_end0:
.L_simem_size_0:
called_computation_lowered:
.L_overlay_start_0:
0x88: {  	s2 =	sld [smem:$0x3FD9]  }
0x89: {  	s3 =	sld [smem:$0x3FFE];
	_ =	sdelay $0x1  }
0x8a: {  	s1 =	srdreg.scid  }
0x8b: {  	s0 =	sand.u32 $0x1, s1  }
0x8c: {  	s17 =	sshll.u32 s0, $0xA;
	s2 =	sadd.s32 s3, s2  }
0x8d: {  	s2 =	sadd.s32 s2, s17  }
0x8e: {  	[smem:$0x3FC3] =	sst s2  }
0x8f: {  	_ = 	snop  }
0x90: {  	s2 =	sld [smem:$0x3FC6]  }
0x91: {  	s18 =	sld [smem:$0x3FC5]  }
0x92: {  	s4 =	sld [smem:$0x3FD0];
	(tm) =	ssettm $0x1  }
0x93: {  	s5 =	sld [smem:$0x3FFB];
	_ =	sdelay $0x3  }
0x94: {  	_ =	strace s5  }
0x95: {  	s5 =	sld [smem:$0x3FFC];
	_ =	sdelay $0x3  }
0x96: {  	_ =	strace s5  }
0x97: {  	s5 =	sld [smem:$0x3FFD];
	_ =	sdelay $0x3  }
0x98: {  	_ =	strace s5  }
0x99: {  	_ =	strace $0x8FFFFFFF  }
0x9a: {  	s19 =	sld [smem:$0x3FDB];
	_ =	sdelay $0x1  }
0x9b: {  	s6 =	simm.s32 $_scs_section_size  }
0x9c: {  	s7 =	simm.s32 $_size__tile_overlayer_lowered;
	s8 =	simm.s32 $_tile_overlayer_lowered  }
0x9d: {  	s22 =	simm.s32 $0x1BFF;
	s21 =	sshll.u32 s8, $0x1;
	s5 =	sadd.s32 s6, s19  }
0x9e: {  	s9 =	simm.s32 $0x0;
	s20 =	sshll.u32 s7, $0x1;
	s7 =	sadd.s32 s21, s5  }
0x9f: {  	[timem:s9], [sflag:s22] =	dma.local [hbm:s7], s20  }
0xa0: {  	_ =	swait.ge [sflag:s22], s20  }
0xa1: {  	s6 =	ssub.s32 $0x0, s20;
	[sflag:s22] =	ssyncset.done $0x0  }
0xa2: {  	[sflag:s22] =	ssyncadd.s32 s6;
	_ =	sdelay $0x1  }
0xa3: {  	s23 =	simm.s32 $0x1B8B  }
0xa4: {  	_ =	swait.ge [sflag:s23], $0x1  }
0xa5: {  	[sflag:s23] =	ssyncset.done $0x0  }
0xa6: {  	s25 =	simm.s32 $0x1B8E;
	s24 =	sld [smem:$0x3FFE];
	[sflag:s23] =	ssyncadd.s32 $0xFFFFFFFF  }
0xa7: {  	s26 =	simm.s32 $execute0_lowered;
	[smem:$0x3FD2] =	sst s25  }
0xa8: {  	s7 =	sshll.u32 s26, $0x1;
	_ =	strace $0x80000046;
	[dreg:$0x1] =	wrdreg $0xFFFFFFFF  }
0xa9: {  	s28 =	simm.s32 $_size_execute0_lowered;
	s5 =	sadd.s32 s5, s7;
	[dreg:$0x0] =	wrdreg $0x0  }
0xaa: {  	s7 =	sshll.u32 s28, $0x1;
	[dreg:$0x2] =	wrdreg s5  }
0xab: {  	[dreg:$0x3] =	wrdreg s7  }
0xac: {  	[dreg:$0x4] =	wrdreg $0xC0  }
0xad: {  	_ =	task [dreg:s9], $0x5FFFF  }
0xae: {  	[dreg:$0x1] =	wrdreg $0xFFFFFFFF  }
0xaf: {  	[dreg:$0x0] =	wrdreg $0x60  }
0xb0: {  	[dreg:$0x2] =	wrdreg s24  }
0xb1: {  	[dreg:$0x3] =	wrdreg s2  }
0xb2: {  	[dreg:$0x4] =	wrdreg s18  }
0xb3: {  	[dreg:$0x5] =	wrdreg s4  }
0xb4: {  	[dreg:$0x6] =	wrdreg $0x9  }
0xb5: {  	_ =	task.clear_ibuf [dreg:s9], $0x7FFFF;
	_ =	strace $0x90000046  }
0xb6: {  	s29 =	simm.s32 $0x9;
	_ =	strace $0x80000048  }
0xb7: {  	_ =	swait.ge [sflag:s29], $0x1  }
0xb8: {  	[sflag:s29] =	ssyncadd.s32 $0xFFFFFFFF  }
0xb9: {  	_ =	strace $0x90000048  }
0xba: {  	_ =	sfence  }
0xbb: {  	s30 =	sld [smem:$0x0];
	_ =	sdelay $0x2  }
0xbc: {  	s31 =	sshll.u32 s1, $0xD;
	s1 =	sshrl.u32 s1, $0x2  }
0xbd: {  	s3 =	sand.u32 $0x4000, s31;
	s1 =	sadd.s32 s1, s30  }
0xbe: {  	s0 =	sor.u32 s3, s0;
	s1 =	sshll.u32 s1, $0x11  }
0xbf: {  	s0 =	sor.u32 s1, s0  }
0xc0: {  	s0 =	sadd.s32 $0x8F2B, s0  }
0xc1: {  	[sflag:s0] =	ssyncadd.remote.s32 $0x1  }
0xc2: {  	_ =	sfence.sel $0xFFFF  }
0xc3: {  	[dreg:$0x0] =	wrdreg $0xFFFFFFFF;
	(pc) =	sbr.abs _section_cstart, $3  }
0xc4: {  	[dreg:$0x1] =	wrdreg $0xFFFFFFFF  }
0xc5: {  	_ =	task.clear_ibuf [dreg:s9], $0x2FFFF;
	_ =	strace $0x9FFFFFFF  }
0xc6: {  	(tm) =	ssettm $0x7FFFFFFF  }
0xc7: {  	_ =	shalt  }
tec
execute0_lowered:
.L_overlay_start_1:
0x0: {  	(tag) =	ssettag $0x1  }
0x1: {  	s0 =	rddreg [dreg:$0x0]  }
0x2: {  	s1 =	srdreg.scid;
	s2 =	stileid.u32;
	v0 =	vimm.s32 $0xEFCDAB89  }
0x3: {  	s4 =	rddreg [dreg:$0x3];
	s5 =	simm.s32 $0x0;
	v1 =	vimm.s32 $0x67452301;
	v2 =	vimm.s32 $0xDCFE98BA;
	v3 =	vimm.s32 $0x54761032;
	s14 =	simm.s32 $0x7  }
0x4: {  	v4 =	vimm.s32 $0xBA98FEDC;
	v5 =	vimm.s32 $0x32107654;
	s17 =	simm.s32 $0x68;
	s19 =	simm.s32 $0x60;
	s21 =	simm.s32 $0xC8  }
0x5: {  	v6 =	vimm.s32 $0xFEDCBA98;
	s22 =	simm.s32 $0x3390;
	s23 =	simm.s32 $0x130;
	s24 =	simm.s32 $0x4D90  }
0x6: {  	v7 =	vimm.s32 $0x76543210;
	s25 =	simm.s32 $0x1;
	s28 =	simm.s32 $0x80;
	s29 =	simm.s32 $0x6590;
	v0 =	vunpack.c.l.s4.s8 v0;
	v1 =	vunpack.c.l.s4.s8 v1  }
0x7: {  	s30 =	simm.s32 $0x9790;
	s31 =	simm.s32 $0x3;
	s1 =	sand.u32 $0x1, s1;
	v2 =	vunpack.c.l.s4.s8 v2;
	v3 =	vunpack.c.l.s4.s8 v3;
	v4 =	vunpack.c.l.s4.s8 v4  }
0x8: {  	s2 =	sshll.u32 s2, $0x6;
	[smem:$0x7FF] =	sst s5;
	s7 =	sadd.s32 $0x1400, s0;
	v5 =	vunpack.c.l.s4.s8 v5;
	v6 =	vunpack.c.l.s4.s8 v6;
	v7 =	vunpack.c.l.s4.s8 v7  }
0x9: {  	s8 =	sadd.s32 $0x7800, s0;
	s0 =	sadd.s32 $0x400, s0;
	s3 =	sshll.u32 s1, $0x5;
	v0 =	vunpack.c.0.s8.s32 v0;
	v1 =	vunpack.c.0.s8.s32 v1;
	v2 =	vunpack.c.0.s8.s32 v2  }
.Ltmp0:
0xa: {  	s1 =	ssub.s32 $0x2, s1;
	s6 =	sor.u32 s3, s2;
	v3 =	vunpack.c.0.s8.s32 v3;
	v4 =	vunpack.c.0.s8.s32 v4;
	v5 =	vunpack.c.0.s8.s32 v5;
	(pc) =	sbr.rel .LBB2_1-.Ltmp0, $4  }
0xb: {  	_ =	strace $0x80000047;
	[dreg:$0x5] =	wrdreg s0;
	s2 =	smul.u32 $0x19, s6;
	v0 =	vcombine.low v1, v0;
	v1 =	vunpack.c.0.s8.s32 v6  }
0xc: {  	s0 =	simm.s32 $0x6;
	s26 =	sshrl.u32 s1, $0x1;
	s3 =	simm.s32 $0x4;
	v2 =	vcombine.low v3, v2;
	v3 =	vcombine.low v5, v4;
	v4 =	vunpack.c.0.s8.s32 v7  }
0xd: {  	s1 =	ssub.s32 s1, s26;
	s26 =	simm.s32 $0x40;
	s9 =	sadd.s32 s7, s2;
	v0 =	vand.u32 $0xF, v0;
	v5 =	vand.u32 $0xF, v1  }
0xe: {  	s12 =	smax.u32 s1, $0x1;
	s1 =	simm.s32 $0x0;
	s11 =	sadd.s32 $0x19, s9;
	v1 =	vand.u32 $0xF, v2;
	v2 =	vand.u32 $0xF, v3;
	v3 =	vcombine.low v5, v4  }
.LBB2_11:
0xf: {  	s1 =	sadd.s32 $0x1, s1  }
0x10: {  	_ =	swait.ge [sflag:s31], $0x3200;
	p0 =	sne.s32 s1, s12  }
.Ltmp1:
0x11: {  	[sflag:s31] =	ssyncset.done $0x0;
	(pc) =	sbr.rel @!p0 .LBB2_12-.Ltmp1, $4  }
0x12: {  	[sflag:s31] =	ssyncadd.s32 $0xFFFFCE00  }
0x13: {  	_ =	swait.ge [sflag:s3], $0x3200  }
0x14: {  	[sflag:s3] =	ssyncset.done $0x0  }
0x15: {  	[sflag:s3] =	ssyncadd.s32 $0xFFFFCE00  }
.LBB2_1:
0x16: {  	s2 =	rddreg [dreg:$0x5];
	s10 =	simm.s32 $0xC990  }
0x17: {  	[tilespmem:s10], [sflag:$0x7] =	stream.linear.gather [hbm4b:s2+s5], $0x3200, $0x38;
	[tilespmem:$0xFC10] =	vst v63  }
0x18: {  	_ =	swait.ge [sflag:s14], $0x3200  }
0x19: {  	[sflag:s14] =	ssyncset.done $0x0  }
0x1a: {  	[sflag:s14] =	ssyncadd.s32 $0xFFFFCE00  }
0x1b: {  	s13 =	simm.s32 $0xFB90;
	s10 =	rddreg [dreg:$0x1]  }
0x1c: {  	[tilespmem:s13], [sflag:$0x7] =	stream.linear.gather [hbm4b:s10+s5], $0x40, $0x38;
	[tilespmem:$0xFC10] =	vst v63  }
0x1d: {  	_ =	swait.ge [sflag:s14], $0x40  }
0x1e: {  	[sflag:s14] =	ssyncset.done $0x0  }
0x1f: {  	[sflag:s14] =	ssyncadd.s32 $0xFFFFFFC0  }
0x20: {  	s16 =	simm.s32 $0xFBD0;
	s15 =	rddreg [dreg:$0x2]  }
0x21: {  	[tilespmem:s16], [sflag:$0x7] =	stream.linear.gather [hbm4b:s15+s5], $0x40, $0x38;
	[tilespmem:$0xFC10] =	vst v63  }
0x22: {  	_ =	swait.ge [sflag:s14], $0x40  }
0x23: {  	[sflag:s14] =	ssyncset.done $0x0  }
0x24: {  	[sflag:s14] =	ssyncadd.s32 $0xFFFFFFC0  }
0x25: {  	v4 =	vld [tilespmem:$0xFB90]  }
0x26: {  	v5 =	vld [tilespmem:$0xFBA0]  }
0x27: {  	v6 =	vld [tilespmem:$0xFBB0]  }
0x28: {  	v7 =	vld [tilespmem:$0xFBC0]  }
0x29: {  	v8 =	vld [tilespmem:$0xFBD0]  }
0x2a: {  	v9 =	vld [tilespmem:$0xFBE0]  }
0x2b: {  	v10 =	vld [tilespmem:$0xFBF0]  }
0x2c: {  	v11 =	vld [tilespmem:$0xFC00];
	[tilespmem:s5], [sflag:$0x7] =	stream.linear.gather [hbm4b:s9+s5], $0xC8, $0x38  }
0x2d: {  	_ =	swait.ge [sflag:s14], $0xC8  }
0x2e: {  	[sflag:s14] =	ssyncset.done $0x0  }
0x2f: {  	s18 =	simm.s32 $0x190;
	[sflag:s14] =	ssyncadd.s32 $0xFFFFFF38  }
0x30: {  	[tilespmem:s18], [sflag:$0x1] =	stream.indirect.gather [hbm4b:s8+s17], $0x40, s5, s17, $0xb8;
	[tilespmem:$0xFC10] =	vst v63  }
0x31: {  	s20 =	simm.s32 $0x1B90  }
0x32: {  	[tilespmem:s20], [sflag:$0x1] =	stream.indirect.gather [hbm4b:s8+s19], $0x40, s17, s19, $0xb8;
	[tilespmem:$0xFC10] =	vst v63  }
0x33: {  	_ = 	snop  }
0x34: {  	[tilespmem:s21], [sflag:$0x7] =	stream.linear.gather [hbm4b:s11+s5], $0xC8, $0x38;
	[tilespmem:$0xFC10] =	vst v63  }
0x35: {  	_ =	swait.ge [sflag:s14], $0xC8  }
0x36: {  	[sflag:s14] =	ssyncset.done $0x0  }
0x37: {  	[sflag:s14] =	ssyncadd.s32 $0xFFFFFF38  }
0x38: {  	[tilespmem:s22], [sflag:$0x2] =	stream.indirect.gather [hbm4b:s8+s17], $0x40, s21, s17, $0xb8;
	[tilespmem:$0xFC10] =	vst v63  }
0x39: {  	s2 =	simm.s32 $0x0  }
0x3a: {  	[tilespmem:s24], [sflag:$0x2] =	stream.indirect.gather [hbm4b:s8+s19], $0x40, s23, s19, $0xb8;
	[tilespmem:$0xFC10] =	vst v63  }
.LBB2_2:
0x3b: {  	s13 =	sshll.u32 s2, $0x1;
	p0 =	seq.s32 s2, $0xF  }
0x3c: {  	_ =	swait.ge [sflag:s25], $0x1A00;
	s13 =	sadd.s32 s6, s13;
	p1 =	seq.s32 @!p0 s2, $0x0  }
0x3d: {  	[sflag:s25] =	ssyncset.done $0x0;
	s15 =	smul.u32 @!p0 $0xC8, s13;
	p1 =	por p0, !p1  }
.Ltmp2:
0x3e: {  	[sflag:s25] =	ssyncadd.s32 $0xFFFFE600;
	(pc) =	sbr.rel @!p1 .LBB2_3-.Ltmp2, $4  }
0x3f: {  	_ =	swait.ge [sflag:s25], $0x1800;
	s16 =	sshrl.u32 @!p0 s15, $0x3  }
0x40: {  	[sflag:s25] =	ssyncset.done $0x0;
	s16 =	sadd.s32 @!p0 s7, s16  }
0x41: {  	s18 =	simm.s32 @!p0 $0x0;
	[sflag:s25] =	ssyncadd.s32 $0xFFFFE800;
	s16 =	sadd.s32 @!p0 $0x32, s16  }
0x42: {  	[tilespmem:s18], [sflag:$0x5] =	stream.linear.gather @!p0 [hbm4b:s16+s18], $0xC8, $0x38;
	[tilespmem:$0xFC10] =	vst v63  }
.Ltmp3:
0x43: {  	(pc) =	sbr.rel .LBB2_5-.Ltmp3, $4  }
0x44: {  	_ = 	snop  }
0x45: {  	_ =	swait.ge [sflag:s31], $0x3200  }
0x46: {  	[sflag:s31] =	ssyncset.done $0x0  }
0x47: {  	p1 =	por $0x0, $0x0;
	[sflag:s31] =	ssyncadd.s32 $0xFFFFCE00  }
.LBB2_3:
0x48: {  	p1 =	por @!p0 $0x1, $0x1  }
.LBB2_5:
0x49: {  	s16 =	simm.s32 $0x0  }
0x4a: {  	v12 =	vld [tilespmem:s16+$0x250]  }
0x4b: {  	v13 =	vld [tilespmem:s16+$0xCA50]  }
0x4c: {  	v14 =	vld [tilespmem:s16+$0x260]  }
0x4d: {  	v15 =	vld [tilespmem:s16+$0xCA60]  }
0x4e: {  	v16 =	vld [tilespmem:s16+$0x270]  }
0x4f: {  	v17 =	vld [tilespmem:s16+$0xCA70]  }
0x50: {  	v18 =	vld [tilespmem:s16+$0x280]  }
0x51: {  	v19 =	vld [tilespmem:s16+$0xCA80]  }
0x52: {  	v23 =	vld [tilespmem:s16+$0x190]  }
0x53: {  	v24 =	vld [tilespmem:s16+$0xC990]  }
0x54: {  	v25 =	vld [tilespmem:s16+$0x1A0]  }
0x55: {  	v26 =	vld [tilespmem:s16+$0xC9A0];
	v22 =	vadd.f32 v13, v12;
	v21 =	vadd.f32 v15, v14  }
0x56: {  	v12 =	vld [tilespmem:s16+$0x1B0];
	v20 =	vadd.f32 v17, v16;
	v27 =	vadd.f32 v19, v18  }
0x57: {  	v14 =	vld [tilespmem:s16+$0xC9B0];
	v13 =	vadd.f32 v21, v22  }
0x58: {  	v16 =	vld [tilespmem:s16+$0x1C0];
	v15 =	vadd.f32 v27, v20;
	v17 =	vmul.f32 v22, v22;
	v18 =	vmul.f32 v21, v21  }
0x59: {  	v19 =	vld [tilespmem:s16+$0xC9C0];
	v28 =	vmul.f32 v20, v20;
	v29 =	vmul.f32 v27, v27  }
0x5a: {  	v30 =	vld [tilespmem:s16+$0x1D0];
	v31 =	vadd.f32 v15, v13;
	v17 =	vadd.f32 v18, v17  }
0x5b: {  	v18 =	vadd.f32 v29, v28;
	v15 =	vadd.f32 v24, v23;
	v23 =	vld [tilespmem:s16+$0x1E0]  }
0x5c: {  	v13 =	vadd.f32 v26, v25;
	v24 =	vld [tilespmem:s16+$0xC9E0]  }
0x5d: {  	v32 =	vld [tilespmem:s16+$0xC9D0];
	v12 =	vadd.f32 v14, v12;
	v17 =	vadd.f32 v18, v17;
	v18 =	vperm.xlane v31, v0  }
0x5e: {  	v33 =	vld [tilespmem:s16+$0xC9F0];
	v14 =	vadd.f32 v19, v16;
	v25 =	vmul.f32 v15, v15;
	v26 =	vmul.f32 v13, v13  }
0x5f: {  	v28 =	vld [tilespmem:s16+$0x1F0];
	v29 =	vadd.f32 v13, v15;
	v18 =	vadd.f32 v18, v31;
	v31 =	vperm.xlane v17, v0  }
0x60: {  	v34 =	vld [tilespmem:s16+$0xCA00];
	v53 =	vmul.f32 v14, v14;
	v19 =	vadd.f32 v26, v25;
	v26 =	vmul.f32 v12, v12  }
0x61: {  	v25 =	vld [tilespmem:s16+$0x200];
	v16 =	vadd.f32 v24, v23;
	v31 =	vadd.f32 v31, v17;
	v35 =	vperm.xlane v18, v1  }
0x62: {  	v36 =	vld [tilespmem:s16+$0x210];
	v17 =	vadd.f32 v32, v30;
	v30 =	vadd.f32 v14, v12  }
0x63: {  	v23 =	vld [tilespmem:s16+$0xCA10];
	v26 =	vadd.f32 v53, v26;
	v37 =	vmul.f32 v16, v16;
	v24 =	vadd.f32 v35, v18  }
0x64: {  	v54 =	vperm.xlane v31, v1;
	v29 =	vadd.f32 v30, v29;
	v18 =	vadd.f32 v33, v28  }
0x65: {  	v55 =	vld [tilespmem:s16+$0x220];
	v30 =	vmul.f32 v17, v17;
	v57 =	vadd.f32 v16, v17;
	v38 =	vadd.f32 v26, v19  }
0x66: {  	v39 =	vld [tilespmem:s16+$0x230];
	v19 =	vadd.f32 v34, v25;
	v31 =	vadd.f32 v54, v31;
	v56 =	vperm.xlane v24, v2  }
0x67: {  	v28 =	vld [tilespmem:s16+$0xCA20];
	v30 =	vadd.f32 v37, v30;
	v58 =	vmul.f32 v18, v18;
	v59 =	vperm.xlane v29, v0  }
0x68: {  	v60 =	vld [tilespmem:s16+$0x240];
	v23 =	vadd.f32 v23, v36;
	v51 =	vperm.xlane v38, v0;
	v41 =	vadd.f32 v19, v18  }
0x69: {  	v25 =	vld [tilespmem:s16+$0xCA30];
	v42 =	vmul.f32 v19, v19;
	v24 =	vadd.f32 v56, v24;
	v26 =	vperm.xlane v31, v2  }
0x6a: {  	v61 =	vld [tilespmem:s16+$0xCA40];
	v29 =	vadd.f32 v59, v29;
	v44 =	vmul.f32 v23, v23;
	v63 =	vadd.f32 v41, v57  }
0x6b: {  	v33 =	vadd.f32 v42, v58;
	v31 =	vadd.f32 v26, v31;
	v40 =	vperm.xlane v24, v3  }
0x6c: {  	v26 =	vadd.f32 v28, v55;
	v53 =	vperm.xlane v29, v1;
	v55 =	vadd.f32 v51, v38  }
0x6d: {  	v30 =	vadd.f32 v33, v30;
	v50 =	vperm.xlane v63, v0;
	v28 =	vadd.f32 v40, v24  }
0x6e: {  	v62 =	vperm.xlane v31, v3;
	v24 =	vadd.f32 v25, v39;
	v45 =	vadd.f32 v26, v23  }
0x6f: {  	v46 =	vmul.f32 v26, v26;
	v25 =	vadd.f32 v61, v60;
	v29 =	vadd.f32 v53, v29  }
0x70: {  	v61 =	vperm.xlane v55, v1;
	v52 =	vperm.xlane v30, v0;
	v33 =	vadd.f32 v50, v63  }
0x71: {  	v31 =	vadd.f32 v62, v31;
	v28 =	vmul.f32 $1.562500000e-02, v28;
	v48 =	vmul.f32 v24, v24  }
0x72: {  	v37 =	vadd.f32 v25, v24;
	v49 =	vmul.f32 v25, v25;
	v35 =	vadd.f32 v46, v44  }
0x73: {  	v34 =	vadd.f32 v61, v55;
	v42 =	vperm.xlane v29, v2;
	v30 =	vadd.f32 v52, v30  }
0x74: {  	v59 =	vperm.xlane v33, v1;
	v31 =	vmul.f32 $1.562500000e-02, v31;
	v32 =	vadd.f32 v37, v45  }
0x75: {  	v47 =	vmul.f32 v28, v28;
	v36 =	vadd.f32 v49, v48;
	v29 =	vadd.f32 v42, v29  }
0x76: {  	v45 =	vperm.xlane v34, v2;
	v33 =	vadd.f32 v59, v33;
	v62 =	vperm.xlane v30, v1  }
0x77: {  	v31 =	vsub.f32 v31, v47;
	v35 =	vadd.f32 v36, v35;
	v54 =	vperm.xlane v32, v0  }
0x78: {  	v34 =	vadd.f32 v45, v34;
	v48 =	vperm.xlane v29, v3;
	v30 =	vadd.f32 v62, v30  }
0x79: {  	v43 =	vperm.xlane v33, v2;
	v31 =	vadd.f32 $9.999999740e-06, v31;
	v32 =	vadd.f32 v54, v32  }
0x7a: {  	v57 =	vperm.xlane v35, v0;
	v50 =	vperm.xlane v34, v3;
	v29 =	vadd.f32 v48, v29  }
0x7b: {  	v33 =	vadd.f32 v43, v33;
	v46 =	vperm.xlane v30, v2;
	v56 =	vshra.s32 v31, $0x1  }
0x7c: {  	v31 =	vmul.f32 $5.000000000e-01, v31;
	v60 =	vperm.xlane v32, v1;
	v35 =	vadd.f32 v57, v35  }
0x7d: {  	v34 =	vadd.f32 v50, v34;
	v29 =	vmul.f32 $1.562500000e-02, v29;
	v37 =	vsub.s32 $0x5F3759DF, v56  }
0x7e: {  	v30 =	vadd.f32 v46, v30;
	v38 =	vperm.xlane v33, v3;
	v58 =	vmul.f32 v37, v37  }
0x7f: {  	v32 =	vadd.f32 v60, v32;
	v63 =	vperm.xlane v35, v1;
	v34 =	vmul.f32 $1.562500000e-02, v34  }
0x80: {  	v53 =	vmul.f32 v29, v29;
	v33 =	vadd.f32 v38, v33;
	v51 =	vperm.xlane v30, v3  }
0x81: {  	v31 =	vmul.f32 v58, v31;
	v35 =	vadd.f32 v63, v35;
	v44 =	vperm.xlane v32, v2  }
0x82: {  	v34 =	vsub.f32 v34, v53;
	v30 =	vadd.f32 v51, v30;
	v33 =	vmul.f32 $1.562500000e-02, v33  }
0x83: {  	v31 =	vsub.f32 $1.500000000e+00, v31;
	v32 =	vadd.f32 v44, v32;
	v47 =	vperm.xlane v35, v2  }
0x84: {  	v34 =	vadd.f32 $9.999999740e-06, v34;
	v30 =	vmul.f32 $1.562500000e-02, v30;
	v54 =	vmul.f32 v33, v33  }
0x85: {  	v31 =	vmul.f32 v37, v31;
	v35 =	vadd.f32 v47, v35;
	v49 =	vperm.xlane v32, v3  }
0x86: {  	v56 =	vshra.s32 v34, $0x1;
	v30 =	vsub.f32 v30, v54  }
0x87: {  	v28 =	vmul.f32 v31, v28;
	v32 =	vadd.f32 v49, v32;
	v52 =	vperm.xlane v35, v3  }
0x88: {  	v27 =	vmul.f32 v31, v27;
	v22 =	vmul.f32 v31, v22;
	v30 =	vadd.f32 $9.999999740e-06, v30  }
0x89: {  	v21 =	vmul.f32 v31, v21;
	v32 =	vmul.f32 $1.562500000e-02, v32;
	v35 =	vadd.f32 v52, v35  }
0x8a: {  	v20 =	vmul.f32 v31, v20;
	v27 =	vsub.f32 v27, v28;
	v57 =	vshra.s32 v30, $0x1  }
0x8b: {  	v35 =	vmul.f32 $1.562500000e-02, v35;
	v55 =	vmul.f32 v32, v32;
	v36 =	vsub.s32 $0x5F3759DF, v57  }
0x8c: {  	v22 =	vsub.f32 v22, v28;
	v30 =	vmul.f32 $5.000000000e-01, v30;
	v60 =	vmul.f32 v36, v36  }
0x8d: {  	v34 =	vmul.f32 $5.000000000e-01, v34;
	v21 =	vsub.f32 v21, v28;
	v35 =	vsub.f32 v35, v55  }
0x8e: {  	v20 =	vsub.f32 v20, v28;
	v27 =	vmul.f32 v27, v7;
	v30 =	vmul.f32 v60, v30  }
0x8f: {  	v22 =	vmul.f32 v22, v4;
	v31 =	vadd.f32 $9.999999740e-06, v35;
	v35 =	vsub.s32 $0x5F3759DF, v56  }
0x90: {  	v21 =	vmul.f32 v21, v5;
	v59 =	vmul.f32 v35, v35;
	v30 =	vsub.f32 $1.500000000e+00, v30  }
0x91: {  	v20 =	vmul.f32 v20, v6;
	v27 =	vadd.f32 v27, v11;
	v58 =	vshra.s32 v31, $0x1  }
0x92: {  	v37 =	vsub.s32 $0x5F3759DF, v58;
	v34 =	vmul.f32 v59, v34;
	v30 =	vmul.f32 v36, v30  }
0x93: {  	v20 =	vadd.f32 v20, v10;
	v31 =	vmul.f32 $5.000000000e-01, v31;
	v61 =	vmul.f32 v37, v37  }
0x94: {  	v22 =	vadd.f32 v22, v8;
	[tilespmem:s16+$0x6680] =	vst v27;
	v28 =	vsub.f32 $1.500000000e+00, v34;
	v33 =	vmul.f32 v30, v33  }
0x95: {  	v21 =	vadd.f32 v21, v9;
	[tilespmem:s16+$0x6670] =	vst v20;
	v20 =	vmul.f32 v30, v17;
	v31 =	vmul.f32 v61, v31  }
0x96: {  	[tilespmem:s16+$0x6650] =	vst v22;
	v16 =	vmul.f32 v30, v16;
	v34 =	vmul.f32 v35, v28  }
0x97: {  	s18 =	simm.s32 $0x100;
	[tilespmem:s16+$0x6660] =	vst v21;
	v36 =	vmul.f32 v30, v18;
	v19 =	vmul.f32 v30, v19;
	v27 =	vsub.f32 $1.500000000e+00, v31  }
0x98: {  	v17 =	vld [tilespmem:s18+$0xCA50];
	v62 =	vsub.f32 v20, v33;
	v21 =	vmul.f32 v34, v15;
	v63 =	vmul.f32 v34, v12  }
0x99: {  	v20 =	vld [tilespmem:s18+$0xCA60];
	v18 =	vmul.f32 v34, v14;
	v22 =	vmul.f32 v37, v27  }
0x9a: {  	v15 =	vld [tilespmem:s18+$0x250];
	v14 =	vmul.f32 v62, v4;
	v27 =	vmul.f32 v34, v29  }
0x9b: {  	v30 =	vsub.f32 v36, v33;
	v12 =	vld [tilespmem:s18+$0x270];
	v29 =	vmul.f32 v34, v13;
	v28 =	vmul.f32 v22, v32  }
0x9c: {  	v13 =	vld [tilespmem:s18+$0x260];
	v21 =	vsub.f32 v21, v27;
	v23 =	vmul.f32 v22, v23;
	v31 =	vmul.f32 v22, v26  }
0x9d: {  	v26 =	vsub.f32 v29, v27;
	v37 =	vmul.f32 v22, v24;
	v29 =	vld [tilespmem:s18+$0xCA70];
	v24 =	vsub.f32 v16, v33  }
0x9e: {  	v25 =	vmul.f32 v22, v25;
	v22 =	vld [tilespmem:s18+$0x280];
	v23 =	vsub.f32 v23, v28;
	v34 =	vsub.f32 v31, v28  }
0x9f: {  	s20 =	simm.s32 $0x800;
	v32 =	vld [tilespmem:s18+$0xCA80];
	v21 =	vmul.f32 v21, v4;
	v31 =	vsub.f32 v63, v27;
	v16 =	vsub.f32 v37, v28  }
.LBB2_6:
0xa0: {  	p2 =	sne.s32 s20, $0xC400;
	v36 =	vld [tilespmem:s18+$0x190];
	v37 =	vmul.f32 v23, v4;
	v18 =	vsub.f32 v18, v27;
	v19 =	vsub.f32 v19, v33  }
0xa1: {  	v39 =	vmul.f32 v26, v5;
	v35 =	vmul.f32 v24, v5;
	v40 =	vsub.f32 v25, v28;
	v38 =	vld [tilespmem:s18+$0xC990]  }
0xa2: {  	v21 =	vadd.f32 v21, v8;
	v34 =	vmul.f32 v34, v5;
	v26 =	vmul.f32 v31, v6;
	v41 =	vld [tilespmem:s18+$0x1A0]  }
0xa3: {  	v24 =	vadd.f32 v17, v15;
	v23 =	vadd.f32 v20, v13;
	v27 =	vmul.f32 v30, v6;
	v31 =	vld [tilespmem:s18+$0xC9A0]  }
0xa4: {  	v28 =	vmul.f32 v16, v6;
	v25 =	vadd.f32 v29, v12;
	v20 =	vld [tilespmem:s18+$0x1B0];
	v33 =	vadd.f32 v32, v22;
	[tilespmem:s16+$0x6590] =	vst v21  }
0xa5: {  	v17 =	vmul.f32 v18, v7;
	v15 =	vmul.f32 v19, v7;
	v21 =	vadd.f32 v23, v24;
	v12 =	vld [tilespmem:s18+$0xC9B0]  }
0xa6: {  	v29 =	vmul.f32 v23, v23;
	v22 =	vmul.f32 v24, v24;
	v19 =	vld [tilespmem:s18+$0x1C0];
	v18 =	vadd.f32 v33, v25  }
0xa7: {  	v32 =	vmul.f32 v25, v25;
	v16 =	vadd.f32 v38, v36;
	v36 =	vmul.f32 v33, v33;
	v30 =	vld [tilespmem:s18+$0xC9C0]  }
0xa8: {  	v13 =	vadd.f32 v31, v41;
	v31 =	vld [tilespmem:s18+$0x1D0];
	v21 =	vadd.f32 v18, v21;
	v18 =	vmul.f32 v40, v7  }
0xa9: {  	v22 =	vadd.f32 v29, v22;
	v40 =	vmul.f32 v16, v16;
	v29 =	vadd.f32 v36, v32;
	v38 =	vld [tilespmem:s18+$0xC9D0]  }
0xaa: {  	v12 =	vadd.f32 v12, v20;
	v20 =	vld [tilespmem:s18+$0x1E0];
	v32 =	vadd.f32 v13, v16;
	v36 =	vmul.f32 v13, v13  }
0xab: {  	v42 =	vadd.f32 v14, v8;
	v22 =	vadd.f32 v29, v22;
	v29 =	vperm.xlane v21, v0;
	v41 =	vld [tilespmem:s18+$0xC9E0]  }
0xac: {  	v14 =	vadd.f32 v30, v19;
	v30 =	vld [tilespmem:s18+$0x1F0];
	v36 =	vadd.f32 v36, v40;
	v40 =	vmul.f32 v12, v12  }
0xad: {  	v37 =	vadd.f32 v37, v8;
	v21 =	vadd.f32 v29, v21;
	v29 =	vperm.xlane v22, v0;
	v43 =	vld [tilespmem:s18+$0xC9F0];
	[tilespmem:s16+$0x65D0] =	vst v42  }
0xae: {  	v19 =	vadd.f32 v38, v31;
	v31 =	vld [tilespmem:s18+$0x200];
	v38 =	vadd.f32 v14, v12;
	v42 =	vmul.f32 v14, v14  }
0xaf: {  	v22 =	vadd.f32 v29, v22;
	v29 =	vperm.xlane v21, v1;
	v44 =	vld [tilespmem:s18+$0xCA00];
	[tilespmem:s16+$0x6610] =	vst v37;
	v37 =	vadd.f32 v39, v9  }
0xb0: {  	v20 =	vadd.f32 v41, v20;
	v39 =	vld [tilespmem:s18+$0x210];
	v32 =	vadd.f32 v38, v32;
	v38 =	vmul.f32 v19, v19  }
0xb1: {  	v40 =	vadd.f32 v42, v40;
	v29 =	vadd.f32 v29, v21;
	v42 =	vperm.xlane v22, v1;
	v41 =	vld [tilespmem:s18+$0xCA10];
	[tilespmem:s16+$0x65A0] =	vst v37  }
0xb2: {  	v21 =	vadd.f32 v43, v30;
	v37 =	vld [tilespmem:s18+$0x220];
	v43 =	vadd.f32 v20, v19;
	v30 =	vmul.f32 v20, v20  }
0xb3: {  	v36 =	vadd.f32 v40, v36;
	v40 =	vadd.f32 v42, v22;
	v42 =	vperm.xlane v29, v2;
	v45 =	vld [tilespmem:s18+$0xCA20]  }
0xb4: {  	v22 =	vadd.f32 v44, v31;
	v31 =	vld [tilespmem:s18+$0x230];
	v38 =	vadd.f32 v30, v38;
	v44 =	vmul.f32 v21, v21  }
0xb5: {  	v47 =	vperm.xlane v32, v0;
	v29 =	vadd.f32 v42, v29;
	v42 =	vperm.xlane v40, v2;
	v46 =	vld [tilespmem:s18+$0xCA30]  }
0xb6: {  	v30 =	vadd.f32 v41, v39;
	v39 =	vld [tilespmem:s18+$0x240];
	v41 =	vadd.f32 v22, v21;
	v48 =	vmul.f32 v22, v22  }
0xb7: {  	v47 =	vadd.f32 v47, v32;
	v40 =	vadd.f32 v42, v40;
	v42 =	vperm.xlane v29, v3;
	v49 =	vld [tilespmem:s18+$0xCA40]  }
0xb8: {  	v32 =	vadd.f32 v45, v37;
	v37 =	vadd.f32 v41, v43;
	v41 =	vmul.f32 v30, v30  }
0xb9: {  	v43 =	vadd.f32 v48, v44;
	v42 =	vadd.f32 v42, v29;
	v44 =	vperm.xlane v40, v3  }
0xba: {  	v29 =	vadd.f32 v46, v31;
	v45 =	vadd.f32 v32, v30;
	v46 =	vmul.f32 v32, v32  }
0xbb: {  	v38 =	vadd.f32 v43, v38;
	v40 =	vadd.f32 v44, v40;
	v42 =	vmul.f32 $1.562500000e-02, v42  }
0xbc: {  	v31 =	vadd.f32 v49, v39;
	v39 =	vadd.f32 v46, v41;
	v41 =	vmul.f32 v29, v29  }
0xbd: {  	v35 =	vadd.f32 v35, v9;
	v40 =	vmul.f32 $1.562500000e-02, v40;
	v43 =	vmul.f32 v42, v42  }
0xbe: {  	v48 =	vperm.xlane v37, v0;
	v44 =	vadd.f32 v31, v29;
	v46 =	vmul.f32 v31, v31  }
0xbf: {  	v49 =	vperm.xlane v36, v0;
	v50 =	vperm.xlane v38, v0;
	v40 =	vsub.f32 v40, v43;
	[tilespmem:s16+$0x65E0] =	vst v35  }
0xc0: {  	v43 =	vperm.xlane v47, v1;
	v35 =	vadd.f32 v44, v45;
	v41 =	vadd.f32 v46, v41  }
0xc1: {  	v37 =	vadd.f32 v48, v37;
	v40 =	vadd.f32 $9.999999740e-06, v40  }
0xc2: {  	v36 =	vadd.f32 v49, v36;
	v39 =	vadd.f32 v41, v39;
	v41 =	vperm.xlane v35, v0  }
0xc3: {  	v38 =	vadd.f32 v50, v38;
	v44 =	vperm.xlane v37, v1;
	v45 =	vshra.s32 v40, $0x1  }
0xc4: {  	v45 =	vsub.s32 $0x5F3759DF, v45;
	v35 =	vadd.f32 v41, v35;
	v41 =	vperm.xlane v39, v0  }
0xc5: {  	v43 =	vadd.f32 v43, v47;
	v40 =	vmul.f32 $5.000000000e-01, v40;
	v46 =	vmul.f32 v45, v45  }
0xc6: {  	v37 =	vadd.f32 v44, v37;
	v39 =	vadd.f32 v41, v39;
	v41 =	vperm.xlane v35, v1  }
0xc7: {  	v34 =	vadd.f32 v34, v9;
	v44 =	vperm.xlane v36, v1;
	v40 =	vmul.f32 v46, v40  }
0xc8: {  	v35 =	vadd.f32 v41, v35;
	v41 =	vperm.xlane v38, v1;
	v46 =	vperm.xlane v39, v1  }
0xc9: {  	v36 =	vadd.f32 v44, v36;
	v44 =	vperm.xlane v43, v2;
	v40 =	vsub.f32 $1.500000000e+00, v40;
	[tilespmem:s16+$0x6620] =	vst v34  }
0xca: {  	v34 =	vadd.f32 v41, v38;
	v38 =	vadd.f32 v46, v39;
	v39 =	vperm.xlane v37, v2  }
0xcb: {  	v41 =	vadd.f32 v44, v43;
	v43 =	vperm.xlane v35, v2;
	v40 =	vmul.f32 v45, v40  }
0xcc: {  	v37 =	vadd.f32 v39, v37;
	v39 =	vperm.xlane v36, v2;
	v44 =	vperm.xlane v34, v2  }
0xcd: {  	v35 =	vadd.f32 v43, v35;
	v42 =	vmul.f32 v40, v42;
	v33 =	vmul.f32 v40, v33  }
0xce: {  	v36 =	vadd.f32 v39, v36;
	v34 =	vadd.f32 v44, v34;
	v39 =	vperm.xlane v38, v2  }
0xcf: {  	v43 =	vperm.xlane v41, v3;
	v44 =	vperm.xlane v37, v3;
	v33 =	vsub.f32 v33, v42  }
0xd0: {  	v38 =	vadd.f32 v39, v38;
	v39 =	vperm.xlane v35, v3;
	v45 =	vperm.xlane v36, v3  }
0xd1: {  	v41 =	vadd.f32 v43, v41;
	v37 =	vadd.f32 v44, v37;
	v33 =	vmul.f32 v33, v7  }
0xd2: {  	v35 =	vadd.f32 v39, v35;
	v39 =	vperm.xlane v34, v3;
	v43 =	vperm.xlane v38, v3  }
0xd3: {  	v41 =	vmul.f32 $1.562500000e-02, v41;
	v36 =	vadd.f32 v45, v36;
	v33 =	vadd.f32 v33, v11  }
0xd4: {  	v37 =	vmul.f32 $1.562500000e-02, v37;
	v34 =	vadd.f32 v39, v34;
	v38 =	vadd.f32 v43, v38  }
0xd5: {  	v26 =	vadd.f32 v26, v10;
	v35 =	vmul.f32 $1.562500000e-02, v35;
	v36 =	vmul.f32 $1.562500000e-02, v36;
	[tilespmem:s18+$0x6680] =	vst v33  }
0xd6: {  	v27 =	vadd.f32 v27, v10;
	v33 =	vmul.f32 v41, v41;
	v34 =	vmul.f32 $1.562500000e-02, v34  }
0xd7: {  	v39 =	vmul.f32 v37, v37;
	v38 =	vmul.f32 $1.562500000e-02, v38;
	[tilespmem:s16+$0x65B0] =	vst v26;
	v26 =	vadd.f32 v28, v10  }
0xd8: {  	v24 =	vmul.f32 v40, v24;
	v28 =	vsub.f32 v36, v33;
	v33 =	vmul.f32 v35, v35;
	[tilespmem:s16+$0x65F0] =	vst v27  }
0xd9: {  	v23 =	vmul.f32 v40, v23;
	v25 =	vmul.f32 v40, v25;
	v27 =	vsub.f32 v34, v39;
	[tilespmem:s16+$0x6630] =	vst v26  }
0xda: {  	v26 =	vadd.f32 $9.999999740e-06, v28;
	v28 =	vsub.f32 v38, v33  }
0xdb: {  	v24 =	vsub.f32 v24, v42;
	v27 =	vadd.f32 $9.999999740e-06, v27  }
0xdc: {  	v28 =	vadd.f32 $9.999999740e-06, v28;
	v33 =	vshra.s32 v26, $0x1;
	v26 =	vmul.f32 $5.000000000e-01, v26  }
0xdd: {  	v33 =	vsub.s32 $0x5F3759DF, v33;
	v34 =	vshra.s32 v27, $0x1;
	v27 =	vmul.f32 $5.000000000e-01, v27  }
0xde: {  	v34 =	vsub.s32 $0x5F3759DF, v34;
	v36 =	vshra.s32 v28, $0x1;
	v38 =	vmul.f32 v33, v33  }
0xdf: {  	v28 =	vmul.f32 $5.000000000e-01, v28;
	v36 =	vsub.s32 $0x5F3759DF, v36;
	v39 =	vmul.f32 v34, v34  }
0xe0: {  	v23 =	vsub.f32 v23, v42;
	v40 =	vmul.f32 v36, v36;
	v26 =	vmul.f32 v38, v26  }
0xe1: {  	v25 =	vsub.f32 v25, v42;
	v24 =	vmul.f32 v24, v4;
	v27 =	vmul.f32 v39, v27  }
0xe2: {  	v23 =	vmul.f32 v23, v5;
	v26 =	vsub.f32 $1.500000000e+00, v26;
	v28 =	vmul.f32 v40, v28  }
0xe3: {  	v25 =	vmul.f32 v25, v6;
	v24 =	vadd.f32 v24, v8;
	v27 =	vsub.f32 $1.500000000e+00, v27  }
0xe4: {  	v23 =	vadd.f32 v23, v9;
	v38 =	vmul.f32 v33, v26;
	v26 =	vsub.f32 $1.500000000e+00, v28  }
0xe5: {  	v17 =	vadd.f32 v17, v11;
	v34 =	vmul.f32 v34, v27;
	[tilespmem:s18+$0x6650] =	vst v24;
	v24 =	vadd.f32 v25, v10  }
0xe6: {  	v25 =	vmul.f32 v36, v26;
	v27 =	vmul.f32 v38, v41;
	[tilespmem:s18+$0x6660] =	vst v23;
	v23 =	vadd.f32 v15, v11  }
0xe7: {  	s10 =	sshra.s32 s20, $0x2;
	v18 =	vadd.f32 v18, v11;
	v16 =	vmul.f32 v38, v16;
	v33 =	vmul.f32 v34, v37;
	[tilespmem:s18+$0x6670] =	vst v24  }
0xe8: {  	v19 =	vmul.f32 v34, v19;
	v28 =	vmul.f32 v25, v35;
	v15 =	vld [tilespmem:s10+$0x250];
	[tilespmem:s16+$0x65C0] =	vst v17  }
0xe9: {  	v26 =	vmul.f32 v38, v13;
	v16 =	vsub.f32 v16, v27;
	v24 =	vmul.f32 v25, v30;
	v17 =	vld [tilespmem:s10+$0xCA50];
	[tilespmem:s16+$0x6600] =	vst v23  }
0xea: {  	v32 =	vmul.f32 v25, v32;
	v30 =	vsub.f32 v19, v33;
	v19 =	vmul.f32 v34, v20;
	v13 =	vld [tilespmem:s10+$0x260];
	[tilespmem:s16+$0x6640] =	vst v18;
	s16 =	smov.u32 s18;
	s18 =	smov.u32 s10  }
.Ltmp4:
0xeb: {  	v36 =	vmul.f32 v34, v21;
	v35 =	vmul.f32 v38, v12;
	v23 =	vsub.f32 v24, v28;
	v20 =	vld [tilespmem:s18+$0xCA60];
	(pc) =	sbr.rel @p2 .LBB2_6-.Ltmp4, $4  }
0xec: {  	v26 =	vsub.f32 v26, v27;
	v37 =	vmul.f32 v25, v29;
	v18 =	vmul.f32 v38, v14;
	v12 =	vld [tilespmem:s18+$0x270]  }
0xed: {  	v25 =	vmul.f32 v25, v31;
	v24 =	vsub.f32 v19, v33;
	v19 =	vmul.f32 v34, v22;
	v29 =	vld [tilespmem:s18+$0xCA70]  }
0xee: {  	v21 =	vmul.f32 v16, v4;
	v31 =	vsub.f32 v35, v27;
	v34 =	vsub.f32 v32, v28;
	v22 =	vld [tilespmem:s18+$0x280]  }
0xef: {  	s20 =	sadd.s32 $0x400, s20;
	v16 =	vsub.f32 v37, v28;
	v14 =	vmul.f32 v30, v4;
	v30 =	vsub.f32 v36, v33;
	v32 =	vld [tilespmem:s18+$0xCA80]  }
0xf0: {  	v35 =	vld [tilespmem:s18+$0x190]  }
0xf1: {  	v36 =	vld [tilespmem:s18+$0xC990];
	v38 =	vadd.f32 v21, v8;
	v41 =	vsub.f32 v18, v27  }
0xf2: {  	v37 =	vld [tilespmem:s18+$0x1A0];
	v21 =	vsub.f32 v19, v33;
	v18 =	vadd.f32 v20, v13;
	v20 =	vmul.f32 v26, v5  }
0xf3: {  	v39 =	vld [tilespmem:s18+$0xC9A0];
	v17 =	vadd.f32 v17, v15;
	v34 =	vmul.f32 v34, v5;
	v27 =	vmul.f32 v30, v6  }
0xf4: {  	v40 =	vld [tilespmem:s18+$0x1B0];
	v60 =	vadd.f32 v14, v8;
	[tilespmem:s16+$0x6590] =	vst v38;
	v19 =	vadd.f32 v29, v12;
	v38 =	vmul.f32 v24, v5  }
0xf5: {  	v24 =	vsub.f32 v25, v28;
	v25 =	vmul.f32 v31, v6;
	v28 =	vadd.f32 v18, v17;
	v15 =	vld [tilespmem:s18+$0xC9B0]  }
0xf6: {  	v55 =	vmul.f32 v17, v17;
	v53 =	vadd.f32 v20, v9;
	v34 =	vadd.f32 v34, v9;
	v26 =	vld [tilespmem:s18+$0xC9C0]  }
0xf7: {  	v42 =	vmul.f32 v18, v18;
	v58 =	vld [tilespmem:s18+$0x1E0];
	v27 =	vadd.f32 v27, v10;
	v32 =	vadd.f32 v32, v22  }
0xf8: {  	v21 =	vmul.f32 v21, v7;
	v30 =	vld [tilespmem:s18+$0xC9E0];
	v38 =	vadd.f32 v38, v9;
	v13 =	vadd.f32 v36, v35  }
0xf9: {  	v22 =	vld [tilespmem:s18+$0x1C0];
	v57 =	vmul.f32 v19, v19;
	v12 =	vadd.f32 v39, v37;
	v29 =	vadd.f32 v32, v19  }
0xfa: {  	v31 =	vld [tilespmem:s18+$0x1D0];
	v25 =	vadd.f32 v25, v10;
	v21 =	vadd.f32 v21, v11;
	v43 =	vmul.f32 v32, v32  }
0xfb: {  	v56 =	vld [tilespmem:s18+$0xC9D0];
	v62 =	vadd.f32 v12, v13;
	v28 =	vadd.f32 v29, v28  }
0xfc: {  	v23 =	vmul.f32 v23, v4;
	v61 =	vld [tilespmem:s18+$0x1F0];
	v29 =	vadd.f32 v42, v55;
	v36 =	vadd.f32 v43, v57  }
0xfd: {  	v44 =	vld [tilespmem:s18+$0xC9F0];
	[tilespmem:s16+$0x65D0] =	vst v60;
	v59 =	vmul.f32 v13, v13;
	v15 =	vadd.f32 v15, v40;
	v20 =	vadd.f32 v30, v58  }
0xfe: {  	v51 =	vld [tilespmem:s18+$0xCA00];
	v63 =	vmul.f32 v12, v12;
	v14 =	vadd.f32 v26, v22;
	v22 =	vadd.f32 v23, v8  }
0xff: {  	v26 =	vmul.f32 v16, v6;
	v23 =	vld [tilespmem:s18+$0x200];
	v29 =	vadd.f32 v36, v29;
	v48 =	vperm.xlane v28, v0  }
0x100: {  	v33 =	vadd.f32 v63, v59;
	v16 =	vadd.f32 v56, v31;
	v49 =	vmul.f32 v15, v15;
	[tilespmem:s16+$0x6610] =	vst v22  }
0x101: {  	v52 =	vmul.f32 v14, v14;
	v28 =	vadd.f32 v48, v28;
	v50 =	vperm.xlane v29, v0;
	v45 =	vld [tilespmem:s18+$0x210]  }
0x102: {  	v57 =	vmul.f32 v20, v20;
	v31 =	vadd.f32 v14, v15;
	v56 =	vadd.f32 v20, v16;
	v54 =	vld [tilespmem:s18+$0xCA10];
	[tilespmem:s16+$0x65A0] =	vst v53  }
0x103: {  	v35 =	vadd.f32 v52, v49;
	v36 =	vld [tilespmem:s18+$0x220];
	v29 =	vadd.f32 v50, v29;
	v22 =	vperm.xlane v28, v1  }
0x104: {  	v30 =	vadd.f32 v31, v62;
	v31 =	vmul.f32 v16, v16;
	v58 =	vld [tilespmem:s18+$0xCA20];
	v23 =	vadd.f32 v51, v23  }
0x105: {  	v35 =	vadd.f32 v35, v33;
	v28 =	vadd.f32 v22, v28;
	v55 =	vperm.xlane v29, v1  }
0x106: {  	v60 =	vld [tilespmem:s18+$0x230];
	v42 =	vadd.f32 v57, v31;
	v46 =	vperm.xlane v30, v0;
	v22 =	vadd.f32 v44, v61  }
0x107: {  	v33 =	vmul.f32 v41, v7;
	v61 =	vld [tilespmem:s18+$0xCA30];
	v59 =	vadd.f32 v55, v29;
	v29 =	vperm.xlane v28, v2  }
0x108: {  	v48 =	vmul.f32 v23, v23;
	v46 =	vadd.f32 v46, v30;
	v63 =	vadd.f32 v23, v22  }
0x109: {  	v31 =	vmul.f32 v22, v22;
	v30 =	vadd.f32 v58, v36;
	v28 =	vadd.f32 v29, v28  }
0x10a: {  	v47 =	vperm.xlane v59, v2;
	v29 =	vadd.f32 v54, v45;
	v36 =	vadd.f32 v63, v56  }
0x10b: {  	v62 =	vld [tilespmem:s18+$0x240];
	v48 =	vadd.f32 v48, v31;
	v54 =	vmul.f32 v30, v30;
	v63 =	vperm.xlane v46, v1  }
0x10c: {  	v49 =	vld [tilespmem:s18+$0xCA40];
	v31 =	vadd.f32 v61, v60;
	v61 =	vperm.xlane v35, v0;
	v47 =	vadd.f32 v47, v59  }
0x10d: {  	v50 =	vperm.xlane v28, v3;
	v53 =	vadd.f32 v30, v29;
	v40 =	vadd.f32 v48, v42  }
0x10e: {  	v60 =	vperm.xlane v36, v0;
	v44 =	vadd.f32 v63, v46;
	v51 =	vperm.xlane v47, v3  }
0x10f: {  	v52 =	vmul.f32 v29, v29;
	v35 =	vadd.f32 v61, v35;
	v28 =	vadd.f32 v50, v28  }
0x110: {  	v55 =	vmul.f32 v31, v31;
	v36 =	vadd.f32 v60, v36;
	v41 =	vadd.f32 v51, v47  }
0x111: {  	v45 =	vmul.f32 $1.562500000e-02, v28;
	v28 =	vadd.f32 v49, v62;
	v62 =	vperm.xlane v40, v0  }
0x112: {  	v56 =	vadd.f32 v54, v52;
	v50 =	vperm.xlane v36, v1;
	v41 =	vmul.f32 $1.562500000e-02, v41  }
0x113: {  	v57 =	vmul.f32 v45, v45;
	v58 =	vadd.f32 v28, v31;
	v59 =	vmul.f32 v28, v28  }
0x114: {  	v40 =	vadd.f32 v62, v40;
	v36 =	vadd.f32 v50, v36  }
0x115: {  	v24 =	vmul.f32 v24, v7;
	v41 =	vsub.f32 v41, v57;
	v37 =	vadd.f32 v59, v55  }
0x116: {  	v39 =	vadd.f32 v58, v53;
	v55 =	vperm.xlane v35, v1;
	v58 =	vperm.xlane v44, v2  }
0x117: {  	v59 =	vperm.xlane v36, v2;
	v41 =	vadd.f32 $9.999999740e-06, v41;
	v37 =	vadd.f32 v37, v56  }
0x118: {  	v48 =	vperm.xlane v39, v0;
	v56 =	vperm.xlane v40, v1;
	v35 =	vadd.f32 v55, v35  }
0x119: {  	v43 =	vadd.f32 v58, v44;
	v36 =	vadd.f32 v59, v36;
	v51 =	vshra.s32 v41, $0x1  }
0x11a: {  	v39 =	vadd.f32 v48, v39;
	v52 =	vperm.xlane v37, v0;
	v41 =	vmul.f32 $5.000000000e-01, v41  }
0x11b: {  	v61 =	vperm.xlane v35, v2;
	v48 =	vperm.xlane v43, v3;
	v47 =	vsub.s32 $0x5F3759DF, v51  }
0x11c: {  	v40 =	vadd.f32 v56, v40;
	v49 =	vperm.xlane v36, v3;
	v53 =	vmul.f32 v47, v47  }
0x11d: {  	v37 =	vadd.f32 v52, v37;
	v54 =	vperm.xlane v39, v1;
	v35 =	vadd.f32 v61, v35  }
0x11e: {  	v62 =	vperm.xlane v40, v2;
	v43 =	vadd.f32 v48, v43;
	v36 =	vadd.f32 v49, v36  }
0x11f: {  	v41 =	vmul.f32 v53, v41;
	v39 =	vadd.f32 v54, v39;
	v57 =	vperm.xlane v37, v1  }
0x120: {  	v40 =	vadd.f32 v62, v40;
	v51 =	vperm.xlane v35, v3;
	v43 =	vmul.f32 $1.562500000e-02, v43  }
0x121: {  	v36 =	vmul.f32 $1.562500000e-02, v36;
	v37 =	vadd.f32 v57, v37;
	v60 =	vperm.xlane v39, v2  }
0x122: {  	v41 =	vsub.f32 $1.500000000e+00, v41;
	v52 =	vperm.xlane v40, v3;
	v35 =	vadd.f32 v51, v35  }
0x123: {  	v54 =	vmul.f32 v43, v43;
	v39 =	vadd.f32 v60, v39;
	v63 =	vperm.xlane v37, v2  }
0x124: {  	v55 =	vmul.f32 v36, v36;
	v41 =	vmul.f32 v47, v41;
	v40 =	vadd.f32 v52, v40  }
0x125: {  	v35 =	vmul.f32 $1.562500000e-02, v35;
	v37 =	vadd.f32 v63, v37;
	v50 =	vperm.xlane v39, v3  }
0x126: {  	v24 =	vadd.f32 v24, v11;
	v44 =	vmul.f32 v41, v45;
	v32 =	vmul.f32 v41, v32  }
0x127: {  	v40 =	vmul.f32 $1.562500000e-02, v40;
	v39 =	vadd.f32 v50, v39;
	v53 =	vperm.xlane v37, v3  }
0x128: {  	v35 =	vsub.f32 v35, v54;
	v17 =	vmul.f32 v41, v17;
	v18 =	vmul.f32 v41, v18  }
0x129: {  	v32 =	vsub.f32 v32, v44;
	v39 =	vmul.f32 $1.562500000e-02, v39;
	v37 =	vadd.f32 v53, v37  }
0x12a: {  	v19 =	vmul.f32 v41, v19;
	v40 =	vsub.f32 v40, v55;
	v35 =	vadd.f32 $9.999999740e-06, v35  }
0x12b: {  	v17 =	vsub.f32 v17, v44;
	v37 =	vmul.f32 $1.562500000e-02, v37;
	v56 =	vmul.f32 v39, v39  }
0x12c: {  	v18 =	vsub.f32 v18, v44;
	v40 =	vadd.f32 $9.999999740e-06, v40;
	v57 =	vshra.s32 v35, $0x1  }
0x12d: {  	v32 =	vmul.f32 v32, v7;
	v41 =	vsub.s32 $0x5F3759DF, v57;
	v37 =	vsub.f32 v37, v56  }
0x12e: {  	v35 =	vmul.f32 $5.000000000e-01, v35;
	v58 =	vshra.s32 v40, $0x1;
	v60 =	vmul.f32 v41, v41  }
0x12f: {  	v40 =	vmul.f32 $5.000000000e-01, v40;
	v42 =	vsub.s32 $0x5F3759DF, v58;
	v37 =	vadd.f32 $9.999999740e-06, v37  }
0x130: {  	v19 =	vsub.f32 v19, v44;
	v61 =	vmul.f32 v42, v42;
	v35 =	vmul.f32 v60, v35  }
0x131: {  	v17 =	vmul.f32 v17, v4;
	v18 =	vmul.f32 v18, v5;
	v59 =	vshra.s32 v37, $0x1  }
0x132: {  	v40 =	vmul.f32 v61, v40;
	v35 =	vsub.f32 $1.500000000e+00, v35;
	v45 =	vsub.s32 $0x5F3759DF, v59  }
0x133: {  	v26 =	vadd.f32 v26, v10;
	v37 =	vmul.f32 $5.000000000e-01, v37;
	v62 =	vmul.f32 v45, v45  }
0x134: {  	v19 =	vmul.f32 v19, v6;
	v40 =	vsub.f32 $1.500000000e+00, v40;
	v35 =	vmul.f32 v41, v35  }
0x135: {  	[tilespmem:s16+$0x65E0] =	vst v38;
	v32 =	vadd.f32 v32, v11;
	v17 =	vadd.f32 v17, v8;
	v37 =	vmul.f32 v62, v37  }
0x136: {  	[tilespmem:s16+$0x6620] =	vst v34;
	v18 =	vadd.f32 v18, v9;
	v63 =	vmul.f32 v42, v40;
	v42 =	vmul.f32 v35, v43  }
0x137: {  	[tilespmem:s18+$0x6680] =	vst v32;
	v13 =	vmul.f32 v35, v13;
	v12 =	vmul.f32 v35, v12;
	v37 =	vsub.f32 $1.500000000e+00, v37  }
0x138: {  	v19 =	vadd.f32 v19, v10;
	[tilespmem:s16+$0x65B0] =	vst v25;
	v15 =	vmul.f32 v35, v15;
	v14 =	vmul.f32 v35, v14  }
0x139: {  	[tilespmem:s16+$0x65F0] =	vst v27;
	v41 =	vadd.f32 v33, v11;
	v36 =	vmul.f32 v63, v36;
	v40 =	vmul.f32 v45, v37  }
0x13a: {  	[tilespmem:s16+$0x6630] =	vst v26;
	v16 =	vmul.f32 v63, v16;
	v13 =	vsub.f32 v13, v42;
	v20 =	vmul.f32 v63, v20  }
0x13b: {  	[tilespmem:s18+$0x6650] =	vst v17;
	v12 =	vsub.f32 v12, v42;
	v25 =	vmul.f32 v40, v39;
	v27 =	vmul.f32 v40, v29  }
0x13c: {  	[tilespmem:s18+$0x6660] =	vst v18;
	v22 =	vmul.f32 v63, v22;
	v15 =	vsub.f32 v15, v42;
	v16 =	vsub.f32 v16, v36  }
0x13d: {  	[tilespmem:s18+$0x6670] =	vst v19;
	v14 =	vsub.f32 v14, v42;
	v13 =	vmul.f32 v13, v4;
	v18 =	vsub.f32 v27, v25  }
0x13e: {  	[tilespmem:s16+$0x6600] =	vst v21;
	v19 =	vsub.f32 v20, v36;
	v16 =	vmul.f32 v16, v4;
	v17 =	vmul.f32 v40, v30  }
0x13f: {  	[tilespmem:s16+$0x6640] =	vst v24;
	v20 =	vmul.f32 v63, v23;
	v13 =	vadd.f32 v13, v8;
	v18 =	vmul.f32 v18, v4  }
0x140: {  	[tilespmem:s16+$0x65C0] =	vst v41;
	v12 =	vmul.f32 v12, v5;
	v16 =	vadd.f32 v16, v8;
	v17 =	vsub.f32 v17, v25  }
0x141: {  	v19 =	vmul.f32 v19, v5;
	v26 =	vmul.f32 v40, v31;
	[tilespmem:s18+$0x6590] =	vst v13;
	v13 =	vadd.f32 v18, v8  }
0x142: {  	v12 =	vadd.f32 v12, v9;
	[tilespmem:s18+$0x65D0] =	vst v16;
	v17 =	vmul.f32 v17, v5;
	v18 =	vsub.f32 v22, v36  }
0x143: {  	v15 =	vmul.f32 v15, v6;
	v16 =	vsub.f32 v26, v25;
	[tilespmem:s18+$0x6610] =	vst v13;
	v13 =	vadd.f32 v19, v9  }
0x144: {  	v21 =	vmul.f32 v40, v28;
	[tilespmem:s18+$0x65A0] =	vst v12;
	v12 =	vadd.f32 v17, v9;
	v18 =	vmul.f32 v18, v6  }
0x145: {  	v16 =	vmul.f32 v16, v6;
	v17 =	vsub.f32 v20, v36;
	[tilespmem:s18+$0x65E0] =	vst v13;
	v13 =	vadd.f32 v15, v10  }
0x146: {  	v14 =	vmul.f32 v14, v7;
	[tilespmem:s18+$0x6620] =	vst v12;
	v15 =	vsub.f32 v21, v25;
	v12 =	vadd.f32 v18, v10  }
0x147: {  	v17 =	vmul.f32 v17, v7;
	[tilespmem:s18+$0x65B0] =	vst v13;
	v13 =	vadd.f32 v16, v10  }
0x148: {  	v15 =	vmul.f32 v15, v7;
	[tilespmem:s18+$0x65F0] =	vst v12;
	v12 =	vadd.f32 v14, v11  }
0x149: {  	[tilespmem:s18+$0x6630] =	vst v13;
	v13 =	vadd.f32 v17, v11  }
0x14a: {  	s10 =	smul.u32 $0xC80, s13;
	v14 =	vadd.f32 v15, v11;
	[tilespmem:s18+$0x65C0] =	vst v12  }
0x14b: {  	[tilespmem:s18+$0x6600] =	vst v13  }
0x14c: {  	s10 =	sadd.s32 s4, s10;
	[tilespmem:s18+$0x6640] =	vst v14  }
0x14d: {  	[hbm4b:s10+s26] =	stream.strided.scatter [tilespmem:s29], [sflag:$0x3], $0x3200, s28, s26, $0x38;
	[tilespmem:$0xFC10] =	vst v63  }
0x14e: {  	s10 =	simm.s32 @p0 $0x2  }
0x14f: {  	_ =	swait.ge @p0 [sflag:s10], $0x1A00  }
0x150: {  	[sflag:s10] =	ssyncset.done @p0 $0x0  }
0x151: {  	[sflag:s10] =	ssyncadd.s32 @p0 $0xFFFFE600  }
0x152: {  	_ =	swait.ge @p0 [sflag:s10], $0x1800  }
0x153: {  	[sflag:s10] =	ssyncset.done @p0 $0x0  }
0x154: {  	[sflag:s10] =	ssyncadd.s32 @p0 $0xFFFFE800;
	s10 =	simm.s32 @!p0 $0x5  }
0x155: {  	_ =	swait.ge @!p0 [sflag:s10], $0xC8  }
0x156: {  	s16 =	simm.s32 @!p0 $0x0;
	[sflag:s10] =	ssyncset.done @!p0 $0x0  }
0x157: {  	s18 =	simm.s32 @!p0 $0x190;
	[sflag:s10] =	ssyncadd.s32 @!p0 $0xFFFFFF38;
	s10 =	simm.s32 @!p0 $0x68  }
0x158: {  	[tilespmem:s18], [sflag:$0x1] =	stream.indirect.gather @!p0 [hbm4b:s8+s10], $0x40, s16, s10, $0xb8;
	[tilespmem:$0xFC10] =	vst v63  }
0x159: {  	s20 =	simm.s32 @!p0 $0x1B90;
	s18 =	simm.s32 @!p0 $0x60  }
0x15a: {  	[tilespmem:s20], [sflag:$0x1] =	stream.indirect.gather @!p0 [hbm4b:s8+s18], $0x40, s10, s18, $0xb8;
	[tilespmem:$0xFC10] =	vst v63  }
0x15b: {  	s10 =	simm.s32 @!p0 $0x2  }
0x15c: {  	_ =	swait.ge @!p0 [sflag:s10], $0x1A00  }
0x15d: {  	[sflag:s10] =	ssyncset.done @!p0 $0x0  }
0x15e: {  	[sflag:s10] =	ssyncadd.s32 @!p0 $0xFFFFE600  }
0x15f: {  	s15 =	sadd.s32 @!p0 $0x258, s15;
	_ =	swait.ge @!p0 [sflag:s10], $0x1800  }
0x160: {  	s15 =	sshrl.u32 @!p0 s15, $0x3;
	[sflag:s10] =	ssyncset.done @!p0 $0x0  }
0x161: {  	[sflag:s10] =	ssyncadd.s32 @!p0 $0xFFFFE800;
	s10 =	sadd.s32 @!p0 s7, s15;
	s15 =	simm.s32 @!p0 $0xC8  }
0x162: {  	[tilespmem:s15], [sflag:$0x6] =	stream.linear.gather @!p0 [hbm4b:s10+s16], $0xC8, $0x38;
	[tilespmem:$0xFC10] =	vst v63  }
0x163: {  	s10 =	simm.s32 @!p1 $0x4  }
0x164: {  	_ =	swait.ge @!p1 [sflag:s10], $0x3200  }
0x165: {  	[sflag:s10] =	ssyncset.done @!p1 $0x0  }
0x166: {  	s15 =	simm.s32 $0x0;
	[sflag:s10] =	ssyncadd.s32 @!p1 $0xFFFFCE00  }
0x167: {  	v12 =	vld [tilespmem:s15+$0x3450]  }
0x168: {  	v13 =	vld [tilespmem:s15+$0xCA50]  }
0x169: {  	v14 =	vld [tilespmem:s15+$0x3460]  }
0x16a: {  	v15 =	vld [tilespmem:s15+$0xCA60]  }
0x16b: {  	v16 =	vld [tilespmem:s15+$0x3470]  }
0x16c: {  	v17 =	vld [tilespmem:s15+$0xCA70]  }
0x16d: {  	v18 =	vld [tilespmem:s15+$0x3480]  }
0x16e: {  	v19 =	vld [tilespmem:s15+$0xCA80]  }
0x16f: {  	v23 =	vld [tilespmem:s15+$0x3390]  }
0x170: {  	v24 =	vld [tilespmem:s15+$0xC990]  }
0x171: {  	v25 =	vld [tilespmem:s15+$0x33A0]  }
0x172: {  	v26 =	vld [tilespmem:s15+$0xC9A0];
	v22 =	vadd.f32 v13, v12;
	v21 =	vadd.f32 v15, v14  }
0x173: {  	v12 =	vld [tilespmem:s15+$0x33B0];
	v20 =	vadd.f32 v17, v16;
	v27 =	vadd.f32 v19, v18  }
0x174: {  	v14 =	vld [tilespmem:s15+$0xC9B0];
	v13 =	vadd.f32 v21, v22  }
0x175: {  	v16 =	vld [tilespmem:s15+$0x33C0];
	v15 =	vadd.f32 v27, v20;
	v17 =	vmul.f32 v22, v22;
	v18 =	vmul.f32 v21, v21  }
0x176: {  	v19 =	vld [tilespmem:s15+$0xC9C0];
	v28 =	vmul.f32 v20, v20;
	v29 =	vmul.f32 v27, v27  }
0x177: {  	v30 =	vld [tilespmem:s15+$0x33D0];
	v31 =	vadd.f32 v15, v13;
	v17 =	vadd.f32 v18, v17  }
0x178: {  	v18 =	vadd.f32 v29, v28;
	v15 =	vadd.f32 v24, v23;
	v23 =	vld [tilespmem:s15+$0x33E0]  }
0x179: {  	v13 =	vadd.f32 v26, v25;
	v24 =	vld [tilespmem:s15+$0xC9E0]  }
0x17a: {  	v43 =	vld [tilespmem:s15+$0xC9D0];
	v12 =	vadd.f32 v14, v12;
	v17 =	vadd.f32 v18, v17;
	v18 =	vperm.xlane v31, v0  }
0x17b: {  	v44 =	vld [tilespmem:s15+$0xC9F0];
	v14 =	vadd.f32 v19, v16;
	v25 =	vmul.f32 v15, v15;
	v26 =	vmul.f32 v13, v13  }
0x17c: {  	v28 =	vld [tilespmem:s15+$0x33F0];
	v29 =	vadd.f32 v13, v15;
	v18 =	vadd.f32 v18, v31;
	v31 =	vperm.xlane v17, v0  }
0x17d: {  	v45 =	vld [tilespmem:s15+$0xCA00];
	v47 =	vmul.f32 v14, v14;
	v19 =	vadd.f32 v26, v25;
	v26 =	vmul.f32 v12, v12  }
0x17e: {  	v25 =	vld [tilespmem:s15+$0x3400];
	v16 =	vadd.f32 v24, v23;
	v31 =	vadd.f32 v31, v17;
	v46 =	vperm.xlane v18, v1  }
0x17f: {  	v48 =	vld [tilespmem:s15+$0x3410];
	v17 =	vadd.f32 v43, v30;
	v30 =	vadd.f32 v14, v12  }
0x180: {  	v23 =	vld [tilespmem:s15+$0xCA10];
	v26 =	vadd.f32 v47, v26;
	v53 =	vmul.f32 v16, v16;
	v24 =	vadd.f32 v46, v18  }
0x181: {  	v49 =	vperm.xlane v31, v1;
	v29 =	vadd.f32 v30, v29;
	v18 =	vadd.f32 v44, v28  }
0x182: {  	v50 =	vld [tilespmem:s15+$0x3420];
	v30 =	vmul.f32 v17, v17;
	v52 =	vadd.f32 v16, v17;
	v38 =	vadd.f32 v26, v19  }
0x183: {  	v54 =	vld [tilespmem:s15+$0x3430];
	v19 =	vadd.f32 v45, v25;
	v31 =	vadd.f32 v49, v31;
	v51 =	vperm.xlane v24, v2  }
0x184: {  	v28 =	vld [tilespmem:s15+$0xCA20];
	v30 =	vadd.f32 v53, v30;
	v55 =	vmul.f32 v18, v18;
	v56 =	vperm.xlane v29, v0  }
0x185: {  	v57 =	vld [tilespmem:s15+$0x3440];
	v23 =	vadd.f32 v23, v48;
	v60 =	vadd.f32 v19, v18;
	v61 =	vmul.f32 v19, v19  }
0x186: {  	v25 =	vld [tilespmem:s15+$0xCA30];
	v24 =	vadd.f32 v51, v24;
	v26 =	vperm.xlane v31, v2;
	v29 =	vadd.f32 v56, v29  }
0x187: {  	v58 =	vld [tilespmem:s15+$0xCA40];
	v44 =	vmul.f32 v23, v23;
	v51 =	vperm.xlane v38, v0;
	v63 =	vadd.f32 v60, v52  }
0x188: {  	v33 =	vadd.f32 v61, v55;
	v31 =	vadd.f32 v26, v31;
	v59 =	vperm.xlane v24, v3  }
0x189: {  	v26 =	vadd.f32 v28, v50;
	v53 =	vperm.xlane v29, v1;
	v55 =	vadd.f32 v51, v38  }
0x18a: {  	v30 =	vadd.f32 v33, v30;
	v50 =	vperm.xlane v63, v0;
	v28 =	vadd.f32 v59, v24  }
0x18b: {  	v62 =	vperm.xlane v31, v3;
	v24 =	vadd.f32 v25, v54;
	v45 =	vadd.f32 v26, v23  }
0x18c: {  	v46 =	vmul.f32 v26, v26;
	v25 =	vadd.f32 v58, v57;
	v29 =	vadd.f32 v53, v29  }
0x18d: {  	v61 =	vperm.xlane v55, v1;
	v52 =	vperm.xlane v30, v0;
	v33 =	vadd.f32 v50, v63  }
0x18e: {  	v31 =	vadd.f32 v62, v31;
	v28 =	vmul.f32 $1.562500000e-02, v28;
	v48 =	vmul.f32 v24, v24  }
0x18f: {  	v37 =	vadd.f32 v25, v24;
	v49 =	vmul.f32 v25, v25;
	v35 =	vadd.f32 v46, v44  }
0x190: {  	v34 =	vadd.f32 v61, v55;
	v42 =	vperm.xlane v29, v2;
	v30 =	vadd.f32 v52, v30  }
0x191: {  	v59 =	vperm.xlane v33, v1;
	v31 =	vmul.f32 $1.562500000e-02, v31;
	v32 =	vadd.f32 v37, v45  }
0x192: {  	v47 =	vmul.f32 v28, v28;
	v36 =	vadd.f32 v49, v48;
	v29 =	vadd.f32 v42, v29  }
0x193: {  	v45 =	vperm.xlane v34, v2;
	v33 =	vadd.f32 v59, v33;
	v62 =	vperm.xlane v30, v1  }
0x194: {  	v31 =	vsub.f32 v31, v47;
	v35 =	vadd.f32 v36, v35;
	v54 =	vperm.xlane v32, v0  }
0x195: {  	v34 =	vadd.f32 v45, v34;
	v48 =	vperm.xlane v29, v3;
	v30 =	vadd.f32 v62, v30  }
0x196: {  	v43 =	vperm.xlane v33, v2;
	v31 =	vadd.f32 $9.999999740e-06, v31;
	v32 =	vadd.f32 v54, v32  }
0x197: {  	v57 =	vperm.xlane v35, v0;
	v50 =	vperm.xlane v34, v3;
	v29 =	vadd.f32 v48, v29  }
0x198: {  	v33 =	vadd.f32 v43, v33;
	v46 =	vperm.xlane v30, v2;
	v56 =	vshra.s32 v31, $0x1  }
0x199: {  	v31 =	vmul.f32 $5.000000000e-01, v31;
	v60 =	vperm.xlane v32, v1;
	v35 =	vadd.f32 v57, v35  }
0x19a: {  	v34 =	vadd.f32 v50, v34;
	v29 =	vmul.f32 $1.562500000e-02, v29;
	v37 =	vsub.s32 $0x5F3759DF, v56  }
0x19b: {  	v30 =	vadd.f32 v46, v30;
	v38 =	vperm.xlane v33, v3;
	v58 =	vmul.f32 v37, v37  }
0x19c: {  	v32 =	vadd.f32 v60, v32;
	v63 =	vperm.xlane v35, v1;
	v34 =	vmul.f32 $1.562500000e-02, v34  }
0x19d: {  	v53 =	vmul.f32 v29, v29;
	v33 =	vadd.f32 v38, v33;
	v51 =	vperm.xlane v30, v3  }
0x19e: {  	v31 =	vmul.f32 v58, v31;
	v35 =	vadd.f32 v63, v35;
	v44 =	vperm.xlane v32, v2  }
0x19f: {  	v34 =	vsub.f32 v34, v53;
	v30 =	vadd.f32 v51, v30;
	v33 =	vmul.f32 $1.562500000e-02, v33  }
0x1a0: {  	v31 =	vsub.f32 $1.500000000e+00, v31;
	v32 =	vadd.f32 v44, v32;
	v47 =	vperm.xlane v35, v2  }
0x1a1: {  	v34 =	vadd.f32 $9.999999740e-06, v34;
	v30 =	vmul.f32 $1.562500000e-02, v30;
	v54 =	vmul.f32 v33, v33  }
0x1a2: {  	v31 =	vmul.f32 v37, v31;
	v35 =	vadd.f32 v47, v35;
	v49 =	vperm.xlane v32, v3  }
0x1a3: {  	v56 =	vshra.s32 v34, $0x1;
	v30 =	vsub.f32 v30, v54  }
0x1a4: {  	v28 =	vmul.f32 v31, v28;
	v32 =	vadd.f32 v49, v32;
	v52 =	vperm.xlane v35, v3  }
0x1a5: {  	v27 =	vmul.f32 v31, v27;
	v22 =	vmul.f32 v31, v22;
	v30 =	vadd.f32 $9.999999740e-06, v30  }
0x1a6: {  	v21 =	vmul.f32 v31, v21;
	v32 =	vmul.f32 $1.562500000e-02, v32;
	v35 =	vadd.f32 v52, v35  }
0x1a7: {  	v20 =	vmul.f32 v31, v20;
	v27 =	vsub.f32 v27, v28;
	v57 =	vshra.s32 v30, $0x1  }
0x1a8: {  	v35 =	vmul.f32 $1.562500000e-02, v35;
	v55 =	vmul.f32 v32, v32;
	v36 =	vsub.s32 $0x5F3759DF, v57  }
0x1a9: {  	v22 =	vsub.f32 v22, v28;
	v30 =	vmul.f32 $5.000000000e-01, v30;
	v60 =	vmul.f32 v36, v36  }
0x1aa: {  	v34 =	vmul.f32 $5.000000000e-01, v34;
	v21 =	vsub.f32 v21, v28;
	v35 =	vsub.f32 v35, v55  }
0x1ab: {  	v20 =	vsub.f32 v20, v28;
	v27 =	vmul.f32 v27, v7;
	v30 =	vmul.f32 v60, v30  }
0x1ac: {  	v22 =	vmul.f32 v22, v4;
	v31 =	vadd.f32 $9.999999740e-06, v35;
	v35 =	vsub.s32 $0x5F3759DF, v56  }
0x1ad: {  	v21 =	vmul.f32 v21, v5;
	v59 =	vmul.f32 v35, v35;
	v30 =	vsub.f32 $1.500000000e+00, v30  }
0x1ae: {  	v20 =	vmul.f32 v20, v6;
	v27 =	vadd.f32 v27, v11;
	v58 =	vshra.s32 v31, $0x1  }
0x1af: {  	v37 =	vsub.s32 $0x5F3759DF, v58;
	v34 =	vmul.f32 v59, v34;
	v30 =	vmul.f32 v36, v30  }
0x1b0: {  	v20 =	vadd.f32 v20, v10;
	v31 =	vmul.f32 $5.000000000e-01, v31;
	v61 =	vmul.f32 v37, v37  }
0x1b1: {  	v22 =	vadd.f32 v22, v8;
	[tilespmem:s15+$0x9880] =	vst v27;
	v28 =	vsub.f32 $1.500000000e+00, v34;
	v33 =	vmul.f32 v30, v33  }
0x1b2: {  	v21 =	vadd.f32 v21, v9;
	[tilespmem:s15+$0x9870] =	vst v20;
	v20 =	vmul.f32 v30, v17;
	v31 =	vmul.f32 v61, v31  }
0x1b3: {  	[tilespmem:s15+$0x9850] =	vst v22;
	v16 =	vmul.f32 v30, v16;
	v34 =	vmul.f32 v35, v28  }
0x1b4: {  	s16 =	simm.s32 $0x100;
	[tilespmem:s15+$0x9860] =	vst v21;
	v36 =	vmul.f32 v30, v18;
	v19 =	vmul.f32 v30, v19;
	v27 =	vsub.f32 $1.500000000e+00, v31  }
0x1b5: {  	v17 =	vld [tilespmem:s16+$0xCA50];
	v62 =	vsub.f32 v20, v33;
	v21 =	vmul.f32 v34, v15;
	v63 =	vmul.f32 v34, v12  }
0x1b6: {  	v20 =	vld [tilespmem:s16+$0xCA60];
	v18 =	vmul.f32 v34, v14;
	v22 =	vmul.f32 v37, v27  }
0x1b7: {  	v15 =	vld [tilespmem:s16+$0x3450];
	v14 =	vmul.f32 v62, v4;
	v27 =	vmul.f32 v34, v29  }
0x1b8: {  	v30 =	vsub.f32 v36, v33;
	v12 =	vld [tilespmem:s16+$0x3470];
	v29 =	vmul.f32 v34, v13;
	v28 =	vmul.f32 v22, v32  }
0x1b9: {  	v13 =	vld [tilespmem:s16+$0x3460];
	v21 =	vsub.f32 v21, v27;
	v23 =	vmul.f32 v22, v23;
	v31 =	vmul.f32 v22, v26  }
0x1ba: {  	v26 =	vsub.f32 v29, v27;
	v37 =	vmul.f32 v22, v24;
	v29 =	vld [tilespmem:s16+$0xCA70];
	v24 =	vsub.f32 v16, v33  }
0x1bb: {  	v25 =	vmul.f32 v22, v25;
	v22 =	vld [tilespmem:s16+$0x3480];
	v23 =	vsub.f32 v23, v28;
	v34 =	vsub.f32 v31, v28  }
0x1bc: {  	s18 =	simm.s32 $0x800;
	v32 =	vld [tilespmem:s16+$0xCA80];
	v21 =	vmul.f32 v21, v4;
	v31 =	vsub.f32 v63, v27;
	v16 =	vsub.f32 v37, v28  }
.LBB2_8:
0x1bd: {  	p1 =	sne.s32 s18, $0xC400;
	v36 =	vld [tilespmem:s16+$0x3390];
	v37 =	vmul.f32 v23, v4;
	v18 =	vsub.f32 v18, v27;
	v19 =	vsub.f32 v19, v33  }
0x1be: {  	v39 =	vmul.f32 v26, v5;
	v35 =	vmul.f32 v24, v5;
	v40 =	vsub.f32 v25, v28;
	v38 =	vld [tilespmem:s16+$0xC990]  }
0x1bf: {  	v21 =	vadd.f32 v21, v8;
	v34 =	vmul.f32 v34, v5;
	v26 =	vmul.f32 v31, v6;
	v41 =	vld [tilespmem:s16+$0x33A0]  }
0x1c0: {  	v24 =	vadd.f32 v17, v15;
	v23 =	vadd.f32 v20, v13;
	v27 =	vmul.f32 v30, v6;
	v31 =	vld [tilespmem:s16+$0xC9A0]  }
0x1c1: {  	v28 =	vmul.f32 v16, v6;
	v25 =	vadd.f32 v29, v12;
	v20 =	vld [tilespmem:s16+$0x33B0];
	v33 =	vadd.f32 v32, v22;
	[tilespmem:s15+$0x9790] =	vst v21  }
0x1c2: {  	v17 =	vmul.f32 v18, v7;
	v15 =	vmul.f32 v19, v7;
	v21 =	vadd.f32 v23, v24;
	v12 =	vld [tilespmem:s16+$0xC9B0]  }
0x1c3: {  	v29 =	vmul.f32 v23, v23;
	v22 =	vmul.f32 v24, v24;
	v19 =	vld [tilespmem:s16+$0x33C0];
	v18 =	vadd.f32 v33, v25  }
0x1c4: {  	v32 =	vmul.f32 v25, v25;
	v16 =	vadd.f32 v38, v36;
	v36 =	vmul.f32 v33, v33;
	v30 =	vld [tilespmem:s16+$0xC9C0]  }
0x1c5: {  	v13 =	vadd.f32 v31, v41;
	v31 =	vld [tilespmem:s16+$0x33D0];
	v21 =	vadd.f32 v18, v21;
	v18 =	vmul.f32 v40, v7  }
0x1c6: {  	v22 =	vadd.f32 v29, v22;
	v40 =	vmul.f32 v16, v16;
	v29 =	vadd.f32 v36, v32;
	v38 =	vld [tilespmem:s16+$0xC9D0]  }
0x1c7: {  	v12 =	vadd.f32 v12, v20;
	v20 =	vld [tilespmem:s16+$0x33E0];
	v32 =	vadd.f32 v13, v16;
	v36 =	vmul.f32 v13, v13  }
0x1c8: {  	v42 =	vadd.f32 v14, v8;
	v22 =	vadd.f32 v29, v22;
	v29 =	vperm.xlane v21, v0;
	v41 =	vld [tilespmem:s16+$0xC9E0]  }
0x1c9: {  	v14 =	vadd.f32 v30, v19;
	v30 =	vld [tilespmem:s16+$0x33F0];
	v36 =	vadd.f32 v36, v40;
	v40 =	vmul.f32 v12, v12  }
0x1ca: {  	v37 =	vadd.f32 v37, v8;
	v21 =	vadd.f32 v29, v21;
	v29 =	vperm.xlane v22, v0;
	v43 =	vld [tilespmem:s16+$0xC9F0];
	[tilespmem:s15+$0x97D0] =	vst v42  }
0x1cb: {  	v19 =	vadd.f32 v38, v31;
	v31 =	vld [tilespmem:s16+$0x3400];
	v38 =	vadd.f32 v14, v12;
	v42 =	vmul.f32 v14, v14  }
0x1cc: {  	v22 =	vadd.f32 v29, v22;
	v29 =	vperm.xlane v21, v1;
	v44 =	vld [tilespmem:s16+$0xCA00];
	[tilespmem:s15+$0x9810] =	vst v37;
	v37 =	vadd.f32 v39, v9  }
0x1cd: {  	v20 =	vadd.f32 v41, v20;
	v39 =	vld [tilespmem:s16+$0x3410];
	v32 =	vadd.f32 v38, v32;
	v38 =	vmul.f32 v19, v19  }
0x1ce: {  	v40 =	vadd.f32 v42, v40;
	v29 =	vadd.f32 v29, v21;
	v42 =	vperm.xlane v22, v1;
	v41 =	vld [tilespmem:s16+$0xCA10];
	[tilespmem:s15+$0x97A0] =	vst v37  }
0x1cf: {  	v21 =	vadd.f32 v43, v30;
	v37 =	vld [tilespmem:s16+$0x3420];
	v43 =	vadd.f32 v20, v19;
	v30 =	vmul.f32 v20, v20  }
0x1d0: {  	v36 =	vadd.f32 v40, v36;
	v40 =	vadd.f32 v42, v22;
	v42 =	vperm.xlane v29, v2;
	v45 =	vld [tilespmem:s16+$0xCA20]  }
0x1d1: {  	v22 =	vadd.f32 v44, v31;
	v31 =	vld [tilespmem:s16+$0x3430];
	v38 =	vadd.f32 v30, v38;
	v44 =	vmul.f32 v21, v21  }
0x1d2: {  	v47 =	vperm.xlane v32, v0;
	v29 =	vadd.f32 v42, v29;
	v42 =	vperm.xlane v40, v2;
	v46 =	vld [tilespmem:s16+$0xCA30]  }
0x1d3: {  	v30 =	vadd.f32 v41, v39;
	v39 =	vld [tilespmem:s16+$0x3440];
	v41 =	vadd.f32 v22, v21;
	v48 =	vmul.f32 v22, v22  }
0x1d4: {  	v47 =	vadd.f32 v47, v32;
	v40 =	vadd.f32 v42, v40;
	v42 =	vperm.xlane v29, v3;
	v49 =	vld [tilespmem:s16+$0xCA40]  }
0x1d5: {  	v32 =	vadd.f32 v45, v37;
	v37 =	vadd.f32 v41, v43;
	v41 =	vmul.f32 v30, v30  }
0x1d6: {  	v43 =	vadd.f32 v48, v44;
	v42 =	vadd.f32 v42, v29;
	v44 =	vperm.xlane v40, v3  }
0x1d7: {  	v29 =	vadd.f32 v46, v31;
	v45 =	vadd.f32 v32, v30;
	v46 =	vmul.f32 v32, v32  }
0x1d8: {  	v38 =	vadd.f32 v43, v38;
	v40 =	vadd.f32 v44, v40;
	v42 =	vmul.f32 $1.562500000e-02, v42  }
0x1d9: {  	v31 =	vadd.f32 v49, v39;
	v39 =	vadd.f32 v46, v41;
	v41 =	vmul.f32 v29, v29  }
0x1da: {  	v35 =	vadd.f32 v35, v9;
	v40 =	vmul.f32 $1.562500000e-02, v40;
	v43 =	vmul.f32 v42, v42  }
0x1db: {  	v48 =	vperm.xlane v37, v0;
	v44 =	vadd.f32 v31, v29;
	v46 =	vmul.f32 v31, v31  }
0x1dc: {  	v49 =	vperm.xlane v36, v0;
	v50 =	vperm.xlane v38, v0;
	v40 =	vsub.f32 v40, v43;
	[tilespmem:s15+$0x97E0] =	vst v35  }
0x1dd: {  	v43 =	vperm.xlane v47, v1;
	v35 =	vadd.f32 v44, v45;
	v41 =	vadd.f32 v46, v41  }
0x1de: {  	v37 =	vadd.f32 v48, v37;
	v40 =	vadd.f32 $9.999999740e-06, v40  }
0x1df: {  	v36 =	vadd.f32 v49, v36;
	v39 =	vadd.f32 v41, v39;
	v41 =	vperm.xlane v35, v0  }
0x1e0: {  	v38 =	vadd.f32 v50, v38;
	v44 =	vperm.xlane v37, v1;
	v45 =	vshra.s32 v40, $0x1  }
0x1e1: {  	v45 =	vsub.s32 $0x5F3759DF, v45;
	v35 =	vadd.f32 v41, v35;
	v41 =	vperm.xlane v39, v0  }
0x1e2: {  	v43 =	vadd.f32 v43, v47;
	v40 =	vmul.f32 $5.000000000e-01, v40;
	v46 =	vmul.f32 v45, v45  }
0x1e3: {  	v37 =	vadd.f32 v44, v37;
	v39 =	vadd.f32 v41, v39;
	v41 =	vperm.xlane v35, v1  }
0x1e4: {  	v34 =	vadd.f32 v34, v9;
	v44 =	vperm.xlane v36, v1;
	v40 =	vmul.f32 v46, v40  }
0x1e5: {  	v35 =	vadd.f32 v41, v35;
	v41 =	vperm.xlane v38, v1;
	v46 =	vperm.xlane v39, v1  }
0x1e6: {  	v36 =	vadd.f32 v44, v36;
	v44 =	vperm.xlane v43, v2;
	v40 =	vsub.f32 $1.500000000e+00, v40;
	[tilespmem:s15+$0x9820] =	vst v34  }
0x1e7: {  	v34 =	vadd.f32 v41, v38;
	v38 =	vadd.f32 v46, v39;
	v39 =	vperm.xlane v37, v2  }
0x1e8: {  	v41 =	vadd.f32 v44, v43;
	v43 =	vperm.xlane v35, v2;
	v40 =	vmul.f32 v45, v40  }
0x1e9: {  	v37 =	vadd.f32 v39, v37;
	v39 =	vperm.xlane v36, v2;
	v44 =	vperm.xlane v34, v2  }
0x1ea: {  	v35 =	vadd.f32 v43, v35;
	v42 =	vmul.f32 v40, v42;
	v33 =	vmul.f32 v40, v33  }
0x1eb: {  	v36 =	vadd.f32 v39, v36;
	v34 =	vadd.f32 v44, v34;
	v39 =	vperm.xlane v38, v2  }
0x1ec: {  	v43 =	vperm.xlane v41, v3;
	v44 =	vperm.xlane v37, v3;
	v33 =	vsub.f32 v33, v42  }
0x1ed: {  	v38 =	vadd.f32 v39, v38;
	v39 =	vperm.xlane v35, v3;
	v45 =	vperm.xlane v36, v3  }
0x1ee: {  	v41 =	vadd.f32 v43, v41;
	v37 =	vadd.f32 v44, v37;
	v33 =	vmul.f32 v33, v7  }
0x1ef: {  	v35 =	vadd.f32 v39, v35;
	v39 =	vperm.xlane v34, v3;
	v43 =	vperm.xlane v38, v3  }
0x1f0: {  	v41 =	vmul.f32 $1.562500000e-02, v41;
	v36 =	vadd.f32 v45, v36;
	v33 =	vadd.f32 v33, v11  }
0x1f1: {  	v37 =	vmul.f32 $1.562500000e-02, v37;
	v34 =	vadd.f32 v39, v34;
	v38 =	vadd.f32 v43, v38  }
0x1f2: {  	v26 =	vadd.f32 v26, v10;
	v35 =	vmul.f32 $1.562500000e-02, v35;
	v36 =	vmul.f32 $1.562500000e-02, v36;
	[tilespmem:s16+$0x9880] =	vst v33  }
0x1f3: {  	v27 =	vadd.f32 v27, v10;
	v33 =	vmul.f32 v41, v41;
	v34 =	vmul.f32 $1.562500000e-02, v34  }
0x1f4: {  	v39 =	vmul.f32 v37, v37;
	v38 =	vmul.f32 $1.562500000e-02, v38;
	[tilespmem:s15+$0x97B0] =	vst v26;
	v26 =	vadd.f32 v28, v10  }
0x1f5: {  	v24 =	vmul.f32 v40, v24;
	v28 =	vsub.f32 v36, v33;
	v33 =	vmul.f32 v35, v35;
	[tilespmem:s15+$0x97F0] =	vst v27  }
0x1f6: {  	v23 =	vmul.f32 v40, v23;
	v25 =	vmul.f32 v40, v25;
	v27 =	vsub.f32 v34, v39;
	[tilespmem:s15+$0x9830] =	vst v26  }
0x1f7: {  	v26 =	vadd.f32 $9.999999740e-06, v28;
	v28 =	vsub.f32 v38, v33  }
0x1f8: {  	v24 =	vsub.f32 v24, v42;
	v27 =	vadd.f32 $9.999999740e-06, v27  }
0x1f9: {  	v28 =	vadd.f32 $9.999999740e-06, v28;
	v33 =	vshra.s32 v26, $0x1;
	v26 =	vmul.f32 $5.000000000e-01, v26  }
0x1fa: {  	v33 =	vsub.s32 $0x5F3759DF, v33;
	v34 =	vshra.s32 v27, $0x1;
	v27 =	vmul.f32 $5.000000000e-01, v27  }
0x1fb: {  	v34 =	vsub.s32 $0x5F3759DF, v34;
	v36 =	vshra.s32 v28, $0x1;
	v38 =	vmul.f32 v33, v33  }
0x1fc: {  	v28 =	vmul.f32 $5.000000000e-01, v28;
	v36 =	vsub.s32 $0x5F3759DF, v36;
	v39 =	vmul.f32 v34, v34  }
0x1fd: {  	v23 =	vsub.f32 v23, v42;
	v40 =	vmul.f32 v36, v36;
	v26 =	vmul.f32 v38, v26  }
0x1fe: {  	v25 =	vsub.f32 v25, v42;
	v24 =	vmul.f32 v24, v4;
	v27 =	vmul.f32 v39, v27  }
0x1ff: {  	v23 =	vmul.f32 v23, v5;
	v26 =	vsub.f32 $1.500000000e+00, v26;
	v28 =	vmul.f32 v40, v28  }
0x200: {  	v25 =	vmul.f32 v25, v6;
	v24 =	vadd.f32 v24, v8;
	v27 =	vsub.f32 $1.500000000e+00, v27  }
0x201: {  	v23 =	vadd.f32 v23, v9;
	v38 =	vmul.f32 v33, v26;
	v26 =	vsub.f32 $1.500000000e+00, v28  }
0x202: {  	v17 =	vadd.f32 v17, v11;
	v34 =	vmul.f32 v34, v27;
	[tilespmem:s16+$0x9850] =	vst v24;
	v24 =	vadd.f32 v25, v10  }
0x203: {  	v25 =	vmul.f32 v36, v26;
	v27 =	vmul.f32 v38, v41;
	[tilespmem:s16+$0x9860] =	vst v23;
	v23 =	vadd.f32 v15, v11  }
0x204: {  	s10 =	sshra.s32 s18, $0x2;
	v18 =	vadd.f32 v18, v11;
	v16 =	vmul.f32 v38, v16;
	v33 =	vmul.f32 v34, v37;
	[tilespmem:s16+$0x9870] =	vst v24  }
0x205: {  	v19 =	vmul.f32 v34, v19;
	v28 =	vmul.f32 v25, v35;
	v15 =	vld [tilespmem:s10+$0x3450];
	[tilespmem:s15+$0x97C0] =	vst v17  }
0x206: {  	v26 =	vmul.f32 v38, v13;
	v16 =	vsub.f32 v16, v27;
	v24 =	vmul.f32 v25, v30;
	v17 =	vld [tilespmem:s10+$0xCA50];
	[tilespmem:s15+$0x9800] =	vst v23  }
0x207: {  	v32 =	vmul.f32 v25, v32;
	v30 =	vsub.f32 v19, v33;
	v19 =	vmul.f32 v34, v20;
	v13 =	vld [tilespmem:s10+$0x3460];
	[tilespmem:s15+$0x9840] =	vst v18;
	s15 =	smov.u32 s16;
	s16 =	smov.u32 s10  }
.Ltmp5:
0x208: {  	v36 =	vmul.f32 v34, v21;
	v35 =	vmul.f32 v38, v12;
	v23 =	vsub.f32 v24, v28;
	v20 =	vld [tilespmem:s16+$0xCA60];
	(pc) =	sbr.rel @p1 .LBB2_8-.Ltmp5, $4  }
0x209: {  	v26 =	vsub.f32 v26, v27;
	v37 =	vmul.f32 v25, v29;
	v18 =	vmul.f32 v38, v14;
	v12 =	vld [tilespmem:s16+$0x3470]  }
0x20a: {  	v25 =	vmul.f32 v25, v31;
	v24 =	vsub.f32 v19, v33;
	v19 =	vmul.f32 v34, v22;
	v29 =	vld [tilespmem:s16+$0xCA70]  }
0x20b: {  	v21 =	vmul.f32 v16, v4;
	v31 =	vsub.f32 v35, v27;
	v34 =	vsub.f32 v32, v28;
	v22 =	vld [tilespmem:s16+$0x3480]  }
0x20c: {  	s18 =	sadd.s32 $0x400, s18;
	v16 =	vsub.f32 v37, v28;
	v14 =	vmul.f32 v30, v4;
	v30 =	vsub.f32 v36, v33;
	v32 =	vld [tilespmem:s16+$0xCA80]  }
0x20d: {  	v35 =	vld [tilespmem:s16+$0x3390]  }
0x20e: {  	v36 =	vld [tilespmem:s16+$0xC990];
	v38 =	vadd.f32 v21, v8  }
0x20f: {  	v37 =	vld [tilespmem:s16+$0x33A0];
	v41 =	vsub.f32 v18, v27;
	v21 =	vsub.f32 v19, v33;
	v23 =	vmul.f32 v23, v4  }
0x210: {  	v39 =	vld [tilespmem:s16+$0xC9A0];
	v17 =	vadd.f32 v17, v15;
	v18 =	vadd.f32 v20, v13;
	v20 =	vmul.f32 v26, v5  }
0x211: {  	v40 =	vld [tilespmem:s16+$0x33B0];
	v34 =	vmul.f32 v34, v5;
	v27 =	vmul.f32 v30, v6;
	v53 =	vadd.f32 v14, v8;
	[tilespmem:s15+$0x9790] =	vst v38  }
0x212: {  	v26 =	vmul.f32 v16, v6;
	v19 =	vadd.f32 v29, v12;
	v38 =	vmul.f32 v24, v5;
	v59 =	vld [tilespmem:s16+$0xC9B0]  }
0x213: {  	v24 =	vsub.f32 v25, v28;
	v62 =	vadd.f32 v18, v17;
	v47 =	vmul.f32 v17, v17;
	v60 =	vld [tilespmem:s16+$0x33C0]  }
0x214: {  	v42 =	vmul.f32 v18, v18;
	v58 =	vadd.f32 v23, v8;
	v34 =	vadd.f32 v34, v9;
	v61 =	vld [tilespmem:s16+$0xC9C0]  }
0x215: {  	v63 =	vld [tilespmem:s16+$0x33D0];
	v27 =	vadd.f32 v27, v10;
	v26 =	vadd.f32 v26, v10  }
0x216: {  	v25 =	vmul.f32 v31, v6;
	v48 =	vld [tilespmem:s16+$0xC9D0];
	v32 =	vadd.f32 v32, v22;
	v50 =	vadd.f32 v42, v47  }
0x217: {  	v21 =	vmul.f32 v21, v7;
	v54 =	vld [tilespmem:s16+$0x33F0];
	v38 =	vadd.f32 v38, v9;
	v13 =	vadd.f32 v36, v35  }
0x218: {  	v44 =	vld [tilespmem:s16+$0xC9F0];
	v49 =	vmul.f32 v19, v19;
	v12 =	vadd.f32 v39, v37;
	v29 =	vadd.f32 v32, v19  }
0x219: {  	v25 =	vadd.f32 v25, v10;
	v21 =	vadd.f32 v21, v11;
	v43 =	vmul.f32 v32, v32  }
0x21a: {  	v51 =	vld [tilespmem:s16+$0xC9E0];
	v52 =	vmul.f32 v13, v13;
	v55 =	vadd.f32 v12, v13;
	v28 =	vadd.f32 v29, v62  }
0x21b: {  	v37 =	vld [tilespmem:s16+$0x33E0];
	v56 =	vmul.f32 v12, v12;
	v36 =	vadd.f32 v43, v49;
	v15 =	vadd.f32 v59, v40  }
0x21c: {  	[tilespmem:s15+$0x97D0] =	vst v53;
	v14 =	vadd.f32 v61, v60;
	v16 =	vadd.f32 v48, v63  }
0x21d: {  	v59 =	vld [tilespmem:s16+$0x3400];
	v22 =	vadd.f32 v44, v54;
	v33 =	vadd.f32 v56, v52  }
0x21e: {  	v62 =	vld [tilespmem:s16+$0xCA00];
	v29 =	vadd.f32 v36, v50;
	v57 =	vperm.xlane v28, v0;
	v60 =	vmul.f32 v15, v15  }
0x21f: {  	[tilespmem:s15+$0x9810] =	vst v58;
	v63 =	vadd.f32 v14, v15;
	v48 =	vmul.f32 v14, v14;
	v50 =	vadd.f32 v20, v9  }
0x220: {  	v45 =	vld [tilespmem:s16+$0x3410];
	v20 =	vadd.f32 v51, v37;
	v51 =	vmul.f32 v16, v16;
	v28 =	vadd.f32 v57, v28  }
0x221: {  	v52 =	vld [tilespmem:s16+$0xCA10];
	v61 =	vperm.xlane v29, v0;
	v30 =	vadd.f32 v63, v55;
	v35 =	vadd.f32 v48, v60;
	[tilespmem:s15+$0x97A0] =	vst v50  }
0x222: {  	v54 =	vadd.f32 v20, v16;
	v55 =	vmul.f32 v20, v20;
	v60 =	vmul.f32 v22, v22;
	v36 =	vld [tilespmem:s16+$0x3420]  }
0x223: {  	v56 =	vld [tilespmem:s16+$0xCA20];
	v23 =	vadd.f32 v62, v59;
	v29 =	vadd.f32 v61, v29;
	v49 =	vperm.xlane v28, v1  }
0x224: {  	v59 =	vld [tilespmem:s16+$0x3430];
	v35 =	vadd.f32 v35, v33;
	v42 =	vadd.f32 v55, v51;
	v46 =	vperm.xlane v30, v0  }
0x225: {  	v61 =	vld [tilespmem:s16+$0xCA30];
	v48 =	vmul.f32 v23, v23;
	v28 =	vadd.f32 v49, v28;
	v53 =	vperm.xlane v29, v1  }
0x226: {  	v63 =	vadd.f32 v23, v22;
	v46 =	vadd.f32 v46, v30  }
0x227: {  	v48 =	vadd.f32 v48, v60;
	v57 =	vadd.f32 v53, v29;
	v58 =	vperm.xlane v28, v2  }
0x228: {  	v33 =	vmul.f32 v41, v7;
	v29 =	vadd.f32 v52, v45;
	v30 =	vadd.f32 v56, v36  }
0x229: {  	v36 =	vadd.f32 v63, v54;
	v28 =	vadd.f32 v58, v28;
	v47 =	vperm.xlane v57, v2  }
0x22a: {  	v62 =	vld [tilespmem:s16+$0x3440];
	v63 =	vperm.xlane v46, v1;
	v31 =	vadd.f32 v61, v59;
	v40 =	vadd.f32 v48, v42  }
0x22b: {  	v49 =	vld [tilespmem:s16+$0xCA40];
	v61 =	vperm.xlane v35, v0;
	v47 =	vadd.f32 v47, v57;
	v50 =	vperm.xlane v28, v3  }
0x22c: {  	v52 =	vmul.f32 v29, v29;
	v53 =	vadd.f32 v30, v29;
	v60 =	vperm.xlane v36, v0  }
0x22d: {  	v54 =	vmul.f32 v30, v30;
	v28 =	vadd.f32 v50, v28;
	v51 =	vperm.xlane v47, v3  }
0x22e: {  	v44 =	vadd.f32 v63, v46;
	v55 =	vmul.f32 v31, v31;
	v36 =	vadd.f32 v60, v36  }
0x22f: {  	v35 =	vadd.f32 v61, v35;
	v41 =	vadd.f32 v51, v47;
	v45 =	vmul.f32 $1.562500000e-02, v28  }
0x230: {  	v50 =	vperm.xlane v36, v1;
	v28 =	vadd.f32 v49, v62;
	v62 =	vperm.xlane v40, v0  }
0x231: {  	v56 =	vadd.f32 v54, v52;
	v41 =	vmul.f32 $1.562500000e-02, v41;
	v57 =	vmul.f32 v45, v45  }
0x232: {  	v36 =	vadd.f32 v50, v36;
	v58 =	vadd.f32 v28, v31;
	v59 =	vmul.f32 v28, v28  }
0x233: {  	v24 =	vmul.f32 v24, v7;
	v40 =	vadd.f32 v62, v40;
	v41 =	vsub.f32 v41, v57  }
0x234: {  	v39 =	vadd.f32 v58, v53;
	v37 =	vadd.f32 v59, v55;
	v55 =	vperm.xlane v35, v1  }
0x235: {  	v58 =	vperm.xlane v44, v2;
	v59 =	vperm.xlane v36, v2;
	v41 =	vadd.f32 $9.999999740e-06, v41  }
0x236: {  	v37 =	vadd.f32 v37, v56;
	v48 =	vperm.xlane v39, v0;
	v35 =	vadd.f32 v55, v35  }
0x237: {  	v56 =	vperm.xlane v40, v1;
	v43 =	vadd.f32 v58, v44;
	v36 =	vadd.f32 v59, v36  }
0x238: {  	v51 =	vshra.s32 v41, $0x1;
	v39 =	vadd.f32 v48, v39;
	v52 =	vperm.xlane v37, v0  }
0x239: {  	v41 =	vmul.f32 $5.000000000e-01, v41;
	v40 =	vadd.f32 v56, v40;
	v61 =	vperm.xlane v35, v2  }
0x23a: {  	v48 =	vperm.xlane v43, v3;
	v49 =	vperm.xlane v36, v3;
	v47 =	vsub.s32 $0x5F3759DF, v51  }
0x23b: {  	v53 =	vmul.f32 v47, v47;
	v37 =	vadd.f32 v52, v37;
	v54 =	vperm.xlane v39, v1  }
0x23c: {  	v62 =	vperm.xlane v40, v2;
	v35 =	vadd.f32 v61, v35;
	v43 =	vadd.f32 v48, v43  }
0x23d: {  	v36 =	vadd.f32 v49, v36;
	v41 =	vmul.f32 v53, v41;
	v39 =	vadd.f32 v54, v39  }
0x23e: {  	v57 =	vperm.xlane v37, v1;
	v40 =	vadd.f32 v62, v40;
	v51 =	vperm.xlane v35, v3  }
0x23f: {  	v43 =	vmul.f32 $1.562500000e-02, v43;
	v36 =	vmul.f32 $1.562500000e-02, v36;
	v41 =	vsub.f32 $1.500000000e+00, v41  }
0x240: {  	v37 =	vadd.f32 v57, v37;
	v60 =	vperm.xlane v39, v2;
	v52 =	vperm.xlane v40, v3  }
0x241: {  	v35 =	vadd.f32 v51, v35;
	v54 =	vmul.f32 v43, v43;
	v41 =	vmul.f32 v47, v41  }
0x242: {  	v55 =	vmul.f32 v36, v36;
	v39 =	vadd.f32 v60, v39;
	v63 =	vperm.xlane v37, v2  }
0x243: {  	v40 =	vadd.f32 v52, v40;
	v35 =	vmul.f32 $1.562500000e-02, v35;
	v44 =	vmul.f32 v41, v45  }
0x244: {  	v32 =	vmul.f32 v41, v32;
	v37 =	vadd.f32 v63, v37;
	v50 =	vperm.xlane v39, v3  }
0x245: {  	v40 =	vmul.f32 $1.562500000e-02, v40;
	v35 =	vsub.f32 v35, v54;
	v17 =	vmul.f32 v41, v17  }
0x246: {  	v18 =	vmul.f32 v41, v18;
	v39 =	vadd.f32 v50, v39;
	v53 =	vperm.xlane v37, v3  }
0x247: {  	v19 =	vmul.f32 v41, v19;
	v40 =	vsub.f32 v40, v55;
	v35 =	vadd.f32 $9.999999740e-06, v35  }
0x248: {  	v32 =	vsub.f32 v32, v44;
	v39 =	vmul.f32 $1.562500000e-02, v39;
	v37 =	vadd.f32 v53, v37  }
0x249: {  	v17 =	vsub.f32 v17, v44;
	v40 =	vadd.f32 $9.999999740e-06, v40;
	v57 =	vshra.s32 v35, $0x1  }
0x24a: {  	v41 =	vsub.s32 $0x5F3759DF, v57;
	v37 =	vmul.f32 $1.562500000e-02, v37;
	v56 =	vmul.f32 v39, v39  }
0x24b: {  	v35 =	vmul.f32 $5.000000000e-01, v35;
	v58 =	vshra.s32 v40, $0x1;
	v60 =	vmul.f32 v41, v41  }
0x24c: {  	v40 =	vmul.f32 $5.000000000e-01, v40;
	v42 =	vsub.s32 $0x5F3759DF, v58;
	v37 =	vsub.f32 v37, v56  }
0x24d: {  	v18 =	vsub.f32 v18, v44;
	v61 =	vmul.f32 v42, v42;
	v35 =	vmul.f32 v60, v35  }
0x24e: {  	v19 =	vsub.f32 v19, v44;
	v32 =	vmul.f32 v32, v7;
	v37 =	vadd.f32 $9.999999740e-06, v37  }
0x24f: {  	v17 =	vmul.f32 v17, v4;
	v40 =	vmul.f32 v61, v40;
	v35 =	vsub.f32 $1.500000000e+00, v35  }
0x250: {  	v18 =	vmul.f32 v18, v5;
	v19 =	vmul.f32 v19, v6;
	v59 =	vshra.s32 v37, $0x1  }
0x251: {  	v40 =	vsub.f32 $1.500000000e+00, v40;
	v35 =	vmul.f32 v41, v35;
	v45 =	vsub.s32 $0x5F3759DF, v59  }
0x252: {  	v24 =	vadd.f32 v24, v11;
	v37 =	vmul.f32 $5.000000000e-01, v37;
	v62 =	vmul.f32 v45, v45  }
0x253: {  	[tilespmem:s15+$0x97E0] =	vst v38;
	v32 =	vadd.f32 v32, v11;
	v63 =	vmul.f32 v42, v40;
	v42 =	vmul.f32 v35, v43  }
0x254: {  	[tilespmem:s15+$0x9820] =	vst v34;
	v17 =	vadd.f32 v17, v8;
	v13 =	vmul.f32 v35, v13;
	v12 =	vmul.f32 v35, v12  }
0x255: {  	v18 =	vadd.f32 v18, v9;
	[tilespmem:s16+$0x9880] =	vst v32;
	v15 =	vmul.f32 v35, v15;
	v14 =	vmul.f32 v35, v14  }
0x256: {  	v19 =	vadd.f32 v19, v10;
	[tilespmem:s15+$0x97B0] =	vst v25;
	v37 =	vmul.f32 v62, v37;
	v36 =	vmul.f32 v63, v36  }
0x257: {  	[tilespmem:s15+$0x97F0] =	vst v27;
	v16 =	vmul.f32 v63, v16;
	v13 =	vsub.f32 v13, v42;
	v20 =	vmul.f32 v63, v20  }
0x258: {  	[tilespmem:s15+$0x9830] =	vst v26;
	v22 =	vmul.f32 v63, v22;
	v12 =	vsub.f32 v12, v42;
	v15 =	vsub.f32 v15, v42  }
0x259: {  	[tilespmem:s16+$0x9850] =	vst v17;
	v49 =	vmul.f32 v63, v23;
	v14 =	vsub.f32 v14, v42;
	v37 =	vsub.f32 $1.500000000e+00, v37  }
0x25a: {  	[tilespmem:s16+$0x9860] =	vst v18;
	v16 =	vsub.f32 v16, v36;
	v13 =	vmul.f32 v13, v4;
	v12 =	vmul.f32 v12, v5  }
0x25b: {  	[tilespmem:s16+$0x9870] =	vst v19;
	v41 =	vadd.f32 v33, v11;
	v15 =	vmul.f32 v15, v6;
	v40 =	vmul.f32 v45, v37  }
0x25c: {  	[tilespmem:s15+$0x9800] =	vst v21;
	v48 =	vsub.f32 v20, v36;
	v14 =	vmul.f32 v14, v7;
	v16 =	vmul.f32 v16, v4  }
0x25d: {  	[tilespmem:s15+$0x9840] =	vst v24;
	v13 =	vadd.f32 v13, v8;
	v43 =	vmul.f32 v40, v39;
	v44 =	vmul.f32 v40, v29  }
0x25e: {  	[tilespmem:s15+$0x97C0] =	vst v41;
	v19 =	vmul.f32 v48, v5;
	v12 =	vadd.f32 v12, v9;
	v45 =	vmul.f32 v40, v30  }
0x25f: {  	v57 =	vadd.f32 v15, v10;
	v47 =	vmul.f32 v40, v31;
	[tilespmem:s16+$0x9790] =	vst v13;
	v46 =	vsub.f32 v44, v43  }
0x260: {  	v61 =	vadd.f32 v14, v11;
	v50 =	vmul.f32 v40, v28;
	[tilespmem:s16+$0x97A0] =	vst v12;
	v17 =	vsub.f32 v45, v43  }
0x261: {  	v16 =	vadd.f32 v16, v8;
	[tilespmem:s16+$0x97B0] =	vst v57;
	v53 =	vsub.f32 v47, v43;
	v18 =	vmul.f32 v46, v4  }
0x262: {  	v54 =	vadd.f32 v19, v9;
	[tilespmem:s16+$0x97C0] =	vst v61;
	v58 =	vsub.f32 v50, v43;
	v17 =	vmul.f32 v17, v5  }
0x263: {  	v52 =	vsub.f32 v22, v36;
	[tilespmem:s16+$0x97D0] =	vst v16;
	v16 =	vmul.f32 v53, v6;
	v51 =	vadd.f32 v18, v8  }
0x264: {  	v56 =	vsub.f32 v49, v36;
	[tilespmem:s16+$0x97E0] =	vst v54;
	v15 =	vmul.f32 v58, v7;
	v55 =	vadd.f32 v17, v9  }
0x265: {  	v18 =	vmul.f32 v52, v6;
	v60 =	vadd.f32 v16, v10;
	[tilespmem:s16+$0x9810] =	vst v51  }
0x266: {  	s10 =	smul.u32 $0x6400, s13;
	v17 =	vmul.f32 v56, v7;
	v63 =	vadd.f32 v15, v11;
	[tilespmem:s16+$0x9820] =	vst v55  }
.Ltmp6:
0x267: {  	v59 =	vadd.f32 v18, v10;
	[tilespmem:s16+$0x9830] =	vst v60;
	(pc) =	sbr.rel @p0 .LBB2_11-.Ltmp6, $4  }
0x268: {  	s10 =	sshrl.u32 s10, $0x3;
	v62 =	vadd.f32 v17, v11;
	[tilespmem:s16+$0x9840] =	vst v63  }
0x269: {  	s10 =	sadd.s32 s4, s10;
	[tilespmem:s16+$0x97F0] =	vst v59  }
0x26a: {  	s10 =	sadd.s32 $0xC80, s10;
	[tilespmem:s16+$0x9800] =	vst v62  }
0x26b: {  	[hbm4b:s10+s26] =	stream.strided.scatter [tilespmem:s30], [sflag:$0x4], $0x3200, s28, s26, $0x38;
	[tilespmem:$0xFC10] =	vst v63  }
0x26c: {  	_ =	swait.ge [sflag:s0], $0xC8  }
.Ltmp7:
0x26d: {  	[sflag:s0] =	ssyncset.done $0x0;
	(pc) =	sbr.rel .LBB2_2-.Ltmp7, $4  }
0x26e: {  	[sflag:s0] =	ssyncadd.s32 $0xFFFFFF38  }
0x26f: {  	[tilespmem:s22], [sflag:$0x2] =	stream.indirect.gather [hbm4b:s8+s17], $0x40, s21, s17, $0xb8;
	[tilespmem:$0xFC10] =	vst v63  }
0x270: {  	s2 =	sadd.s32 $0x1, s2  }
0x271: {  	[tilespmem:s24], [sflag:$0x2] =	stream.indirect.gather [hbm4b:s8+s19], $0x40, s23, s19, $0xb8;
	[tilespmem:$0xFC10] =	vst v63  }
.LBB2_12:
0x272: {  	_ =	sfence.sel $0x180000  }
0x273: {  	[bflag:$0x0] =	sbarrier.arrive $0xFFFF  }
0x274: {  	_ =	strace $0x90000047  }
0x275: {  	s0 =	stileid.u32;
	[bflag:$0x2] =	sbarrier.arrive $0xFFFF  }
0x276: {  	p0 =	sne.s32 s0, $0x0;
	s0 =	rddreg [dreg:$0x4]  }
0x277: {  	s0 =	sadd.s32 @!p0 $0x100000, s0  }
0x278: {  	[sflag:s0] =	ssyncadd.tile.s32 @!p0 $0x1;
	_ =	shalt  }
.Lfunc_end2:
_tile_overlayer_lowered:
.L_overlay_start_2:
0x279: {  	(tag) =	ssettag $0x2  }
0x27a: {  	s0 =	rddreg [dreg:$0x0];
	s2 =	stileid.u32  }
0x27b: {  	s1 =	rddreg [dreg:$0x1];
	p0 =	sne.s32 s2, $0x0  }
0x27c: {  	s3 =	rddreg [dreg:$0x2];
	[bflag:$0x3] =	sbarrier.arrive $0xFFFF;
	s2 =	simm.s32 @!p0 $0x1C07  }
0x27d: {  	[timem:s3], [sflag:s2] =	dma.local @!p0 [hbm:s0], s1  }
0x27e: {  	s0 =	simm.s32 @!p0 $0x7  }
0x27f: {  	_ =	swait.ge @!p0 [sflag:s0], s1  }
0x280: {  	s1 =	ssub.s32 @!p0 $0x0, s1;
	[sflag:s0] =	ssyncset.done @!p0 $0x0  }
0x281: {  	[sflag:s0] =	ssyncadd.s32 @!p0 s1  }
0x282: {  	[bflag:$0x3] =	sbarrier.arrive $0xFFFF  }
0x283: {  	_ =	shalt  }

</sc_bundles>
